<compile_context>
chip_gen: v7x
topology: tpu7x:2x2x1
jax: 0.10.2.dev20260603
libtpu: 0.0.44.dev20260713+nightly
codegen_flags: <defaults>
</compile_context>

<pallas_src>
import functools

import jax
import jax.numpy as jnp
from jax import lax
from jax.experimental import pallas as pl
from jax.experimental.pallas import tpu as pltpu
from jax.experimental.pallas import tpu_sc as plsc

N, C = 512, 256
NUM_CORES = 2
NUM_SUBCORES = 16
NW = NUM_CORES * NUM_SUBCORES
RPW = N // NW
L = 16
NCHUNK = C // L
CPI = 16

_LN2 = 0.6931471805599453
_LOG_COEF = (
    0.9999974966049194,
    -0.4999113082885742,
    0.3336314857006073,
    -0.2553149163722992,
    0.202413871884346,
    -0.10462728142738342,
)


def _softlog_biased(x):
    bits = plsc.bitcast(x, jnp.int32)
    eb = (bits + 0x00400000) >> 23
    scale = plsc.bitcast((254 - eb) << 23, jnp.float32)
    t = x * scale - 1.0
    p = jnp.full_like(t, _LOG_COEF[-1])
    for coef in _LOG_COEF[-2::-1]:
        p = p * t + coef
    return eb.astype(jnp.float32) * _LN2 + t * p


def _tree(vals, op):
    vals = list(vals)
    while len(vals) > 1:
        nxt = [op(vals[k], vals[k + 1]) for k in range(0, len(vals) - 1, 2)]
        if len(vals) % 2:
            nxt.append(vals[-1])
        vals = nxt
    return vals[0]


def _bfly_multi(vs, ops):
    for k in (8, 4, 2, 1):
        idx = lax.iota(jnp.int32, L) ^ k
        perms = [jnp.take_along_axis(v, idx, axis=0) for v in vs]
        vs = [op(v, pv) for v, pv, op in zip(vs, perms, ops)]
    return vs


def _sc_partials(student, teacher, target):
    mesh = plsc.VectorSubcoreMesh(core_axis_name="c", subcore_axis_name="s")

    @functools.partial(
        pl.kernel,
        out_type=jax.ShapeDtypeStruct((NW, L), jnp.float32),
        mesh=mesh,
        compiler_params=pltpu.CompilerParams(needs_layout_passes=False),
        scratch_types=[
            pltpu.VMEM((RPW, C), jnp.float32),
            pltpu.VMEM((RPW, C), jnp.float32),
            pltpu.VMEM((RPW, C), jnp.float32),
            pltpu.VMEM((C,), jnp.float32),
            pltpu.VMEM((C,), jnp.float32),
            pltpu.VMEM((C,), jnp.float32),
            pltpu.VMEM((L,), jnp.float32),
            pltpu.SemaphoreType.DMA,
        ],
    )
    def body(s_hbm, t_hbm, g_hbm, out_hbm, s_v, t_v, g_v, es_v, et_v, d_v,
             acc_v, sem):
        wid = lax.axis_index("s") * NUM_CORES + lax.axis_index("c")
        base = wid * RPW
        c1 = pltpu.async_copy(s_hbm.at[pl.ds(base, RPW)], s_v, sem)
        c2 = pltpu.async_copy(t_hbm.at[pl.ds(base, RPW)], t_v, sem)
        c3 = pltpu.async_copy(g_hbm.at[pl.ds(base, RPW)], g_v, sem)
        c1.wait()
        c2.wait()
        c3.wait()

        J = range(CPI)

        def row_body(i, acc):
            ms = [s_v[i, pl.ds(j * L, L)] for j in J]
            mt = [t_v[i, pl.ds(j * L, L)] for j in J]
            for jj in range(CPI, NCHUNK, CPI):
                svs = [s_v[i, pl.ds((jj + j) * L, L)] for j in J]
                tvs = [t_v[i, pl.ds((jj + j) * L, L)] for j in J]
                ms = [jnp.maximum(a, b) for a, b in zip(ms, svs)]
                mt = [jnp.maximum(a, b) for a, b in zip(mt, tvs)]
            M_s, M_t = _bfly_multi(
                [_tree(ms, jnp.maximum), _tree(mt, jnp.maximum)],
                [jnp.maximum, jnp.maximum],
            )

            zero = jnp.zeros((L,), jnp.float32)
            Es, Et, Av = zero, zero, zero
            for jj in range(0, NCHUNK, CPI):
                sls = [pl.ds((jj + j) * L, L) for j in J]
                svs = [s_v[i, sl] for sl in sls]
                tvs = [t_v[i, sl] for sl in sls]
                gvs = [g_v[i, sl] for sl in sls]
                xs = [sv - M_s for sv in svs]
                xt = [tv - M_t for tv in tvs]
                ess = [jnp.exp(x) for x in xs]
                ets = [jnp.exp(x) for x in xt]
                ds = [tv - sv for sv, tv in zip(svs, tvs)]
                gms = [1.0 - gv for gv in gvs]
                for j in J:
                    es_v[sls[j]] = ess[j]
                    et_v[sls[j]] = ets[j]
                    d_v[sls[j]] = ds[j]
                etgs = [et * gm for et, gm in zip(ets, gms)]
                for j in J:
                    Es = Es + ess[j] * gms[j]
                    Et = Et + etgs[j]
                    Av = Av + etgs[j] * ds[j]
            Es, Et, A = _bfly_multi([Es, Et, Av], [jnp.add] * 3)
            Kv = (M_s - M_t) - jnp.float32(127.0 * _LN2)

            kacc = zero
            for jj in range(0, NCHUNK, CPI):
                sls = [pl.ds((jj + j) * L, L) for j in J]
                ess = [es_v[sl] for sl in sls]
                ets = [et_v[sl] for sl in sls]
                ds = [d_v[sl] for sl in sls]
                zss = [Es + es for es in ess]
                zts = [Et + et for et in ets]
                nums = [A + et * d for et, d in zip(ets, ds)]
                rzts = [1.0 / zt for zt in zts]
                largs = [zs * rzt for zs, rzt in zip(zss, rzts)]
                logs = [_softlog_biased(la) for la in largs]
                for j in J:
                    kl = nums[j] * rzts[j] + logs[j] + Kv
                    kacc = kacc + kl * g_v[i, sls[j]]
            return acc + kacc

        acc = lax.fori_loop(0, RPW, row_body, jnp.zeros((L,), jnp.float32))
        acc_v[...] = acc * jnp.float32(1.0 / N)
        pltpu.sync_copy(acc_v, out_hbm.at[wid])

    return body(student, teacher, target)


def kernel(student, teacher, target):
    partials = _sc_partials(student, teacher, target)
    return jnp.sum(partials)

# --- scband reference (transcript-rebuilt; emitter-appended) ---
"""Pipeline reference for scband-partial-softmax-distiller-6141803233758 (READ-ONLY COPY).

The authoritative reference and input builder live on the scoring server;
editing this copy changes nothing except your own understanding.
"""

import jax, jax.numpy as jnp
import numpy as np


def setup_inputs(seed: int = 0) -> dict:
    key = jax.random.key(seed)
    k1, k2, k3 = jax.random.split(key, 3)
    N, C = 512, 256
    student = jax.random.normal(k1, (N, C), dtype=jnp.float32)
    teacher = jax.random.normal(k2, (N, C), dtype=jnp.float32)
    target = jax.random.randint(k3, (N, C), 0, 2).astype(jnp.float32)
    return {"student": student, "teacher": teacher, "target": target}


def reference(student, teacher, target):
    # target is a 0/1 label matrix; masked_select sizes are handled with
    # fixed-shape padded gathers (faithful to the torch per-row loop).
    N, C = target.shape
    neg_inf = jnp.float32(-jnp.inf)
    idx = jnp.arange(C)

    def row_loss(s_row, t_row, tgt_row):
        pos_mask = tgt_row == 1
        neg_mask = tgt_row == 0
        n_pos = jnp.sum(pos_mask.astype(jnp.int32))
        n_neg = jnp.sum(neg_mask.astype(jnp.int32))
        neg_order = jnp.argsort(jnp.logical_not(neg_mask), stable=True)
        pos_order = jnp.argsort(jnp.logical_not(pos_mask), stable=True)
        neg_valid = idx < n_neg
        pos_valid = idx < n_pos
        neg_s = jnp.where(neg_valid, s_row[neg_order], neg_inf)
        pos_s = jnp.where(pos_valid, s_row[pos_order], neg_inf)
        neg_t = jnp.where(neg_valid, t_row[neg_order], neg_inf)
        pos_t = jnp.where(pos_valid, t_row[pos_order], neg_inf)
        # z = [neg repeated (padded) | one positive per row]
        z_s = jnp.concatenate([jnp.tile(neg_s[None, :], (C, 1)), pos_s[:, None]], axis=1)
        z_t = jnp.concatenate([jnp.tile(neg_t[None, :], (C, 1)), pos_t[:, None]], axis=1)
        log_p_s = jax.nn.log_softmax(z_s, axis=1)  # log(softmax(z_s))
        p_t = jax.nn.softmax(z_t, axis=1)
        entry_valid = jnp.concatenate(
            [jnp.tile(neg_valid[None, :], (C, 1)), jnp.ones((C, 1), dtype=bool)], axis=1
        ) & pos_valid[:, None]
        # KLDivLoss(reduction='sum'): sum p_t * (log p_t - log p_s)
        contrib = jnp.where(entry_valid, p_t * (jnp.log(p_t) - log_p_s), jnp.float32(0.0))
        return jnp.sum(contrib)

    def body(i, loss):
        return loss + row_loss(student[i], teacher[i], target[i])

    loss = jax.lax.fori_loop(0, N, body, jnp.float32(0.0))
    return loss / N

if __name__ == "__main__":
    import jax
    _d = setup_inputs()
    print(jax.jit(kernel)(*tuple(_d.values())))

</pallas_src>

<mosaic_0001>
#map = affine_map<(d0, d1) -> (0, 0)>
module attributes {stable_mosaic.version = 14 : i64} {
  func.func @body(%arg0: i32, %arg1: i32, %arg2: memref<512x256xf32, #tpu.memory_space<hbm>>, %arg3: memref<512x256xf32, #tpu.memory_space<hbm>>, %arg4: memref<512x256xf32, #tpu.memory_space<hbm>>, %arg5: memref<32x16xf32, #tpu.memory_space<hbm>>, %arg6: memref<16x256xf32, #tpu.memory_space<vmem>>, %arg7: memref<16x256xf32, #tpu.memory_space<vmem>>, %arg8: memref<16x256xf32, #tpu.memory_space<vmem>>, %arg9: memref<256xf32, #tpu.memory_space<vmem>>, %arg10: memref<256xf32, #tpu.memory_space<vmem>>, %arg11: memref<256xf32, #tpu.memory_space<vmem>>, %arg12: memref<16xf32, #tpu.memory_space<vmem>>, %arg13: memref<!tpu.dma_semaphore, #tpu.memory_space<semaphore_mem>>) attributes {dimension_semantics = [#tpu.dimension_semantics<core_parallel>, #tpu.dimension_semantics<subcore_parallel>], iteration_bounds = array<i64: 2, 16>, scalar_prefetch = 0 : i64, scratch_operands = 8 : i64, tpu.core_type = #tpu.core_type<sc_vector_subcore>, window_params = [{transform_indices = #map}, {transform_indices = #map}, {transform_indices = #map}, {transform_indices = #map}]} {
    %mul3A = arith.constant 2 : i32
    %mul3A_0 = arith.muli %arg1, %mul3A : i32
    %add3A = arith.addi %mul3A_0, %arg0 : i32
    %mul3A_1 = arith.constant 16 : i32
    %mul3A_2 = arith.muli %add3A, %mul3A_1 : i32
    %dma_start3A = arith.constant 0 : i32
    %dma_start3A_3 = tpu.memref_slice %arg2[%mul3A_2, %dma_start3A] : memref<512x256xf32, #tpu.memory_space<hbm>> -> memref<16x256xf32, #tpu.memory_space<hbm>>
    %dma_start3A_4 = arith.constant 0 : i32
    %dma_start3A_5 = tpu.memref_slice %arg2[%mul3A_2, %dma_start3A_4] : memref<512x256xf32, #tpu.memory_space<hbm>> -> memref<16x256xf32, #tpu.memory_space<hbm>>
    tpu.enqueue_dma source(%dma_start3A_5 : memref<16x256xf32, #tpu.memory_space<hbm>>) target(%arg6 : memref<16x256xf32, #tpu.memory_space<vmem>>) target_semaphore(%arg13 : memref<!tpu.dma_semaphore, #tpu.memory_space<semaphore_mem>>)
    %dma_start3A_6 = arith.constant 0 : i32
    %dma_start3A_7 = tpu.memref_slice %arg3[%mul3A_2, %dma_start3A_6] : memref<512x256xf32, #tpu.memory_space<hbm>> -> memref<16x256xf32, #tpu.memory_space<hbm>>
    %dma_start3A_8 = arith.constant 0 : i32
    %dma_start3A_9 = tpu.memref_slice %arg3[%mul3A_2, %dma_start3A_8] : memref<512x256xf32, #tpu.memory_space<hbm>> -> memref<16x256xf32, #tpu.memory_space<hbm>>
    tpu.enqueue_dma source(%dma_start3A_9 : memref<16x256xf32, #tpu.memory_space<hbm>>) target(%arg7 : memref<16x256xf32, #tpu.memory_space<vmem>>) target_semaphore(%arg13 : memref<!tpu.dma_semaphore, #tpu.memory_space<semaphore_mem>>)
    %dma_start3A_10 = arith.constant 0 : i32
    %dma_start3A_11 = tpu.memref_slice %arg4[%mul3A_2, %dma_start3A_10] : memref<512x256xf32, #tpu.memory_space<hbm>> -> memref<16x256xf32, #tpu.memory_space<hbm>>
    %dma_start3A_12 = arith.constant 0 : i32
    %dma_start3A_13 = tpu.memref_slice %arg4[%mul3A_2, %dma_start3A_12] : memref<512x256xf32, #tpu.memory_space<hbm>> -> memref<16x256xf32, #tpu.memory_space<hbm>>
    tpu.enqueue_dma source(%dma_start3A_13 : memref<16x256xf32, #tpu.memory_space<hbm>>) target(%arg8 : memref<16x256xf32, #tpu.memory_space<vmem>>) target_semaphore(%arg13 : memref<!tpu.dma_semaphore, #tpu.memory_space<semaphore_mem>>)
    %dma_wait3A = arith.constant 0 : i32
    %dma_wait3A_14 = tpu.memref_slice %arg2[%mul3A_2, %dma_wait3A] : memref<512x256xf32, #tpu.memory_space<hbm>> -> memref<16x256xf32, #tpu.memory_space<hbm>>
    %dma_wait3A_15 = arith.constant 0 : i32
    %dma_wait3A_16 = tpu.memref_slice %arg2[%mul3A_2, %dma_wait3A_15] : memref<512x256xf32, #tpu.memory_space<hbm>> -> memref<16x256xf32, #tpu.memory_space<hbm>>
    tpu.wait_dma2 semaphore(%arg13 : memref<!tpu.dma_semaphore, #tpu.memory_space<semaphore_mem>>) src(%dma_wait3A_16 : memref<16x256xf32, #tpu.memory_space<hbm>>) dst(%arg6 : memref<16x256xf32, #tpu.memory_space<vmem>>)
    %dma_wait3A_17 = arith.constant 0 : i32
    %dma_wait3A_18 = tpu.memref_slice %arg3[%mul3A_2, %dma_wait3A_17] : memref<512x256xf32, #tpu.memory_space<hbm>> -> memref<16x256xf32, #tpu.memory_space<hbm>>
    %dma_wait3A_19 = arith.constant 0 : i32
    %dma_wait3A_20 = tpu.memref_slice %arg3[%mul3A_2, %dma_wait3A_19] : memref<512x256xf32, #tpu.memory_space<hbm>> -> memref<16x256xf32, #tpu.memory_space<hbm>>
    tpu.wait_dma2 semaphore(%arg13 : memref<!tpu.dma_semaphore, #tpu.memory_space<semaphore_mem>>) src(%dma_wait3A_20 : memref<16x256xf32, #tpu.memory_space<hbm>>) dst(%arg7 : memref<16x256xf32, #tpu.memory_space<vmem>>)
    %dma_wait3A_21 = arith.constant 0 : i32
    %dma_wait3A_22 = tpu.memref_slice %arg4[%mul3A_2, %dma_wait3A_21] : memref<512x256xf32, #tpu.memory_space<hbm>> -> memref<16x256xf32, #tpu.memory_space<hbm>>
    %dma_wait3A_23 = arith.constant 0 : i32
    %dma_wait3A_24 = tpu.memref_slice %arg4[%mul3A_2, %dma_wait3A_23] : memref<512x256xf32, #tpu.memory_space<hbm>> -> memref<16x256xf32, #tpu.memory_space<hbm>>
    tpu.wait_dma2 semaphore(%arg13 : memref<!tpu.dma_semaphore, #tpu.memory_space<semaphore_mem>>) src(%dma_wait3A_24 : memref<16x256xf32, #tpu.memory_space<hbm>>) dst(%arg8 : memref<16x256xf32, #tpu.memory_space<vmem>>)
    %broadcast_in_dim3A = arith.constant 0.000000e+00 : f32
    %broadcast_in_dim3A_25 = vector.broadcast %broadcast_in_dim3A : f32 to vector<16xf32>
    %scan3A = arith.constant 0 : i32
    %scan3A_26 = arith.constant 16 : i32
    %scan3A_27 = arith.addi %scan3A, %scan3A_26 : i32
    %scan3A_28 = arith.constant 1 : i32
    %scan3A_29 = scf.for %scan3A_35 = %scan3A to %scan3A_27 step %scan3A_28 iter_args(%scan3A_36 = %broadcast_in_dim3A_25) -> (vector<16xf32>)  : i32 {
      %get3A = arith.index_cast %scan3A_35 : i32 to index
      %get3A_37 = arith.constant 0 : index
      %get3A_38 = tpu.vector_load %arg6[%get3A, %get3A_37] {strides = array<i32>} : memref<16x256xf32, #tpu.memory_space<vmem>>, vector<16xf32>,
      %get3A_39 = arith.index_cast %scan3A_35 : i32 to index
      %get3A_40 = arith.constant 16 : index
      %get3A_41 = tpu.vector_load %arg6[%get3A_39, %get3A_40] {strides = array<i32>} : memref<16x256xf32, #tpu.memory_space<vmem>>, vector<16xf32>,
      %get3A_42 = arith.index_cast %scan3A_35 : i32 to index
      %get3A_43 = arith.constant 32 : index
      %get3A_44 = tpu.vector_load %arg6[%get3A_42, %get3A_43] {strides = array<i32>} : memref<16x256xf32, #tpu.memory_space<vmem>>, vector<16xf32>,
      %get3A_45 = arith.index_cast %scan3A_35 : i32 to index
      %get3A_46 = arith.constant 48 : index
      %get3A_47 = tpu.vector_load %arg6[%get3A_45, %get3A_46] {strides = array<i32>} : memref<16x256xf32, #tpu.memory_space<vmem>>, vector<16xf32>,
      %get3A_48 = arith.index_cast %scan3A_35 : i32 to index
      %get3A_49 = arith.constant 64 : index
      %get3A_50 = tpu.vector_load %arg6[%get3A_48, %get3A_49] {strides = array<i32>} : memref<16x256xf32, #tpu.memory_space<vmem>>, vector<16xf32>,
      %get3A_51 = arith.index_cast %scan3A_35 : i32 to index
      %get3A_52 = arith.constant 80 : index
      %get3A_53 = tpu.vector_load %arg6[%get3A_51, %get3A_52] {strides = array<i32>} : memref<16x256xf32, #tpu.memory_space<vmem>>, vector<16xf32>,
      %get3A_54 = arith.index_cast %scan3A_35 : i32 to index
      %get3A_55 = arith.constant 96 : index
      %get3A_56 = tpu.vector_load %arg6[%get3A_54, %get3A_55] {strides = array<i32>} : memref<16x256xf32, #tpu.memory_space<vmem>>, vector<16xf32>,
      %get3A_57 = arith.index_cast %scan3A_35 : i32 to index
      %get3A_58 = arith.constant 112 : index
      %get3A_59 = tpu.vector_load %arg6[%get3A_57, %get3A_58] {strides = array<i32>} : memref<16x256xf32, #tpu.memory_space<vmem>>, vector<16xf32>,
      %get3A_60 = arith.index_cast %scan3A_35 : i32 to index
      %get3A_61 = arith.constant 128 : index
      %get3A_62 = tpu.vector_load %arg6[%get3A_60, %get3A_61] {strides = array<i32>} : memref<16x256xf32, #tpu.memory_space<vmem>>, vector<16xf32>,
      %get3A_63 = arith.index_cast %scan3A_35 : i32 to index
      %get3A_64 = arith.constant 144 : index
      %get3A_65 = tpu.vector_load %arg6[%get3A_63, %get3A_64] {strides = array<i32>} : memref<16x256xf32, #tpu.memory_space<vmem>>, vector<16xf32>,
      %get3A_66 = arith.index_cast %scan3A_35 : i32 to index
      %get3A_67 = arith.constant 160 : index
      %get3A_68 = tpu.vector_load %arg6[%get3A_66, %get3A_67] {strides = array<i32>} : memref<16x256xf32, #tpu.memory_space<vmem>>, vector<16xf32>,
      %get3A_69 = arith.index_cast %scan3A_35 : i32 to index
      %get3A_70 = arith.constant 176 : index
      %get3A_71 = tpu.vector_load %arg6[%get3A_69, %get3A_70] {strides = array<i32>} : memref<16x256xf32, #tpu.memory_space<vmem>>, vector<16xf32>,
      %get3A_72 = arith.index_cast %scan3A_35 : i32 to index
      %get3A_73 = arith.constant 192 : index
      %get3A_74 = tpu.vector_load %arg6[%get3A_72, %get3A_73] {strides = array<i32>} : memref<16x256xf32, #tpu.memory_space<vmem>>, vector<16xf32>,
      %get3A_75 = arith.index_cast %scan3A_35 : i32 to index
      %get3A_76 = arith.constant 208 : index
      %get3A_77 = tpu.vector_load %arg6[%get3A_75, %get3A_76] {strides = array<i32>} : memref<16x256xf32, #tpu.memory_space<vmem>>, vector<16xf32>,
      %get3A_78 = arith.index_cast %scan3A_35 : i32 to index
      %get3A_79 = arith.constant 224 : index
      %get3A_80 = tpu.vector_load %arg6[%get3A_78, %get3A_79] {strides = array<i32>} : memref<16x256xf32, #tpu.memory_space<vmem>>, vector<16xf32>,
      %get3A_81 = arith.index_cast %scan3A_35 : i32 to index
      %get3A_82 = arith.constant 240 : index
      %get3A_83 = tpu.vector_load %arg6[%get3A_81, %get3A_82] {strides = array<i32>} : memref<16x256xf32, #tpu.memory_space<vmem>>, vector<16xf32>,
      %get3A_84 = arith.index_cast %scan3A_35 : i32 to index
      %get3A_85 = arith.constant 0 : index
      %get3A_86 = tpu.vector_load %arg7[%get3A_84, %get3A_85] {strides = array<i32>} : memref<16x256xf32, #tpu.memory_space<vmem>>, vector<16xf32>,
      %get3A_87 = arith.index_cast %scan3A_35 : i32 to index
      %get3A_88 = arith.constant 16 : index
      %get3A_89 = tpu.vector_load %arg7[%get3A_87, %get3A_88] {strides = array<i32>} : memref<16x256xf32, #tpu.memory_space<vmem>>, vector<16xf32>,
      %get3A_90 = arith.index_cast %scan3A_35 : i32 to index
      %get3A_91 = arith.constant 32 : index
      %get3A_92 = tpu.vector_load %arg7[%get3A_90, %get3A_91] {strides = array<i32>} : memref<16x256xf32, #tpu.memory_space<vmem>>, vector<16xf32>,
      %get3A_93 = arith.index_cast %scan3A_35 : i32 to index
      %get3A_94 = arith.constant 48 : index
      %get3A_95 = tpu.vector_load %arg7[%get3A_93, %get3A_94] {strides = array<i32>} : memref<16x256xf32, #tpu.memory_space<vmem>>, vector<16xf32>,
      %get3A_96 = arith.index_cast %scan3A_35 : i32 to index
      %get3A_97 = arith.constant 64 : index
      %get3A_98 = tpu.vector_load %arg7[%get3A_96, %get3A_97] {strides = array<i32>} : memref<16x256xf32, #tpu.memory_space<vmem>>, vector<16xf32>,
      %get3A_99 = arith.index_cast %scan3A_35 : i32 to index
      %get3A_100 = arith.constant 80 : index
      %get3A_101 = tpu.vector_load %arg7[%get3A_99, %get3A_100] {strides = array<i32>} : memref<16x256xf32, #tpu.memory_space<vmem>>, vector<16xf32>,
      %get3A_102 = arith.index_cast %scan3A_35 : i32 to index
      %get3A_103 = arith.constant 96 : index
      %get3A_104 = tpu.vector_load %arg7[%get3A_102, %get3A_103] {strides = array<i32>} : memref<16x256xf32, #tpu.memory_space<vmem>>, vector<16xf32>,
      %get3A_105 = arith.index_cast %scan3A_35 : i32 to index
      %get3A_106 = arith.constant 112 : index
      %get3A_107 = tpu.vector_load %arg7[%get3A_105, %get3A_106] {strides = array<i32>} : memref<16x256xf32, #tpu.memory_space<vmem>>, vector<16xf32>,
      %get3A_108 = arith.index_cast %scan3A_35 : i32 to index
      %get3A_109 = arith.constant 128 : index
      %get3A_110 = tpu.vector_load %arg7[%get3A_108, %get3A_109] {strides = array<i32>} : memref<16x256xf32, #tpu.memory_space<vmem>>, vector<16xf32>,
      %get3A_111 = arith.index_cast %scan3A_35 : i32 to index
      %get3A_112 = arith.constant 144 : index
      %get3A_113 = tpu.vector_load %arg7[%get3A_111, %get3A_112] {strides = array<i32>} : memref<16x256xf32, #tpu.memory_space<vmem>>, vector<16xf32>,
      %get3A_114 = arith.index_cast %scan3A_35 : i32 to index
      %get3A_115 = arith.constant 160 : index
      %get3A_116 = tpu.vector_load %arg7[%get3A_114, %get3A_115] {strides = array<i32>} : memref<16x256xf32, #tpu.memory_space<vmem>>, vector<16xf32>,
      %get3A_117 = arith.index_cast %scan3A_35 : i32 to index
      %get3A_118 = arith.constant 176 : index
      %get3A_119 = tpu.vector_load %arg7[%get3A_117, %get3A_118] {strides = array<i32>} : memref<16x256xf32, #tpu.memory_space<vmem>>, vector<16xf32>,
      %get3A_120 = arith.index_cast %scan3A_35 : i32 to index
      %get3A_121 = arith.constant 192 : index
      %get3A_122 = tpu.vector_load %arg7[%get3A_120, %get3A_121] {strides = array<i32>} : memref<16x256xf32, #tpu.memory_space<vmem>>, vector<16xf32>,
      %get3A_123 = arith.index_cast %scan3A_35 : i32 to index
      %get3A_124 = arith.constant 208 : index
      %get3A_125 = tpu.vector_load %arg7[%get3A_123, %get3A_124] {strides = array<i32>} : memref<16x256xf32, #tpu.memory_space<vmem>>, vector<16xf32>,
      %get3A_126 = arith.index_cast %scan3A_35 : i32 to index
      %get3A_127 = arith.constant 224 : index
      %get3A_128 = tpu.vector_load %arg7[%get3A_126, %get3A_127] {strides = array<i32>} : memref<16x256xf32, #tpu.memory_space<vmem>>, vector<16xf32>,
      %get3A_129 = arith.index_cast %scan3A_35 : i32 to index
      %get3A_130 = arith.constant 240 : index
      %get3A_131 = tpu.vector_load %arg7[%get3A_129, %get3A_130] {strides = array<i32>} : memref<16x256xf32, #tpu.memory_space<vmem>>, vector<16xf32>,
      %max3A = arith.maximumf %get3A_38, %get3A_41 : vector<16xf32>
      %max3A_132 = arith.maximumf %get3A_44, %get3A_47 : vector<16xf32>
      %max3A_133 = arith.maximumf %get3A_50, %get3A_53 : vector<16xf32>
      %max3A_134 = arith.maximumf %get3A_56, %get3A_59 : vector<16xf32>
      %max3A_135 = arith.maximumf %get3A_62, %get3A_65 : vector<16xf32>
      %max3A_136 = arith.maximumf %get3A_68, %get3A_71 : vector<16xf32>
      %max3A_137 = arith.maximumf %get3A_74, %get3A_77 : vector<16xf32>
      %max3A_138 = arith.maximumf %get3A_80, %get3A_83 : vector<16xf32>
      %max3A_139 = arith.maximumf %max3A, %max3A_132 : vector<16xf32>
      %max3A_140 = arith.maximumf %max3A_133, %max3A_134 : vector<16xf32>
      %max3A_141 = arith.maximumf %max3A_135, %max3A_136 : vector<16xf32>
      %max3A_142 = arith.maximumf %max3A_137, %max3A_138 : vector<16xf32>
      %max3A_143 = arith.maximumf %max3A_139, %max3A_140 : vector<16xf32>
      %max3A_144 = arith.maximumf %max3A_141, %max3A_142 : vector<16xf32>
      %max3A_145 = arith.maximumf %max3A_143, %max3A_144 : vector<16xf32>
      %max3A_146 = arith.maximumf %get3A_86, %get3A_89 : vector<16xf32>
      %max3A_147 = arith.maximumf %get3A_92, %get3A_95 : vector<16xf32>
      %max3A_148 = arith.maximumf %get3A_98, %get3A_101 : vector<16xf32>
      %max3A_149 = arith.maximumf %get3A_104, %get3A_107 : vector<16xf32>
      %max3A_150 = arith.maximumf %get3A_110, %get3A_113 : vector<16xf32>
      %max3A_151 = arith.maximumf %get3A_116, %get3A_119 : vector<16xf32>
      %max3A_152 = arith.maximumf %get3A_122, %get3A_125 : vector<16xf32>
      %max3A_153 = arith.maximumf %get3A_128, %get3A_131 : vector<16xf32>
      %max3A_154 = arith.maximumf %max3A_146, %max3A_147 : vector<16xf32>
      %max3A_155 = arith.maximumf %max3A_148, %max3A_149 : vector<16xf32>
      %max3A_156 = arith.maximumf %max3A_150, %max3A_151 : vector<16xf32>
      %max3A_157 = arith.maximumf %max3A_152, %max3A_153 : vector<16xf32>
      %max3A_158 = arith.maximumf %max3A_154, %max3A_155 : vector<16xf32>
      %max3A_159 = arith.maximumf %max3A_156, %max3A_157 : vector<16xf32>
      %max3A_160 = arith.maximumf %max3A_158, %max3A_159 : vector<16xf32>
      %iota3A = tpu.iota {dimensions = array<i32: 0>} : vector<16xi32>
      %xor3A = arith.constant 8 : i32
      %xor3A_161 = vector.broadcast %xor3A : i32 to vector<16xi32>
      %xor3A_162 = arith.xori %iota3A, %xor3A_161 : vector<16xi32>
      %lt3A = arith.constant 0 : i32
      %lt3A_163 = vector.broadcast %lt3A : i32 to vector<16xi32>
      %lt3A_164 = arith.cmpi slt, %xor3A_162, %lt3A_163 : vector<16xi32>
      %add3A_165 = arith.constant 16 : i32
      %add3A_166 = vector.broadcast %add3A_165 : i32 to vector<16xi32>
      %add3A_167 = arith.addi %xor3A_162, %add3A_166 : vector<16xi32>
      %select_n3A = arith.select %lt3A_164, %add3A_167, %xor3A_162 : vector<16xi1>, vector<16xi32>
      %reshape3A = vector.shape_cast %select_n3A : vector<16xi32> to vector<16x1xi32>
      %gather3A = vector.shape_cast %reshape3A : vector<16x1xi32> to vector<16xi32>
      %gather3A_168 = tpu.dynamic_gather %max3A_145[%gather3A] in [0] : vector<16xf32>, vector<16xi32> -> vector<16xf32>
      %lt3A_169 = arith.constant 0 : i32
      %lt3A_170 = vector.broadcast %lt3A_169 : i32 to vector<16xi32>
      %lt3A_171 = arith.cmpi slt, %xor3A_162, %lt3A_170 : vector<16xi32>
      %add3A_172 = arith.constant 16 : i32
      %add3A_173 = vector.broadcast %add3A_172 : i32 to vector<16xi32>
      %add3A_174 = arith.addi %xor3A_162, %add3A_173 : vector<16xi32>
      %select_n3A_175 = arith.select %lt3A_171, %add3A_174, %xor3A_162 : vector<16xi1>, vector<16xi32>
      %reshape3A_176 = vector.shape_cast %select_n3A_175 : vector<16xi32> to vector<16x1xi32>
      %gather3A_177 = vector.shape_cast %reshape3A_176 : vector<16x1xi32> to vector<16xi32>
      %gather3A_178 = tpu.dynamic_gather %max3A_160[%gather3A_177] in [0] : vector<16xf32>, vector<16xi32> -> vector<16xf32>
      %max3A_179 = arith.maximumf %max3A_145, %gather3A_168 : vector<16xf32>
      %max3A_180 = arith.maximumf %max3A_160, %gather3A_178 : vector<16xf32>
      %iota3A_181 = tpu.iota {dimensions = array<i32: 0>} : vector<16xi32>
      %xor3A_182 = arith.constant 4 : i32
      %xor3A_183 = vector.broadcast %xor3A_182 : i32 to vector<16xi32>
      %xor3A_184 = arith.xori %iota3A_181, %xor3A_183 : vector<16xi32>
      %lt3A_185 = arith.constant 0 : i32
      %lt3A_186 = vector.broadcast %lt3A_185 : i32 to vector<16xi32>
      %lt3A_187 = arith.cmpi slt, %xor3A_184, %lt3A_186 : vector<16xi32>
      %add3A_188 = arith.constant 16 : i32
      %add3A_189 = vector.broadcast %add3A_188 : i32 to vector<16xi32>
      %add3A_190 = arith.addi %xor3A_184, %add3A_189 : vector<16xi32>
      %select_n3A_191 = arith.select %lt3A_187, %add3A_190, %xor3A_184 : vector<16xi1>, vector<16xi32>
      %reshape3A_192 = vector.shape_cast %select_n3A_191 : vector<16xi32> to vector<16x1xi32>
      %gather3A_193 = vector.shape_cast %reshape3A_192 : vector<16x1xi32> to vector<16xi32>
      %gather3A_194 = tpu.dynamic_gather %max3A_179[%gather3A_193] in [0] : vector<16xf32>, vector<16xi32> -> vector<16xf32>
      %lt3A_195 = arith.constant 0 : i32
      %lt3A_196 = vector.broadcast %lt3A_195 : i32 to vector<16xi32>
      %lt3A_197 = arith.cmpi slt, %xor3A_184, %lt3A_196 : vector<16xi32>
      %add3A_198 = arith.constant 16 : i32
      %add3A_199 = vector.broadcast %add3A_198 : i32 to vector<16xi32>
      %add3A_200 = arith.addi %xor3A_184, %add3A_199 : vector<16xi32>
      %select_n3A_201 = arith.select %lt3A_197, %add3A_200, %xor3A_184 : vector<16xi1>, vector<16xi32>
      %reshape3A_202 = vector.shape_cast %select_n3A_201 : vector<16xi32> to vector<16x1xi32>
      %gather3A_203 = vector.shape_cast %reshape3A_202 : vector<16x1xi32> to vector<16xi32>
      %gather3A_204 = tpu.dynamic_gather %max3A_180[%gather3A_203] in [0] : vector<16xf32>, vector<16xi32> -> vector<16xf32>
      %max3A_205 = arith.maximumf %max3A_179, %gather3A_194 : vector<16xf32>
      %max3A_206 = arith.maximumf %max3A_180, %gather3A_204 : vector<16xf32>
      %iota3A_207 = tpu.iota {dimensions = array<i32: 0>} : vector<16xi32>
      %xor3A_208 = arith.constant 2 : i32
      %xor3A_209 = vector.broadcast %xor3A_208 : i32 to vector<16xi32>
      %xor3A_210 = arith.xori %iota3A_207, %xor3A_209 : vector<16xi32>
      %lt3A_211 = arith.constant 0 : i32
      %lt3A_212 = vector.broadcast %lt3A_211 : i32 to vector<16xi32>
      %lt3A_213 = arith.cmpi slt, %xor3A_210, %lt3A_212 : vector<16xi32>
      %add3A_214 = arith.constant 16 : i32
      %add3A_215 = vector.broadcast %add3A_214 : i32 to vector<16xi32>
      %add3A_216 = arith.addi %xor3A_210, %add3A_215 : vector<16xi32>
      %select_n3A_217 = arith.select %lt3A_213, %add3A_216, %xor3A_210 : vector<16xi1>, vector<16xi32>
      %reshape3A_218 = vector.shape_cast %select_n3A_217 : vector<16xi32> to vector<16x1xi32>
      %gather3A_219 = vector.shape_cast %reshape3A_218 : vector<16x1xi32> to vector<16xi32>
      %gather3A_220 = tpu.dynamic_gather %max3A_205[%gather3A_219] in [0] : vector<16xf32>, vector<16xi32> -> vector<16xf32>
      %lt3A_221 = arith.constant 0 : i32
      %lt3A_222 = vector.broadcast %lt3A_221 : i32 to vector<16xi32>
      %lt3A_223 = arith.cmpi slt, %xor3A_210, %lt3A_222 : vector<16xi32>
      %add3A_224 = arith.constant 16 : i32
      %add3A_225 = vector.broadcast %add3A_224 : i32 to vector<16xi32>
      %add3A_226 = arith.addi %xor3A_210, %add3A_225 : vector<16xi32>
      %select_n3A_227 = arith.select %lt3A_223, %add3A_226, %xor3A_210 : vector<16xi1>, vector<16xi32>
      %reshape3A_228 = vector.shape_cast %select_n3A_227 : vector<16xi32> to vector<16x1xi32>
      %gather3A_229 = vector.shape_cast %reshape3A_228 : vector<16x1xi32> to vector<16xi32>
      %gather3A_230 = tpu.dynamic_gather %max3A_206[%gather3A_229] in [0] : vector<16xf32>, vector<16xi32> -> vector<16xf32>
      %max3A_231 = arith.maximumf %max3A_205, %gather3A_220 : vector<16xf32>
      %max3A_232 = arith.maximumf %max3A_206, %gather3A_230 : vector<16xf32>
      %iota3A_233 = tpu.iota {dimensions = array<i32: 0>} : vector<16xi32>
      %xor3A_234 = arith.constant 1 : i32
      %xor3A_235 = vector.broadcast %xor3A_234 : i32 to vector<16xi32>
      %xor3A_236 = arith.xori %iota3A_233, %xor3A_235 : vector<16xi32>
      %lt3A_237 = arith.constant 0 : i32
      %lt3A_238 = vector.broadcast %lt3A_237 : i32 to vector<16xi32>
      %lt3A_239 = arith.cmpi slt, %xor3A_236, %lt3A_238 : vector<16xi32>
      %add3A_240 = arith.constant 16 : i32
      %add3A_241 = vector.broadcast %add3A_240 : i32 to vector<16xi32>
      %add3A_242 = arith.addi %xor3A_236, %add3A_241 : vector<16xi32>
      %select_n3A_243 = arith.select %lt3A_239, %add3A_242, %xor3A_236 : vector<16xi1>, vector<16xi32>
      %reshape3A_244 = vector.shape_cast %select_n3A_243 : vector<16xi32> to vector<16x1xi32>
      %gather3A_245 = vector.shape_cast %reshape3A_244 : vector<16x1xi32> to vector<16xi32>
      %gather3A_246 = tpu.dynamic_gather %max3A_231[%gather3A_245] in [0] : vector<16xf32>, vector<16xi32> -> vector<16xf32>
      %lt3A_247 = arith.constant 0 : i32
      %lt3A_248 = vector.broadcast %lt3A_247 : i32 to vector<16xi32>
      %lt3A_249 = arith.cmpi slt, %xor3A_236, %lt3A_248 : vector<16xi32>
      %add3A_250 = arith.constant 16 : i32
      %add3A_251 = vector.broadcast %add3A_250 : i32 to vector<16xi32>
      %add3A_252 = arith.addi %xor3A_236, %add3A_251 : vector<16xi32>
      %select_n3A_253 = arith.select %lt3A_249, %add3A_252, %xor3A_236 : vector<16xi1>, vector<16xi32>
      %reshape3A_254 = vector.shape_cast %select_n3A_253 : vector<16xi32> to vector<16x1xi32>
      %gather3A_255 = vector.shape_cast %reshape3A_254 : vector<16x1xi32> to vector<16xi32>
      %gather3A_256 = tpu.dynamic_gather %max3A_232[%gather3A_255] in [0] : vector<16xf32>, vector<16xi32> -> vector<16xf32>
      %max3A_257 = arith.maximumf %max3A_231, %gather3A_246 : vector<16xf32>
      %max3A_258 = arith.maximumf %max3A_232, %gather3A_256 : vector<16xf32>
      %broadcast_in_dim3A_259 = arith.constant 0.000000e+00 : f32
      %broadcast_in_dim3A_260 = vector.broadcast %broadcast_in_dim3A_259 : f32 to vector<16xf32>
      %get3A_261 = arith.index_cast %scan3A_35 : i32 to index
      %get3A_262 = arith.constant 0 : index
      %get3A_263 = tpu.vector_load %arg6[%get3A_261, %get3A_262] {strides = array<i32>} : memref<16x256xf32, #tpu.memory_space<vmem>>, vector<16xf32>,
      %get3A_264 = arith.index_cast %scan3A_35 : i32 to index
      %get3A_265 = arith.constant 16 : index
      %get3A_266 = tpu.vector_load %arg6[%get3A_264, %get3A_265] {strides = array<i32>} : memref<16x256xf32, #tpu.memory_space<vmem>>, vector<16xf32>,
      %get3A_267 = arith.index_cast %scan3A_35 : i32 to index
      %get3A_268 = arith.constant 32 : index
      %get3A_269 = tpu.vector_load %arg6[%get3A_267, %get3A_268] {strides = array<i32>} : memref<16x256xf32, #tpu.memory_space<vmem>>, vector<16xf32>,
      %get3A_270 = arith.index_cast %scan3A_35 : i32 to index
      %get3A_271 = arith.constant 48 : index
      %get3A_272 = tpu.vector_load %arg6[%get3A_270, %get3A_271] {strides = array<i32>} : memref<16x256xf32, #tpu.memory_space<vmem>>, vector<16xf32>,
      %get3A_273 = arith.index_cast %scan3A_35 : i32 to index
      %get3A_274 = arith.constant 64 : index
      %get3A_275 = tpu.vector_load %arg6[%get3A_273, %get3A_274] {strides = array<i32>} : memref<16x256xf32, #tpu.memory_space<vmem>>, vector<16xf32>,
      %get3A_276 = arith.index_cast %scan3A_35 : i32 to index
      %get3A_277 = arith.constant 80 : index
      %get3A_278 = tpu.vector_load %arg6[%get3A_276, %get3A_277] {strides = array<i32>} : memref<16x256xf32, #tpu.memory_space<vmem>>, vector<16xf32>,
      %get3A_279 = arith.index_cast %scan3A_35 : i32 to index
      %get3A_280 = arith.constant 96 : index
      %get3A_281 = tpu.vector_load %arg6[%get3A_279, %get3A_280] {strides = array<i32>} : memref<16x256xf32, #tpu.memory_space<vmem>>, vector<16xf32>,
      %get3A_282 = arith.index_cast %scan3A_35 : i32 to index
      %get3A_283 = arith.constant 112 : index
      %get3A_284 = tpu.vector_load %arg6[%get3A_282, %get3A_283] {strides = array<i32>} : memref<16x256xf32, #tpu.memory_space<vmem>>, vector<16xf32>,
      %get3A_285 = arith.index_cast %scan3A_35 : i32 to index
      %get3A_286 = arith.constant 128 : index
      %get3A_287 = tpu.vector_load %arg6[%get3A_285, %get3A_286] {strides = array<i32>} : memref<16x256xf32, #tpu.memory_space<vmem>>, vector<16xf32>,
      %get3A_288 = arith.index_cast %scan3A_35 : i32 to index
      %get3A_289 = arith.constant 144 : index
      %get3A_290 = tpu.vector_load %arg6[%get3A_288, %get3A_289] {strides = array<i32>} : memref<16x256xf32, #tpu.memory_space<vmem>>, vector<16xf32>,
      %get3A_291 = arith.index_cast %scan3A_35 : i32 to index
      %get3A_292 = arith.constant 160 : index
      %get3A_293 = tpu.vector_load %arg6[%get3A_291, %get3A_292] {strides = array<i32>} : memref<16x256xf32, #tpu.memory_space<vmem>>, vector<16xf32>,
      %get3A_294 = arith.index_cast %scan3A_35 : i32 to index
      %get3A_295 = arith.constant 176 : index
      %get3A_296 = tpu.vector_load %arg6[%get3A_294, %get3A_295] {strides = array<i32>} : memref<16x256xf32, #tpu.memory_space<vmem>>, vector<16xf32>,
      %get3A_297 = arith.index_cast %scan3A_35 : i32 to index
      %get3A_298 = arith.constant 192 : index
      %get3A_299 = tpu.vector_load %arg6[%get3A_297, %get3A_298] {strides = array<i32>} : memref<16x256xf32, #tpu.memory_space<vmem>>, vector<16xf32>,
      %get3A_300 = arith.index_cast %scan3A_35 : i32 to index
      %get3A_301 = arith.constant 208 : index
      %get3A_302 = tpu.vector_load %arg6[%get3A_300, %get3A_301] {strides = array<i32>} : memref<16x256xf32, #tpu.memory_space<vmem>>, vector<16xf32>,
      %get3A_303 = arith.index_cast %scan3A_35 : i32 to index
      %get3A_304 = arith.constant 224 : index
      %get3A_305 = tpu.vector_load %arg6[%get3A_303, %get3A_304] {strides = array<i32>} : memref<16x256xf32, #tpu.memory_space<vmem>>, vector<16xf32>,
      %get3A_306 = arith.index_cast %scan3A_35 : i32 to index
      %get3A_307 = arith.constant 240 : index
      %get3A_308 = tpu.vector_load %arg6[%get3A_306, %get3A_307] {strides = array<i32>} : memref<16x256xf32, #tpu.memory_space<vmem>>, vector<16xf32>,
      %get3A_309 = arith.index_cast %scan3A_35 : i32 to index
      %get3A_310 = arith.constant 0 : index
      %get3A_311 = tpu.vector_load %arg7[%get3A_309, %get3A_310] {strides = array<i32>} : memref<16x256xf32, #tpu.memory_space<vmem>>, vector<16xf32>,
      %get3A_312 = arith.index_cast %scan3A_35 : i32 to index
      %get3A_313 = arith.constant 16 : index
      %get3A_314 = tpu.vector_load %arg7[%get3A_312, %get3A_313] {strides = array<i32>} : memref<16x256xf32, #tpu.memory_space<vmem>>, vector<16xf32>,
      %get3A_315 = arith.index_cast %scan3A_35 : i32 to index
      %get3A_316 = arith.constant 32 : index
      %get3A_317 = tpu.vector_load %arg7[%get3A_315, %get3A_316] {strides = array<i32>} : memref<16x256xf32, #tpu.memory_space<vmem>>, vector<16xf32>,
      %get3A_318 = arith.index_cast %scan3A_35 : i32 to index
      %get3A_319 = arith.constant 48 : index
      %get3A_320 = tpu.vector_load %arg7[%get3A_318, %get3A_319] {strides = array<i32>} : memref<16x256xf32, #tpu.memory_space<vmem>>, vector<16xf32>,
      %get3A_321 = arith.index_cast %scan3A_35 : i32 to index
      %get3A_322 = arith.constant 64 : index
      %get3A_323 = tpu.vector_load %arg7[%get3A_321, %get3A_322] {strides = array<i32>} : memref<16x256xf32, #tpu.memory_space<vmem>>, vector<16xf32>,
      %get3A_324 = arith.index_cast %scan3A_35 : i32 to index
      %get3A_325 = arith.constant 80 : index
      %get3A_326 = tpu.vector_load %arg7[%get3A_324, %get3A_325] {strides = array<i32>} : memref<16x256xf32, #tpu.memory_space<vmem>>, vector<16xf32>,
      %get3A_327 = arith.index_cast %scan3A_35 : i32 to index
      %get3A_328 = arith.constant 96 : index
      %get3A_329 = tpu.vector_load %arg7[%get3A_327, %get3A_328] {strides = array<i32>} : memref<16x256xf32, #tpu.memory_space<vmem>>, vector<16xf32>,
      %get3A_330 = arith.index_cast %scan3A_35 : i32 to index
      %get3A_331 = arith.constant 112 : index
      %get3A_332 = tpu.vector_load %arg7[%get3A_330, %get3A_331] {strides = array<i32>} : memref<16x256xf32, #tpu.memory_space<vmem>>, vector<16xf32>,
      %get3A_333 = arith.index_cast %scan3A_35 : i32 to index
      %get3A_334 = arith.constant 128 : index
      %get3A_335 = tpu.vector_load %arg7[%get3A_333, %get3A_334] {strides = array<i32>} : memref<16x256xf32, #tpu.memory_space<vmem>>, vector<16xf32>,
      %get3A_336 = arith.index_cast %scan3A_35 : i32 to index
      %get3A_337 = arith.constant 144 : index
      %get3A_338 = tpu.vector_load %arg7[%get3A_336, %get3A_337] {strides = array<i32>} : memref<16x256xf32, #tpu.memory_space<vmem>>, vector<16xf32>,
      %get3A_339 = arith.index_cast %scan3A_35 : i32 to index
      %get3A_340 = arith.constant 160 : index
      %get3A_341 = tpu.vector_load %arg7[%get3A_339, %get3A_340] {strides = array<i32>} : memref<16x256xf32, #tpu.memory_space<vmem>>, vector<16xf32>,
      %get3A_342 = arith.index_cast %scan3A_35 : i32 to index
      %get3A_343 = arith.constant 176 : index
      %get3A_344 = tpu.vector_load %arg7[%get3A_342, %get3A_343] {strides = array<i32>} : memref<16x256xf32, #tpu.memory_space<vmem>>, vector<16xf32>,
      %get3A_345 = arith.index_cast %scan3A_35 : i32 to index
      %get3A_346 = arith.constant 192 : index
      %get3A_347 = tpu.vector_load %arg7[%get3A_345, %get3A_346] {strides = array<i32>} : memref<16x256xf32, #tpu.memory_space<vmem>>, vector<16xf32>,
      %get3A_348 = arith.index_cast %scan3A_35 : i32 to index
      %get3A_349 = arith.constant 208 : index
      %get3A_350 = tpu.vector_load %arg7[%get3A_348, %get3A_349] {strides = array<i32>} : memref<16x256xf32, #tpu.memory_space<vmem>>, vector<16xf32>,
      %get3A_351 = arith.index_cast %scan3A_35 : i32 to index
      %get3A_352 = arith.constant 224 : index
      %get3A_353 = tpu.vector_load %arg7[%get3A_351, %get3A_352] {strides = array<i32>} : memref<16x256xf32, #tpu.memory_space<vmem>>, vector<16xf32>,
      %get3A_354 = arith.index_cast %scan3A_35 : i32 to index
      %get3A_355 = arith.constant 240 : index
      %get3A_356 = tpu.vector_load %arg7[%get3A_354, %get3A_355] {strides = array<i32>} : memref<16x256xf32, #tpu.memory_space<vmem>>, vector<16xf32>,
      %get3A_357 = arith.index_cast %scan3A_35 : i32 to index
      %get3A_358 = arith.constant 0 : index
      %get3A_359 = tpu.vector_load %arg8[%get3A_357, %get3A_358] {strides = array<i32>} : memref<16x256xf32, #tpu.memory_space<vmem>>, vector<16xf32>,
      %get3A_360 = arith.index_cast %scan3A_35 : i32 to index
      %get3A_361 = arith.constant 16 : index
      %get3A_362 = tpu.vector_load %arg8[%get3A_360, %get3A_361] {strides = array<i32>} : memref<16x256xf32, #tpu.memory_space<vmem>>, vector<16xf32>,
      %get3A_363 = arith.index_cast %scan3A_35 : i32 to index
      %get3A_364 = arith.constant 32 : index
      %get3A_365 = tpu.vector_load %arg8[%get3A_363, %get3A_364] {strides = array<i32>} : memref<16x256xf32, #tpu.memory_space<vmem>>, vector<16xf32>,
      %get3A_366 = arith.index_cast %scan3A_35 : i32 to index
      %get3A_367 = arith.constant 48 : index
      %get3A_368 = tpu.vector_load %arg8[%get3A_366, %get3A_367] {strides = array<i32>} : memref<16x256xf32, #tpu.memory_space<vmem>>, vector<16xf32>,
      %get3A_369 = arith.index_cast %scan3A_35 : i32 to index
      %get3A_370 = arith.constant 64 : index
      %get3A_371 = tpu.vector_load %arg8[%get3A_369, %get3A_370] {strides = array<i32>} : memref<16x256xf32, #tpu.memory_space<vmem>>, vector<16xf32>,
      %get3A_372 = arith.index_cast %scan3A_35 : i32 to index
      %get3A_373 = arith.constant 80 : index
      %get3A_374 = tpu.vector_load %arg8[%get3A_372, %get3A_373] {strides = array<i32>} : memref<16x256xf32, #tpu.memory_space<vmem>>, vector<16xf32>,
      %get3A_375 = arith.index_cast %scan3A_35 : i32 to index
      %get3A_376 = arith.constant 96 : index
      %get3A_377 = tpu.vector_load %arg8[%get3A_375, %get3A_376] {strides = array<i32>} : memref<16x256xf32, #tpu.memory_space<vmem>>, vector<16xf32>,
      %get3A_378 = arith.index_cast %scan3A_35 : i32 to index
      %get3A_379 = arith.constant 112 : index
      %get3A_380 = tpu.vector_load %arg8[%get3A_378, %get3A_379] {strides = array<i32>} : memref<16x256xf32, #tpu.memory_space<vmem>>, vector<16xf32>,
      %get3A_381 = arith.index_cast %scan3A_35 : i32 to index
      %get3A_382 = arith.constant 128 : index
      %get3A_383 = tpu.vector_load %arg8[%get3A_381, %get3A_382] {strides = array<i32>} : memref<16x256xf32, #tpu.memory_space<vmem>>, vector<16xf32>,
      %get3A_384 = arith.index_cast %scan3A_35 : i32 to index
      %get3A_385 = arith.constant 144 : index
      %get3A_386 = tpu.vector_load %arg8[%get3A_384, %get3A_385] {strides = array<i32>} : memref<16x256xf32, #tpu.memory_space<vmem>>, vector<16xf32>,
      %get3A_387 = arith.index_cast %scan3A_35 : i32 to index
      %get3A_388 = arith.constant 160 : index
      %get3A_389 = tpu.vector_load %arg8[%get3A_387, %get3A_388] {strides = array<i32>} : memref<16x256xf32, #tpu.memory_space<vmem>>, vector<16xf32>,
      %get3A_390 = arith.index_cast %scan3A_35 : i32 to index
      %get3A_391 = arith.constant 176 : index
      %get3A_392 = tpu.vector_load %arg8[%get3A_390, %get3A_391] {strides = array<i32>} : memref<16x256xf32, #tpu.memory_space<vmem>>, vector<16xf32>,
      %get3A_393 = arith.index_cast %scan3A_35 : i32 to index
      %get3A_394 = arith.constant 192 : index
      %get3A_395 = tpu.vector_load %arg8[%get3A_393, %get3A_394] {strides = array<i32>} : memref<16x256xf32, #tpu.memory_space<vmem>>, vector<16xf32>,
      %get3A_396 = arith.index_cast %scan3A_35 : i32 to index
      %get3A_397 = arith.constant 208 : index
      %get3A_398 = tpu.vector_load %arg8[%get3A_396, %get3A_397] {strides = array<i32>} : memref<16x256xf32, #tpu.memory_space<vmem>>, vector<16xf32>,
      %get3A_399 = arith.index_cast %scan3A_35 : i32 to index
      %get3A_400 = arith.constant 224 : index
      %get3A_401 = tpu.vector_load %arg8[%get3A_399, %get3A_400] {strides = array<i32>} : memref<16x256xf32, #tpu.memory_space<vmem>>, vector<16xf32>,
      %get3A_402 = arith.index_cast %scan3A_35 : i32 to index
      %get3A_403 = arith.constant 240 : index
      %get3A_404 = tpu.vector_load %arg8[%get3A_402, %get3A_403] {strides = array<i32>} : memref<16x256xf32, #tpu.memory_space<vmem>>, vector<16xf32>,
      %sub3A = arith.subf %get3A_263, %max3A_257 : vector<16xf32>
      %sub3A_405 = arith.subf %get3A_266, %max3A_257 : vector<16xf32>
      %sub3A_406 = arith.subf %get3A_269, %max3A_257 : vector<16xf32>
      %sub3A_407 = arith.subf %get3A_272, %max3A_257 : vector<16xf32>
      %sub3A_408 = arith.subf %get3A_275, %max3A_257 : vector<16xf32>
      %sub3A_409 = arith.subf %get3A_278, %max3A_257 : vector<16xf32>
      %sub3A_410 = arith.subf %get3A_281, %max3A_257 : vector<16xf32>
      %sub3A_411 = arith.subf %get3A_284, %max3A_257 : vector<16xf32>
      %sub3A_412 = arith.subf %get3A_287, %max3A_257 : vector<16xf32>
      %sub3A_413 = arith.subf %get3A_290, %max3A_257 : vector<16xf32>
      %sub3A_414 = arith.subf %get3A_293, %max3A_257 : vector<16xf32>
      %sub3A_415 = arith.subf %get3A_296, %max3A_257 : vector<16xf32>
      %sub3A_416 = arith.subf %get3A_299, %max3A_257 : vector<16xf32>
      %sub3A_417 = arith.subf %get3A_302, %max3A_257 : vector<16xf32>
      %sub3A_418 = arith.subf %get3A_305, %max3A_257 : vector<16xf32>
      %sub3A_419 = arith.subf %get3A_308, %max3A_257 : vector<16xf32>
      %sub3A_420 = arith.subf %get3A_311, %max3A_258 : vector<16xf32>
      %sub3A_421 = arith.subf %get3A_314, %max3A_258 : vector<16xf32>
      %sub3A_422 = arith.subf %get3A_317, %max3A_258 : vector<16xf32>
      %sub3A_423 = arith.subf %get3A_320, %max3A_258 : vector<16xf32>
      %sub3A_424 = arith.subf %get3A_323, %max3A_258 : vector<16xf32>
      %sub3A_425 = arith.subf %get3A_326, %max3A_258 : vector<16xf32>
      %sub3A_426 = arith.subf %get3A_329, %max3A_258 : vector<16xf32>
      %sub3A_427 = arith.subf %get3A_332, %max3A_258 : vector<16xf32>
      %sub3A_428 = arith.subf %get3A_335, %max3A_258 : vector<16xf32>
      %sub3A_429 = arith.subf %get3A_338, %max3A_258 : vector<16xf32>
      %sub3A_430 = arith.subf %get3A_341, %max3A_258 : vector<16xf32>
      %sub3A_431 = arith.subf %get3A_344, %max3A_258 : vector<16xf32>
      %sub3A_432 = arith.subf %get3A_347, %max3A_258 : vector<16xf32>
      %sub3A_433 = arith.subf %get3A_350, %max3A_258 : vector<16xf32>
      %sub3A_434 = arith.subf %get3A_353, %max3A_258 : vector<16xf32>
      %sub3A_435 = arith.subf %get3A_356, %max3A_258 : vector<16xf32>
      %exp3A = math.exp %sub3A : vector<16xf32>
      %exp3A_436 = math.exp %sub3A_405 : vector<16xf32>
      %exp3A_437 = math.exp %sub3A_406 : vector<16xf32>
      %exp3A_438 = math.exp %sub3A_407 : vector<16xf32>
      %exp3A_439 = math.exp %sub3A_408 : vector<16xf32>
      %exp3A_440 = math.exp %sub3A_409 : vector<16xf32>
      %exp3A_441 = math.exp %sub3A_410 : vector<16xf32>
      %exp3A_442 = math.exp %sub3A_411 : vector<16xf32>
      %exp3A_443 = math.exp %sub3A_412 : vector<16xf32>
      %exp3A_444 = math.exp %sub3A_413 : vector<16xf32>
      %exp3A_445 = math.exp %sub3A_414 : vector<16xf32>
      %exp3A_446 = math.exp %sub3A_415 : vector<16xf32>
      %exp3A_447 = math.exp %sub3A_416 : vector<16xf32>
      %exp3A_448 = math.exp %sub3A_417 : vector<16xf32>
      %exp3A_449 = math.exp %sub3A_418 : vector<16xf32>
      %exp3A_450 = math.exp %sub3A_419 : vector<16xf32>
      %exp3A_451 = math.exp %sub3A_420 : vector<16xf32>
      %exp3A_452 = math.exp %sub3A_421 : vector<16xf32>
      %exp3A_453 = math.exp %sub3A_422 : vector<16xf32>
      %exp3A_454 = math.exp %sub3A_423 : vector<16xf32>
      %exp3A_455 = math.exp %sub3A_424 : vector<16xf32>
      %exp3A_456 = math.exp %sub3A_425 : vector<16xf32>
      %exp3A_457 = math.exp %sub3A_426 : vector<16xf32>
      %exp3A_458 = math.exp %sub3A_427 : vector<16xf32>
      %exp3A_459 = math.exp %sub3A_428 : vector<16xf32>
      %exp3A_460 = math.exp %sub3A_429 : vector<16xf32>
      %exp3A_461 = math.exp %sub3A_430 : vector<16xf32>
      %exp3A_462 = math.exp %sub3A_431 : vector<16xf32>
      %exp3A_463 = math.exp %sub3A_432 : vector<16xf32>
      %exp3A_464 = math.exp %sub3A_433 : vector<16xf32>
      %exp3A_465 = math.exp %sub3A_434 : vector<16xf32>
      %exp3A_466 = math.exp %sub3A_435 : vector<16xf32>
      %sub3A_467 = arith.subf %get3A_311, %get3A_263 : vector<16xf32>
      %sub3A_468 = arith.subf %get3A_314, %get3A_266 : vector<16xf32>
      %sub3A_469 = arith.subf %get3A_317, %get3A_269 : vector<16xf32>
      %sub3A_470 = arith.subf %get3A_320, %get3A_272 : vector<16xf32>
      %sub3A_471 = arith.subf %get3A_323, %get3A_275 : vector<16xf32>
      %sub3A_472 = arith.subf %get3A_326, %get3A_278 : vector<16xf32>
      %sub3A_473 = arith.subf %get3A_329, %get3A_281 : vector<16xf32>
      %sub3A_474 = arith.subf %get3A_332, %get3A_284 : vector<16xf32>
      %sub3A_475 = arith.subf %get3A_335, %get3A_287 : vector<16xf32>
      %sub3A_476 = arith.subf %get3A_338, %get3A_290 : vector<16xf32>
      %sub3A_477 = arith.subf %get3A_341, %get3A_293 : vector<16xf32>
      %sub3A_478 = arith.subf %get3A_344, %get3A_296 : vector<16xf32>
      %sub3A_479 = arith.subf %get3A_347, %get3A_299 : vector<16xf32>
      %sub3A_480 = arith.subf %get3A_350, %get3A_302 : vector<16xf32>
      %sub3A_481 = arith.subf %get3A_353, %get3A_305 : vector<16xf32>
      %sub3A_482 = arith.subf %get3A_356, %get3A_308 : vector<16xf32>
      %sub3A_483 = arith.constant 1.000000e+00 : f32
      %sub3A_484 = vector.broadcast %sub3A_483 : f32 to vector<16xf32>
      %sub3A_485 = arith.subf %sub3A_484, %get3A_359 : vector<16xf32>
      %sub3A_486 = arith.constant 1.000000e+00 : f32
      %sub3A_487 = vector.broadcast %sub3A_486 : f32 to vector<16xf32>
      %sub3A_488 = arith.subf %sub3A_487, %get3A_362 : vector<16xf32>
      %sub3A_489 = arith.constant 1.000000e+00 : f32
      %sub3A_490 = vector.broadcast %sub3A_489 : f32 to vector<16xf32>
      %sub3A_491 = arith.subf %sub3A_490, %get3A_365 : vector<16xf32>
      %sub3A_492 = arith.constant 1.000000e+00 : f32
      %sub3A_493 = vector.broadcast %sub3A_492 : f32 to vector<16xf32>
      %sub3A_494 = arith.subf %sub3A_493, %get3A_368 : vector<16xf32>
      %sub3A_495 = arith.constant 1.000000e+00 : f32
      %sub3A_496 = vector.broadcast %sub3A_495 : f32 to vector<16xf32>
      %sub3A_497 = arith.subf %sub3A_496, %get3A_371 : vector<16xf32>
      %sub3A_498 = arith.constant 1.000000e+00 : f32
      %sub3A_499 = vector.broadcast %sub3A_498 : f32 to vector<16xf32>
      %sub3A_500 = arith.subf %sub3A_499, %get3A_374 : vector<16xf32>
      %sub3A_501 = arith.constant 1.000000e+00 : f32
      %sub3A_502 = vector.broadcast %sub3A_501 : f32 to vector<16xf32>
      %sub3A_503 = arith.subf %sub3A_502, %get3A_377 : vector<16xf32>
      %sub3A_504 = arith.constant 1.000000e+00 : f32
      %sub3A_505 = vector.broadcast %sub3A_504 : f32 to vector<16xf32>
      %sub3A_506 = arith.subf %sub3A_505, %get3A_380 : vector<16xf32>
      %sub3A_507 = arith.constant 1.000000e+00 : f32
      %sub3A_508 = vector.broadcast %sub3A_507 : f32 to vector<16xf32>
      %sub3A_509 = arith.subf %sub3A_508, %get3A_383 : vector<16xf32>
      %sub3A_510 = arith.constant 1.000000e+00 : f32
      %sub3A_511 = vector.broadcast %sub3A_510 : f32 to vector<16xf32>
      %sub3A_512 = arith.subf %sub3A_511, %get3A_386 : vector<16xf32>
      %sub3A_513 = arith.constant 1.000000e+00 : f32
      %sub3A_514 = vector.broadcast %sub3A_513 : f32 to vector<16xf32>
      %sub3A_515 = arith.subf %sub3A_514, %get3A_389 : vector<16xf32>
      %sub3A_516 = arith.constant 1.000000e+00 : f32
      %sub3A_517 = vector.broadcast %sub3A_516 : f32 to vector<16xf32>
      %sub3A_518 = arith.subf %sub3A_517, %get3A_392 : vector<16xf32>
      %sub3A_519 = arith.constant 1.000000e+00 : f32
      %sub3A_520 = vector.broadcast %sub3A_519 : f32 to vector<16xf32>
      %sub3A_521 = arith.subf %sub3A_520, %get3A_395 : vector<16xf32>
      %sub3A_522 = arith.constant 1.000000e+00 : f32
      %sub3A_523 = vector.broadcast %sub3A_522 : f32 to vector<16xf32>
      %sub3A_524 = arith.subf %sub3A_523, %get3A_398 : vector<16xf32>
      %sub3A_525 = arith.constant 1.000000e+00 : f32
      %sub3A_526 = vector.broadcast %sub3A_525 : f32 to vector<16xf32>
      %sub3A_527 = arith.subf %sub3A_526, %get3A_401 : vector<16xf32>
      %sub3A_528 = arith.constant 1.000000e+00 : f32
      %sub3A_529 = vector.broadcast %sub3A_528 : f32 to vector<16xf32>
      %sub3A_530 = arith.subf %sub3A_529, %get3A_404 : vector<16xf32>
      %swap3A_531 = arith.constant 0 : index
      %swap3A_532 = tpu.vector_load %arg9[%swap3A_531] {strides = array<i32>} : memref<256xf32, #tpu.memory_space<vmem>>, vector<16xf32>,
      tpu.vector_store %arg9[%swap3A_531], %exp3A {strides = array<i32>} : memref<256xf32, #tpu.memory_space<vmem>>, vector<16xf32>,
      %swap3A_533 = arith.constant 0 : index
      %swap3A_534 = tpu.vector_load %arg10[%swap3A_533] {strides = array<i32>} : memref<256xf32, #tpu.memory_space<vmem>>, vector<16xf32>,
      tpu.vector_store %arg10[%swap3A_533], %exp3A_451 {strides = array<i32>} : memref<256xf32, #tpu.memory_space<vmem>>, vector<16xf32>,
      %swap3A_535 = arith.constant 0 : index
      %swap3A_536 = tpu.vector_load %arg11[%swap3A_535] {strides = array<i32>} : memref<256xf32, #tpu.memory_space<vmem>>, vector<16xf32>,
      tpu.vector_store %arg11[%swap3A_535], %sub3A_467 {strides = array<i32>} : memref<256xf32, #tpu.memory_space<vmem>>, vector<16xf32>,
      %swap3A_537 = arith.constant 16 : index
      %swap3A_538 = tpu.vector_load %arg9[%swap3A_537] {strides = array<i32>} : memref<256xf32, #tpu.memory_space<vmem>>, vector<16xf32>,
      tpu.vector_store %arg9[%swap3A_537], %exp3A_436 {strides = array<i32>} : memref<256xf32, #tpu.memory_space<vmem>>, vector<16xf32>,
      %swap3A_539 = arith.constant 16 : index
      %swap3A_540 = tpu.vector_load %arg10[%swap3A_539] {strides = array<i32>} : memref<256xf32, #tpu.memory_space<vmem>>, vector<16xf32>,
      tpu.vector_store %arg10[%swap3A_539], %exp3A_452 {strides = array<i32>} : memref<256xf32, #tpu.memory_space<vmem>>, vector<16xf32>,
      %swap3A_541 = arith.constant 16 : index
      %swap3A_542 = tpu.vector_load %arg11[%swap3A_541] {strides = array<i32>} : memref<256xf32, #tpu.memory_space<vmem>>, vector<16xf32>,
      tpu.vector_store %arg11[%swap3A_541], %sub3A_468 {strides = array<i32>} : memref<256xf32, #tpu.memory_space<vmem>>, vector<16xf32>,
      %swap3A_543 = arith.constant 32 : index
      %swap3A_544 = tpu.vector_load %arg9[%swap3A_543] {strides = array<i32>} : memref<256xf32, #tpu.memory_space<vmem>>, vector<16xf32>,
      tpu.vector_store %arg9[%swap3A_543], %exp3A_437 {strides = array<i32>} : memref<256xf32, #tpu.memory_space<vmem>>, vector<16xf32>,
      %swap3A_545 = arith.constant 32 : index
      %swap3A_546 = tpu.vector_load %arg10[%swap3A_545] {strides = array<i32>} : memref<256xf32, #tpu.memory_space<vmem>>, vector<16xf32>,
      tpu.vector_store %arg10[%swap3A_545], %exp3A_453 {strides = array<i32>} : memref<256xf32, #tpu.memory_space<vmem>>, vector<16xf32>,
      %swap3A_547 = arith.constant 32 : index
      %swap3A_548 = tpu.vector_load %arg11[%swap3A_547] {strides = array<i32>} : memref<256xf32, #tpu.memory_space<vmem>>, vector<16xf32>,
      tpu.vector_store %arg11[%swap3A_547], %sub3A_469 {strides = array<i32>} : memref<256xf32, #tpu.memory_space<vmem>>, vector<16xf32>,
      %swap3A_549 = arith.constant 48 : index
      %swap3A_550 = tpu.vector_load %arg9[%swap3A_549] {strides = array<i32>} : memref<256xf32, #tpu.memory_space<vmem>>, vector<16xf32>,
      tpu.vector_store %arg9[%swap3A_549], %exp3A_438 {strides = array<i32>} : memref<256xf32, #tpu.memory_space<vmem>>, vector<16xf32>,
      %swap3A_551 = arith.constant 48 : index
      %swap3A_552 = tpu.vector_load %arg10[%swap3A_551] {strides = array<i32>} : memref<256xf32, #tpu.memory_space<vmem>>, vector<16xf32>,
      tpu.vector_store %arg10[%swap3A_551], %exp3A_454 {strides = array<i32>} : memref<256xf32, #tpu.memory_space<vmem>>, vector<16xf32>,
      %swap3A_553 = arith.constant 48 : index
      %swap3A_554 = tpu.vector_load %arg11[%swap3A_553] {strides = array<i32>} : memref<256xf32, #tpu.memory_space<vmem>>, vector<16xf32>,
      tpu.vector_store %arg11[%swap3A_553], %sub3A_470 {strides = array<i32>} : memref<256xf32, #tpu.memory_space<vmem>>, vector<16xf32>,
      %swap3A_555 = arith.constant 64 : index
      %swap3A_556 = tpu.vector_load %arg9[%swap3A_555] {strides = array<i32>} : memref<256xf32, #tpu.memory_space<vmem>>, vector<16xf32>,
      tpu.vector_store %arg9[%swap3A_555], %exp3A_439 {strides = array<i32>} : memref<256xf32, #tpu.memory_space<vmem>>, vector<16xf32>,
      %swap3A_557 = arith.constant 64 : index
      %swap3A_558 = tpu.vector_load %arg10[%swap3A_557] {strides = array<i32>} : memref<256xf32, #tpu.memory_space<vmem>>, vector<16xf32>,
      tpu.vector_store %arg10[%swap3A_557], %exp3A_455 {strides = array<i32>} : memref<256xf32, #tpu.memory_space<vmem>>, vector<16xf32>,
      %swap3A_559 = arith.constant 64 : index
      %swap3A_560 = tpu.vector_load %arg11[%swap3A_559] {strides = array<i32>} : memref<256xf32, #tpu.memory_space<vmem>>, vector<16xf32>,
      tpu.vector_store %arg11[%swap3A_559], %sub3A_471 {strides = array<i32>} : memref<256xf32, #tpu.memory_space<vmem>>, vector<16xf32>,
      %swap3A_561 = arith.constant 80 : index
      %swap3A_562 = tpu.vector_load %arg9[%swap3A_561] {strides = array<i32>} : memref<256xf32, #tpu.memory_space<vmem>>, vector<16xf32>,
      tpu.vector_store %arg9[%swap3A_561], %exp3A_440 {strides = array<i32>} : memref<256xf32, #tpu.memory_space<vmem>>, vector<16xf32>,
      %swap3A_563 = arith.constant 80 : index
      %swap3A_564 = tpu.vector_load %arg10[%swap3A_563] {strides = array<i32>} : memref<256xf32, #tpu.memory_space<vmem>>, vector<16xf32>,
      tpu.vector_store %arg10[%swap3A_563], %exp3A_456 {strides = array<i32>} : memref<256xf32, #tpu.memory_space<vmem>>, vector<16xf32>,
      %swap3A_565 = arith.constant 80 : index
      %swap3A_566 = tpu.vector_load %arg11[%swap3A_565] {strides = array<i32>} : memref<256xf32, #tpu.memory_space<vmem>>, vector<16xf32>,
      tpu.vector_store %arg11[%swap3A_565], %sub3A_472 {strides = array<i32>} : memref<256xf32, #tpu.memory_space<vmem>>, vector<16xf32>,
      %swap3A_567 = arith.constant 96 : index
      %swap3A_568 = tpu.vector_load %arg9[%swap3A_567] {strides = array<i32>} : memref<256xf32, #tpu.memory_space<vmem>>, vector<16xf32>,
      tpu.vector_store %arg9[%swap3A_567], %exp3A_441 {strides = array<i32>} : memref<256xf32, #tpu.memory_space<vmem>>, vector<16xf32>,
      %swap3A_569 = arith.constant 96 : index
      %swap3A_570 = tpu.vector_load %arg10[%swap3A_569] {strides = array<i32>} : memref<256xf32, #tpu.memory_space<vmem>>, vector<16xf32>,
      tpu.vector_store %arg10[%swap3A_569], %exp3A_457 {strides = array<i32>} : memref<256xf32, #tpu.memory_space<vmem>>, vector<16xf32>,
      %swap3A_571 = arith.constant 96 : index
      %swap3A_572 = tpu.vector_load %arg11[%swap3A_571] {strides = array<i32>} : memref<256xf32, #tpu.memory_space<vmem>>, vector<16xf32>,
      tpu.vector_store %arg11[%swap3A_571], %sub3A_473 {strides = array<i32>} : memref<256xf32, #tpu.memory_space<vmem>>, vector<16xf32>,
      %swap3A_573 = arith.constant 112 : index
      %swap3A_574 = tpu.vector_load %arg9[%swap3A_573] {strides = array<i32>} : memref<256xf32, #tpu.memory_space<vmem>>, vector<16xf32>,
      tpu.vector_store %arg9[%swap3A_573], %exp3A_442 {strides = array<i32>} : memref<256xf32, #tpu.memory_space<vmem>>, vector<16xf32>,
      %swap3A_575 = arith.constant 112 : index
      %swap3A_576 = tpu.vector_load %arg10[%swap3A_575] {strides = array<i32>} : memref<256xf32, #tpu.memory_space<vmem>>, vector<16xf32>,
      tpu.vector_store %arg10[%swap3A_575], %exp3A_458 {strides = array<i32>} : memref<256xf32, #tpu.memory_space<vmem>>, vector<16xf32>,
      %swap3A_577 = arith.constant 112 : index
      %swap3A_578 = tpu.vector_load %arg11[%swap3A_577] {strides = array<i32>} : memref<256xf32, #tpu.memory_space<vmem>>, vector<16xf32>,
      tpu.vector_store %arg11[%swap3A_577], %sub3A_474 {strides = array<i32>} : memref<256xf32, #tpu.memory_space<vmem>>, vector<16xf32>,
      %swap3A_579 = arith.constant 128 : index
      %swap3A_580 = tpu.vector_load %arg9[%swap3A_579] {strides = array<i32>} : memref<256xf32, #tpu.memory_space<vmem>>, vector<16xf32>,
      tpu.vector_store %arg9[%swap3A_579], %exp3A_443 {strides = array<i32>} : memref<256xf32, #tpu.memory_space<vmem>>, vector<16xf32>,
      %swap3A_581 = arith.constant 128 : index
      %swap3A_582 = tpu.vector_load %arg10[%swap3A_581] {strides = array<i32>} : memref<256xf32, #tpu.memory_space<vmem>>, vector<16xf32>,
      tpu.vector_store %arg10[%swap3A_581], %exp3A_459 {strides = array<i32>} : memref<256xf32, #tpu.memory_space<vmem>>, vector<16xf32>,
      %swap3A_583 = arith.constant 128 : index
      %swap3A_584 = tpu.vector_load %arg11[%swap3A_583] {strides = array<i32>} : memref<256xf32, #tpu.memory_space<vmem>>, vector<16xf32>,
      tpu.vector_store %arg11[%swap3A_583], %sub3A_475 {strides = array<i32>} : memref<256xf32, #tpu.memory_space<vmem>>, vector<16xf32>,
      %swap3A_585 = arith.constant 144 : index
      %swap3A_586 = tpu.vector_load %arg9[%swap3A_585] {strides = array<i32>} : memref<256xf32, #tpu.memory_space<vmem>>, vector<16xf32>,
      tpu.vector_store %arg9[%swap3A_585], %exp3A_444 {strides = array<i32>} : memref<256xf32, #tpu.memory_space<vmem>>, vector<16xf32>,
      %swap3A_587 = arith.constant 144 : index
      %swap3A_588 = tpu.vector_load %arg10[%swap3A_587] {strides = array<i32>} : memref<256xf32, #tpu.memory_space<vmem>>, vector<16xf32>,
      tpu.vector_store %arg10[%swap3A_587], %exp3A_460 {strides = array<i32>} : memref<256xf32, #tpu.memory_space<vmem>>, vector<16xf32>,
      %swap3A_589 = arith.constant 144 : index
      %swap3A_590 = tpu.vector_load %arg11[%swap3A_589] {strides = array<i32>} : memref<256xf32, #tpu.memory_space<vmem>>, vector<16xf32>,
      tpu.vector_store %arg11[%swap3A_589], %sub3A_476 {strides = array<i32>} : memref<256xf32, #tpu.memory_space<vmem>>, vector<16xf32>,
      %swap3A_591 = arith.constant 160 : index
      %swap3A_592 = tpu.vector_load %arg9[%swap3A_591] {strides = array<i32>} : memref<256xf32, #tpu.memory_space<vmem>>, vector<16xf32>,
      tpu.vector_store %arg9[%swap3A_591], %exp3A_445 {strides = array<i32>} : memref<256xf32, #tpu.memory_space<vmem>>, vector<16xf32>,
      %swap3A_593 = arith.constant 160 : index
      %swap3A_594 = tpu.vector_load %arg10[%swap3A_593] {strides = array<i32>} : memref<256xf32, #tpu.memory_space<vmem>>, vector<16xf32>,
      tpu.vector_store %arg10[%swap3A_593], %exp3A_461 {strides = array<i32>} : memref<256xf32, #tpu.memory_space<vmem>>, vector<16xf32>,
      %swap3A_595 = arith.constant 160 : index
      %swap3A_596 = tpu.vector_load %arg11[%swap3A_595] {strides = array<i32>} : memref<256xf32, #tpu.memory_space<vmem>>, vector<16xf32>,
      tpu.vector_store %arg11[%swap3A_595], %sub3A_477 {strides = array<i32>} : memref<256xf32, #tpu.memory_space<vmem>>, vector<16xf32>,
      %swap3A_597 = arith.constant 176 : index
      %swap3A_598 = tpu.vector_load %arg9[%swap3A_597] {strides = array<i32>} : memref<256xf32, #tpu.memory_space<vmem>>, vector<16xf32>,
      tpu.vector_store %arg9[%swap3A_597], %exp3A_446 {strides = array<i32>} : memref<256xf32, #tpu.memory_space<vmem>>, vector<16xf32>,
      %swap3A_599 = arith.constant 176 : index
      %swap3A_600 = tpu.vector_load %arg10[%swap3A_599] {strides = array<i32>} : memref<256xf32, #tpu.memory_space<vmem>>, vector<16xf32>,
      tpu.vector_store %arg10[%swap3A_599], %exp3A_462 {strides = array<i32>} : memref<256xf32, #tpu.memory_space<vmem>>, vector<16xf32>,
      %swap3A_601 = arith.constant 176 : index
      %swap3A_602 = tpu.vector_load %arg11[%swap3A_601] {strides = array<i32>} : memref<256xf32, #tpu.memory_space<vmem>>, vector<16xf32>,
      tpu.vector_store %arg11[%swap3A_601], %sub3A_478 {strides = array<i32>} : memref<256xf32, #tpu.memory_space<vmem>>, vector<16xf32>,
      %swap3A_603 = arith.constant 192 : index
      %swap3A_604 = tpu.vector_load %arg9[%swap3A_603] {strides = array<i32>} : memref<256xf32, #tpu.memory_space<vmem>>, vector<16xf32>,
      tpu.vector_store %arg9[%swap3A_603], %exp3A_447 {strides = array<i32>} : memref<256xf32, #tpu.memory_space<vmem>>, vector<16xf32>,
      %swap3A_605 = arith.constant 192 : index
      %swap3A_606 = tpu.vector_load %arg10[%swap3A_605] {strides = array<i32>} : memref<256xf32, #tpu.memory_space<vmem>>, vector<16xf32>,
      tpu.vector_store %arg10[%swap3A_605], %exp3A_463 {strides = array<i32>} : memref<256xf32, #tpu.memory_space<vmem>>, vector<16xf32>,
      %swap3A_607 = arith.constant 192 : index
      %swap3A_608 = tpu.vector_load %arg11[%swap3A_607] {strides = array<i32>} : memref<256xf32, #tpu.memory_space<vmem>>, vector<16xf32>,
      tpu.vector_store %arg11[%swap3A_607], %sub3A_479 {strides = array<i32>} : memref<256xf32, #tpu.memory_space<vmem>>, vector<16xf32>,
      %swap3A_609 = arith.constant 208 : index
      %swap3A_610 = tpu.vector_load %arg9[%swap3A_609] {strides = array<i32>} : memref<256xf32, #tpu.memory_space<vmem>>, vector<16xf32>,
      tpu.vector_store %arg9[%swap3A_609], %exp3A_448 {strides = array<i32>} : memref<256xf32, #tpu.memory_space<vmem>>, vector<16xf32>,
      %swap3A_611 = arith.constant 208 : index
      %swap3A_612 = tpu.vector_load %arg10[%swap3A_611] {strides = array<i32>} : memref<256xf32, #tpu.memory_space<vmem>>, vector<16xf32>,
      tpu.vector_store %arg10[%swap3A_611], %exp3A_464 {strides = array<i32>} : memref<256xf32, #tpu.memory_space<vmem>>, vector<16xf32>,
      %swap3A_613 = arith.constant 208 : index
      %swap3A_614 = tpu.vector_load %arg11[%swap3A_613] {strides = array<i32>} : memref<256xf32, #tpu.memory_space<vmem>>, vector<16xf32>,
      tpu.vector_store %arg11[%swap3A_613], %sub3A_480 {strides = array<i32>} : memref<256xf32, #tpu.memory_space<vmem>>, vector<16xf32>,
      %swap3A_615 = arith.constant 224 : index
      %swap3A_616 = tpu.vector_load %arg9[%swap3A_615] {strides = array<i32>} : memref<256xf32, #tpu.memory_space<vmem>>, vector<16xf32>,
      tpu.vector_store %arg9[%swap3A_615], %exp3A_449 {strides = array<i32>} : memref<256xf32, #tpu.memory_space<vmem>>, vector<16xf32>,
      %swap3A_617 = arith.constant 224 : index
      %swap3A_618 = tpu.vector_load %arg10[%swap3A_617] {strides = array<i32>} : memref<256xf32, #tpu.memory_space<vmem>>, vector<16xf32>,
      tpu.vector_store %arg10[%swap3A_617], %exp3A_465 {strides = array<i32>} : memref<256xf32, #tpu.memory_space<vmem>>, vector<16xf32>,
      %swap3A_619 = arith.constant 224 : index
      %swap3A_620 = tpu.vector_load %arg11[%swap3A_619] {strides = array<i32>} : memref<256xf32, #tpu.memory_space<vmem>>, vector<16xf32>,
      tpu.vector_store %arg11[%swap3A_619], %sub3A_481 {strides = array<i32>} : memref<256xf32, #tpu.memory_space<vmem>>, vector<16xf32>,
      %swap3A_621 = arith.constant 240 : index
      %swap3A_622 = tpu.vector_load %arg9[%swap3A_621] {strides = array<i32>} : memref<256xf32, #tpu.memory_space<vmem>>, vector<16xf32>,
      tpu.vector_store %arg9[%swap3A_621], %exp3A_450 {strides = array<i32>} : memref<256xf32, #tpu.memory_space<vmem>>, vector<16xf32>,
      %swap3A_623 = arith.constant 240 : index
      %swap3A_624 = tpu.vector_load %arg10[%swap3A_623] {strides = array<i32>} : memref<256xf32, #tpu.memory_space<vmem>>, vector<16xf32>,
      tpu.vector_store %arg10[%swap3A_623], %exp3A_466 {strides = array<i32>} : memref<256xf32, #tpu.memory_space<vmem>>, vector<16xf32>,
      %swap3A_625 = arith.constant 240 : index
      %swap3A_626 = tpu.vector_load %arg11[%swap3A_625] {strides = array<i32>} : memref<256xf32, #tpu.memory_space<vmem>>, vector<16xf32>,
      tpu.vector_store %arg11[%swap3A_625], %sub3A_482 {strides = array<i32>} : memref<256xf32, #tpu.memory_space<vmem>>, vector<16xf32>,
      %mul3A_627 = arith.mulf %exp3A_451, %sub3A_485 : vector<16xf32>
      %mul3A_628 = arith.mulf %exp3A_452, %sub3A_488 : vector<16xf32>
      %mul3A_629 = arith.mulf %exp3A_453, %sub3A_491 : vector<16xf32>
      %mul3A_630 = arith.mulf %exp3A_454, %sub3A_494 : vector<16xf32>
      %mul3A_631 = arith.mulf %exp3A_455, %sub3A_497 : vector<16xf32>
      %mul3A_632 = arith.mulf %exp3A_456, %sub3A_500 : vector<16xf32>
      %mul3A_633 = arith.mulf %exp3A_457, %sub3A_503 : vector<16xf32>
      %mul3A_634 = arith.mulf %exp3A_458, %sub3A_506 : vector<16xf32>
      %mul3A_635 = arith.mulf %exp3A_459, %sub3A_509 : vector<16xf32>
      %mul3A_636 = arith.mulf %exp3A_460, %sub3A_512 : vector<16xf32>
      %mul3A_637 = arith.mulf %exp3A_461, %sub3A_515 : vector<16xf32>
      %mul3A_638 = arith.mulf %exp3A_462, %sub3A_518 : vector<16xf32>
      %mul3A_639 = arith.mulf %exp3A_463, %sub3A_521 : vector<16xf32>
      %mul3A_640 = arith.mulf %exp3A_464, %sub3A_524 : vector<16xf32>
      %mul3A_641 = arith.mulf %exp3A_465, %sub3A_527 : vector<16xf32>
      %mul3A_642 = arith.mulf %exp3A_466, %sub3A_530 : vector<16xf32>
      %mul3A_643 = arith.mulf %exp3A, %sub3A_485 : vector<16xf32>
      %add3A_644 = arith.addf %broadcast_in_dim3A_260, %mul3A_643 : vector<16xf32>
      %add3A_645 = arith.addf %broadcast_in_dim3A_260, %mul3A_627 : vector<16xf32>
      %mul3A_646 = arith.mulf %mul3A_627, %sub3A_467 : vector<16xf32>
      %add3A_647 = arith.addf %broadcast_in_dim3A_260, %mul3A_646 : vector<16xf32>
      %mul3A_648 = arith.mulf %exp3A_436, %sub3A_488 : vector<16xf32>
      %add3A_649 = arith.addf %add3A_644, %mul3A_648 : vector<16xf32>
      %add3A_650 = arith.addf %add3A_645, %mul3A_628 : vector<16xf32>
      %mul3A_651 = arith.mulf %mul3A_628, %sub3A_468 : vector<16xf32>
      %add3A_652 = arith.addf %add3A_647, %mul3A_651 : vector<16xf32>
      %mul3A_653 = arith.mulf %exp3A_437, %sub3A_491 : vector<16xf32>
      %add3A_654 = arith.addf %add3A_649, %mul3A_653 : vector<16xf32>
      %add3A_655 = arith.addf %add3A_650, %mul3A_629 : vector<16xf32>
      %mul3A_656 = arith.mulf %mul3A_629, %sub3A_469 : vector<16xf32>
      %add3A_657 = arith.addf %add3A_652, %mul3A_656 : vector<16xf32>
      %mul3A_658 = arith.mulf %exp3A_438, %sub3A_494 : vector<16xf32>
      %add3A_659 = arith.addf %add3A_654, %mul3A_658 : vector<16xf32>
      %add3A_660 = arith.addf %add3A_655, %mul3A_630 : vector<16xf32>
      %mul3A_661 = arith.mulf %mul3A_630, %sub3A_470 : vector<16xf32>
      %add3A_662 = arith.addf %add3A_657, %mul3A_661 : vector<16xf32>
      %mul3A_663 = arith.mulf %exp3A_439, %sub3A_497 : vector<16xf32>
      %add3A_664 = arith.addf %add3A_659, %mul3A_663 : vector<16xf32>
      %add3A_665 = arith.addf %add3A_660, %mul3A_631 : vector<16xf32>
      %mul3A_666 = arith.mulf %mul3A_631, %sub3A_471 : vector<16xf32>
      %add3A_667 = arith.addf %add3A_662, %mul3A_666 : vector<16xf32>
      %mul3A_668 = arith.mulf %exp3A_440, %sub3A_500 : vector<16xf32>
      %add3A_669 = arith.addf %add3A_664, %mul3A_668 : vector<16xf32>
      %add3A_670 = arith.addf %add3A_665, %mul3A_632 : vector<16xf32>
      %mul3A_671 = arith.mulf %mul3A_632, %sub3A_472 : vector<16xf32>
      %add3A_672 = arith.addf %add3A_667, %mul3A_671 : vector<16xf32>
      %mul3A_673 = arith.mulf %exp3A_441, %sub3A_503 : vector<16xf32>
      %add3A_674 = arith.addf %add3A_669, %mul3A_673 : vector<16xf32>
      %add3A_675 = arith.addf %add3A_670, %mul3A_633 : vector<16xf32>
      %mul3A_676 = arith.mulf %mul3A_633, %sub3A_473 : vector<16xf32>
      %add3A_677 = arith.addf %add3A_672, %mul3A_676 : vector<16xf32>
      %mul3A_678 = arith.mulf %exp3A_442, %sub3A_506 : vector<16xf32>
      %add3A_679 = arith.addf %add3A_674, %mul3A_678 : vector<16xf32>
      %add3A_680 = arith.addf %add3A_675, %mul3A_634 : vector<16xf32>
      %mul3A_681 = arith.mulf %mul3A_634, %sub3A_474 : vector<16xf32>
      %add3A_682 = arith.addf %add3A_677, %mul3A_681 : vector<16xf32>
      %mul3A_683 = arith.mulf %exp3A_443, %sub3A_509 : vector<16xf32>
      %add3A_684 = arith.addf %add3A_679, %mul3A_683 : vector<16xf32>
      %add3A_685 = arith.addf %add3A_680, %mul3A_635 : vector<16xf32>
      %mul3A_686 = arith.mulf %mul3A_635, %sub3A_475 : vector<16xf32>
      %add3A_687 = arith.addf %add3A_682, %mul3A_686 : vector<16xf32>
      %mul3A_688 = arith.mulf %exp3A_444, %sub3A_512 : vector<16xf32>
      %add3A_689 = arith.addf %add3A_684, %mul3A_688 : vector<16xf32>
      %add3A_690 = arith.addf %add3A_685, %mul3A_636 : vector<16xf32>
      %mul3A_691 = arith.mulf %mul3A_636, %sub3A_476 : vector<16xf32>
      %add3A_692 = arith.addf %add3A_687, %mul3A_691 : vector<16xf32>
      %mul3A_693 = arith.mulf %exp3A_445, %sub3A_515 : vector<16xf32>
      %add3A_694 = arith.addf %add3A_689, %mul3A_693 : vector<16xf32>
      %add3A_695 = arith.addf %add3A_690, %mul3A_637 : vector<16xf32>
      %mul3A_696 = arith.mulf %mul3A_637, %sub3A_477 : vector<16xf32>
      %add3A_697 = arith.addf %add3A_692, %mul3A_696 : vector<16xf32>
      %mul3A_698 = arith.mulf %exp3A_446, %sub3A_518 : vector<16xf32>
      %add3A_699 = arith.addf %add3A_694, %mul3A_698 : vector<16xf32>
      %add3A_700 = arith.addf %add3A_695, %mul3A_638 : vector<16xf32>
      %mul3A_701 = arith.mulf %mul3A_638, %sub3A_478 : vector<16xf32>
      %add3A_702 = arith.addf %add3A_697, %mul3A_701 : vector<16xf32>
      %mul3A_703 = arith.mulf %exp3A_447, %sub3A_521 : vector<16xf32>
      %add3A_704 = arith.addf %add3A_699, %mul3A_703 : vector<16xf32>
      %add3A_705 = arith.addf %add3A_700, %mul3A_639 : vector<16xf32>
      %mul3A_706 = arith.mulf %mul3A_639, %sub3A_479 : vector<16xf32>
      %add3A_707 = arith.addf %add3A_702, %mul3A_706 : vector<16xf32>
      %mul3A_708 = arith.mulf %exp3A_448, %sub3A_524 : vector<16xf32>
      %add3A_709 = arith.addf %add3A_704, %mul3A_708 : vector<16xf32>
      %add3A_710 = arith.addf %add3A_705, %mul3A_640 : vector<16xf32>
      %mul3A_711 = arith.mulf %mul3A_640, %sub3A_480 : vector<16xf32>
      %add3A_712 = arith.addf %add3A_707, %mul3A_711 : vector<16xf32>
      %mul3A_713 = arith.mulf %exp3A_449, %sub3A_527 : vector<16xf32>
      %add3A_714 = arith.addf %add3A_709, %mul3A_713 : vector<16xf32>
      %add3A_715 = arith.addf %add3A_710, %mul3A_641 : vector<16xf32>
      %mul3A_716 = arith.mulf %mul3A_641, %sub3A_481 : vector<16xf32>
      %add3A_717 = arith.addf %add3A_712, %mul3A_716 : vector<16xf32>
      %mul3A_718 = arith.mulf %exp3A_450, %sub3A_530 : vector<16xf32>
      %add3A_719 = arith.addf %add3A_714, %mul3A_718 : vector<16xf32>
      %add3A_720 = arith.addf %add3A_715, %mul3A_642 : vector<16xf32>
      %mul3A_721 = arith.mulf %mul3A_642, %sub3A_482 : vector<16xf32>
      %add3A_722 = arith.addf %add3A_717, %mul3A_721 : vector<16xf32>
      %iota3A_723 = tpu.iota {dimensions = array<i32: 0>} : vector<16xi32>
      %xor3A_724 = arith.constant 8 : i32
      %xor3A_725 = vector.broadcast %xor3A_724 : i32 to vector<16xi32>
      %xor3A_726 = arith.xori %iota3A_723, %xor3A_725 : vector<16xi32>
      %lt3A_727 = arith.constant 0 : i32
      %lt3A_728 = vector.broadcast %lt3A_727 : i32 to vector<16xi32>
      %lt3A_729 = arith.cmpi slt, %xor3A_726, %lt3A_728 : vector<16xi32>
      %add3A_730 = arith.constant 16 : i32
      %add3A_731 = vector.broadcast %add3A_730 : i32 to vector<16xi32>
      %add3A_732 = arith.addi %xor3A_726, %add3A_731 : vector<16xi32>
      %select_n3A_733 = arith.select %lt3A_729, %add3A_732, %xor3A_726 : vector<16xi1>, vector<16xi32>
      %reshape3A_734 = vector.shape_cast %select_n3A_733 : vector<16xi32> to vector<16x1xi32>
      %gather3A_735 = vector.shape_cast %reshape3A_734 : vector<16x1xi32> to vector<16xi32>
      %gather3A_736 = tpu.dynamic_gather %add3A_719[%gather3A_735] in [0] : vector<16xf32>, vector<16xi32> -> vector<16xf32>
      %lt3A_737 = arith.constant 0 : i32
      %lt3A_738 = vector.broadcast %lt3A_737 : i32 to vector<16xi32>
      %lt3A_739 = arith.cmpi slt, %xor3A_726, %lt3A_738 : vector<16xi32>
      %add3A_740 = arith.constant 16 : i32
      %add3A_741 = vector.broadcast %add3A_740 : i32 to vector<16xi32>
      %add3A_742 = arith.addi %xor3A_726, %add3A_741 : vector<16xi32>
      %select_n3A_743 = arith.select %lt3A_739, %add3A_742, %xor3A_726 : vector<16xi1>, vector<16xi32>
      %reshape3A_744 = vector.shape_cast %select_n3A_743 : vector<16xi32> to vector<16x1xi32>
      %gather3A_745 = vector.shape_cast %reshape3A_744 : vector<16x1xi32> to vector<16xi32>
      %gather3A_746 = tpu.dynamic_gather %add3A_720[%gather3A_745] in [0] : vector<16xf32>, vector<16xi32> -> vector<16xf32>
      %lt3A_747 = arith.constant 0 : i32
      %lt3A_748 = vector.broadcast %lt3A_747 : i32 to vector<16xi32>
      %lt3A_749 = arith.cmpi slt, %xor3A_726, %lt3A_748 : vector<16xi32>
      %add3A_750 = arith.constant 16 : i32
      %add3A_751 = vector.broadcast %add3A_750 : i32 to vector<16xi32>
      %add3A_752 = arith.addi %xor3A_726, %add3A_751 : vector<16xi32>
      %select_n3A_753 = arith.select %lt3A_749, %add3A_752, %xor3A_726 : vector<16xi1>, vector<16xi32>
      %reshape3A_754 = vector.shape_cast %select_n3A_753 : vector<16xi32> to vector<16x1xi32>
      %gather3A_755 = vector.shape_cast %reshape3A_754 : vector<16x1xi32> to vector<16xi32>
      %gather3A_756 = tpu.dynamic_gather %add3A_722[%gather3A_755] in [0] : vector<16xf32>, vector<16xi32> -> vector<16xf32>
      %add3A_757 = arith.addf %add3A_719, %gather3A_736 : vector<16xf32>
      %add3A_758 = arith.addf %add3A_720, %gather3A_746 : vector<16xf32>
      %add3A_759 = arith.addf %add3A_722, %gather3A_756 : vector<16xf32>
      %iota3A_760 = tpu.iota {dimensions = array<i32: 0>} : vector<16xi32>
      %xor3A_761 = arith.constant 4 : i32
      %xor3A_762 = vector.broadcast %xor3A_761 : i32 to vector<16xi32>
      %xor3A_763 = arith.xori %iota3A_760, %xor3A_762 : vector<16xi32>
      %lt3A_764 = arith.constant 0 : i32
      %lt3A_765 = vector.broadcast %lt3A_764 : i32 to vector<16xi32>
      %lt3A_766 = arith.cmpi slt, %xor3A_763, %lt3A_765 : vector<16xi32>
      %add3A_767 = arith.constant 16 : i32
      %add3A_768 = vector.broadcast %add3A_767 : i32 to vector<16xi32>
      %add3A_769 = arith.addi %xor3A_763, %add3A_768 : vector<16xi32>
      %select_n3A_770 = arith.select %lt3A_766, %add3A_769, %xor3A_763 : vector<16xi1>, vector<16xi32>
      %reshape3A_771 = vector.shape_cast %select_n3A_770 : vector<16xi32> to vector<16x1xi32>
      %gather3A_772 = vector.shape_cast %reshape3A_771 : vector<16x1xi32> to vector<16xi32>
      %gather3A_773 = tpu.dynamic_gather %add3A_757[%gather3A_772] in [0] : vector<16xf32>, vector<16xi32> -> vector<16xf32>
      %lt3A_774 = arith.constant 0 : i32
      %lt3A_775 = vector.broadcast %lt3A_774 : i32 to vector<16xi32>
      %lt3A_776 = arith.cmpi slt, %xor3A_763, %lt3A_775 : vector<16xi32>
      %add3A_777 = arith.constant 16 : i32
      %add3A_778 = vector.broadcast %add3A_777 : i32 to vector<16xi32>
      %add3A_779 = arith.addi %xor3A_763, %add3A_778 : vector<16xi32>
      %select_n3A_780 = arith.select %lt3A_776, %add3A_779, %xor3A_763 : vector<16xi1>, vector<16xi32>
      %reshape3A_781 = vector.shape_cast %select_n3A_780 : vector<16xi32> to vector<16x1xi32>
      %gather3A_782 = vector.shape_cast %reshape3A_781 : vector<16x1xi32> to vector<16xi32>
      %gather3A_783 = tpu.dynamic_gather %add3A_758[%gather3A_782] in [0] : vector<16xf32>, vector<16xi32> -> vector<16xf32>
      %lt3A_784 = arith.constant 0 : i32
      %lt3A_785 = vector.broadcast %lt3A_784 : i32 to vector<16xi32>
      %lt3A_786 = arith.cmpi slt, %xor3A_763, %lt3A_785 : vector<16xi32>
      %add3A_787 = arith.constant 16 : i32
      %add3A_788 = vector.broadcast %add3A_787 : i32 to vector<16xi32>
      %add3A_789 = arith.addi %xor3A_763, %add3A_788 : vector<16xi32>
      %select_n3A_790 = arith.select %lt3A_786, %add3A_789, %xor3A_763 : vector<16xi1>, vector<16xi32>
      %reshape3A_791 = vector.shape_cast %select_n3A_790 : vector<16xi32> to vector<16x1xi32>
      %gather3A_792 = vector.shape_cast %reshape3A_791 : vector<16x1xi32> to vector<16xi32>
      %gather3A_793 = tpu.dynamic_gather %add3A_759[%gather3A_792] in [0] : vector<16xf32>, vector<16xi32> -> vector<16xf32>
      %add3A_794 = arith.addf %add3A_757, %gather3A_773 : vector<16xf32>
      %add3A_795 = arith.addf %add3A_758, %gather3A_783 : vector<16xf32>
      %add3A_796 = arith.addf %add3A_759, %gather3A_793 : vector<16xf32>
      %iota3A_797 = tpu.iota {dimensions = array<i32: 0>} : vector<16xi32>
      %xor3A_798 = arith.constant 2 : i32
      %xor3A_799 = vector.broadcast %xor3A_798 : i32 to vector<16xi32>
      %xor3A_800 = arith.xori %iota3A_797, %xor3A_799 : vector<16xi32>
      %lt3A_801 = arith.constant 0 : i32
      %lt3A_802 = vector.broadcast %lt3A_801 : i32 to vector<16xi32>
      %lt3A_803 = arith.cmpi slt, %xor3A_800, %lt3A_802 : vector<16xi32>
      %add3A_804 = arith.constant 16 : i32
      %add3A_805 = vector.broadcast %add3A_804 : i32 to vector<16xi32>
      %add3A_806 = arith.addi %xor3A_800, %add3A_805 : vector<16xi32>
      %select_n3A_807 = arith.select %lt3A_803, %add3A_806, %xor3A_800 : vector<16xi1>, vector<16xi32>
      %reshape3A_808 = vector.shape_cast %select_n3A_807 : vector<16xi32> to vector<16x1xi32>
      %gather3A_809 = vector.shape_cast %reshape3A_808 : vector<16x1xi32> to vector<16xi32>
      %gather3A_810 = tpu.dynamic_gather %add3A_794[%gather3A_809] in [0] : vector<16xf32>, vector<16xi32> -> vector<16xf32>
      %lt3A_811 = arith.constant 0 : i32
      %lt3A_812 = vector.broadcast %lt3A_811 : i32 to vector<16xi32>
      %lt3A_813 = arith.cmpi slt, %xor3A_800, %lt3A_812 : vector<16xi32>
      %add3A_814 = arith.constant 16 : i32
      %add3A_815 = vector.broadcast %add3A_814 : i32 to vector<16xi32>
      %add3A_816 = arith.addi %xor3A_800, %add3A_815 : vector<16xi32>
      %select_n3A_817 = arith.select %lt3A_813, %add3A_816, %xor3A_800 : vector<16xi1>, vector<16xi32>
      %reshape3A_818 = vector.shape_cast %select_n3A_817 : vector<16xi32> to vector<16x1xi32>
      %gather3A_819 = vector.shape_cast %reshape3A_818 : vector<16x1xi32> to vector<16xi32>
      %gather3A_820 = tpu.dynamic_gather %add3A_795[%gather3A_819] in [0] : vector<16xf32>, vector<16xi32> -> vector<16xf32>
      %lt3A_821 = arith.constant 0 : i32
      %lt3A_822 = vector.broadcast %lt3A_821 : i32 to vector<16xi32>
      %lt3A_823 = arith.cmpi slt, %xor3A_800, %lt3A_822 : vector<16xi32>
      %add3A_824 = arith.constant 16 : i32
      %add3A_825 = vector.broadcast %add3A_824 : i32 to vector<16xi32>
      %add3A_826 = arith.addi %xor3A_800, %add3A_825 : vector<16xi32>
      %select_n3A_827 = arith.select %lt3A_823, %add3A_826, %xor3A_800 : vector<16xi1>, vector<16xi32>
      %reshape3A_828 = vector.shape_cast %select_n3A_827 : vector<16xi32> to vector<16x1xi32>
      %gather3A_829 = vector.shape_cast %reshape3A_828 : vector<16x1xi32> to vector<16xi32>
      %gather3A_830 = tpu.dynamic_gather %add3A_796[%gather3A_829] in [0] : vector<16xf32>, vector<16xi32> -> vector<16xf32>
      %add3A_831 = arith.addf %add3A_794, %gather3A_810 : vector<16xf32>
      %add3A_832 = arith.addf %add3A_795, %gather3A_820 : vector<16xf32>
      %add3A_833 = arith.addf %add3A_796, %gather3A_830 : vector<16xf32>
      %iota3A_834 = tpu.iota {dimensions = array<i32: 0>} : vector<16xi32>
      %xor3A_835 = arith.constant 1 : i32
      %xor3A_836 = vector.broadcast %xor3A_835 : i32 to vector<16xi32>
      %xor3A_837 = arith.xori %iota3A_834, %xor3A_836 : vector<16xi32>
      %lt3A_838 = arith.constant 0 : i32
      %lt3A_839 = vector.broadcast %lt3A_838 : i32 to vector<16xi32>
      %lt3A_840 = arith.cmpi slt, %xor3A_837, %lt3A_839 : vector<16xi32>
      %add3A_841 = arith.constant 16 : i32
      %add3A_842 = vector.broadcast %add3A_841 : i32 to vector<16xi32>
      %add3A_843 = arith.addi %xor3A_837, %add3A_842 : vector<16xi32>
      %select_n3A_844 = arith.select %lt3A_840, %add3A_843, %xor3A_837 : vector<16xi1>, vector<16xi32>
      %reshape3A_845 = vector.shape_cast %select_n3A_844 : vector<16xi32> to vector<16x1xi32>
      %gather3A_846 = vector.shape_cast %reshape3A_845 : vector<16x1xi32> to vector<16xi32>
      %gather3A_847 = tpu.dynamic_gather %add3A_831[%gather3A_846] in [0] : vector<16xf32>, vector<16xi32> -> vector<16xf32>
      %lt3A_848 = arith.constant 0 : i32
      %lt3A_849 = vector.broadcast %lt3A_848 : i32 to vector<16xi32>
      %lt3A_850 = arith.cmpi slt, %xor3A_837, %lt3A_849 : vector<16xi32>
      %add3A_851 = arith.constant 16 : i32
      %add3A_852 = vector.broadcast %add3A_851 : i32 to vector<16xi32>
      %add3A_853 = arith.addi %xor3A_837, %add3A_852 : vector<16xi32>
      %select_n3A_854 = arith.select %lt3A_850, %add3A_853, %xor3A_837 : vector<16xi1>, vector<16xi32>
      %reshape3A_855 = vector.shape_cast %select_n3A_854 : vector<16xi32> to vector<16x1xi32>
      %gather3A_856 = vector.shape_cast %reshape3A_855 : vector<16x1xi32> to vector<16xi32>
      %gather3A_857 = tpu.dynamic_gather %add3A_832[%gather3A_856] in [0] : vector<16xf32>, vector<16xi32> -> vector<16xf32>
      %lt3A_858 = arith.constant 0 : i32
      %lt3A_859 = vector.broadcast %lt3A_858 : i32 to vector<16xi32>
      %lt3A_860 = arith.cmpi slt, %xor3A_837, %lt3A_859 : vector<16xi32>
      %add3A_861 = arith.constant 16 : i32
      %add3A_862 = vector.broadcast %add3A_861 : i32 to vector<16xi32>
      %add3A_863 = arith.addi %xor3A_837, %add3A_862 : vector<16xi32>
      %select_n3A_864 = arith.select %lt3A_860, %add3A_863, %xor3A_837 : vector<16xi1>, vector<16xi32>
      %reshape3A_865 = vector.shape_cast %select_n3A_864 : vector<16xi32> to vector<16x1xi32>
      %gather3A_866 = vector.shape_cast %reshape3A_865 : vector<16x1xi32> to vector<16xi32>
      %gather3A_867 = tpu.dynamic_gather %add3A_833[%gather3A_866] in [0] : vector<16xf32>, vector<16xi32> -> vector<16xf32>
      %add3A_868 = arith.addf %add3A_831, %gather3A_847 : vector<16xf32>
      %add3A_869 = arith.addf %add3A_832, %gather3A_857 : vector<16xf32>
      %add3A_870 = arith.addf %add3A_833, %gather3A_867 : vector<16xf32>
      %sub3A_871 = arith.subf %max3A_257, %max3A_258 : vector<16xf32>
      %sub3A_872 = arith.constant 88.0296936 : f32
      %sub3A_873 = vector.broadcast %sub3A_872 : f32 to vector<16xf32>
      %sub3A_874 = arith.subf %sub3A_871, %sub3A_873 : vector<16xf32>
      %get3A_875 = arith.constant 0 : index
      %get3A_876 = tpu.vector_load %arg9[%get3A_875] {strides = array<i32>} : memref<256xf32, #tpu.memory_space<vmem>>, vector<16xf32>,
      %get3A_877 = arith.constant 16 : index
      %get3A_878 = tpu.vector_load %arg9[%get3A_877] {strides = array<i32>} : memref<256xf32, #tpu.memory_space<vmem>>, vector<16xf32>,
      %get3A_879 = arith.constant 32 : index
      %get3A_880 = tpu.vector_load %arg9[%get3A_879] {strides = array<i32>} : memref<256xf32, #tpu.memory_space<vmem>>, vector<16xf32>,
      %get3A_881 = arith.constant 48 : index
      %get3A_882 = tpu.vector_load %arg9[%get3A_881] {strides = array<i32>} : memref<256xf32, #tpu.memory_space<vmem>>, vector<16xf32>,
      %get3A_883 = arith.constant 64 : index
      %get3A_884 = tpu.vector_load %arg9[%get3A_883] {strides = array<i32>} : memref<256xf32, #tpu.memory_space<vmem>>, vector<16xf32>,
      %get3A_885 = arith.constant 80 : index
      %get3A_886 = tpu.vector_load %arg9[%get3A_885] {strides = array<i32>} : memref<256xf32, #tpu.memory_space<vmem>>, vector<16xf32>,
      %get3A_887 = arith.constant 96 : index
      %get3A_888 = tpu.vector_load %arg9[%get3A_887] {strides = array<i32>} : memref<256xf32, #tpu.memory_space<vmem>>, vector<16xf32>,
      %get3A_889 = arith.constant 112 : index
      %get3A_890 = tpu.vector_load %arg9[%get3A_889] {strides = array<i32>} : memref<256xf32, #tpu.memory_space<vmem>>, vector<16xf32>,
      %get3A_891 = arith.constant 128 : index
      %get3A_892 = tpu.vector_load %arg9[%get3A_891] {strides = array<i32>} : memref<256xf32, #tpu.memory_space<vmem>>, vector<16xf32>,
      %get3A_893 = arith.constant 144 : index
      %get3A_894 = tpu.vector_load %arg9[%get3A_893] {strides = array<i32>} : memref<256xf32, #tpu.memory_space<vmem>>, vector<16xf32>,
      %get3A_895 = arith.constant 160 : index
      %get3A_896 = tpu.vector_load %arg9[%get3A_895] {strides = array<i32>} : memref<256xf32, #tpu.memory_space<vmem>>, vector<16xf32>,
      %get3A_897 = arith.constant 176 : index
      %get3A_898 = tpu.vector_load %arg9[%get3A_897] {strides = array<i32>} : memref<256xf32, #tpu.memory_space<vmem>>, vector<16xf32>,
      %get3A_899 = arith.constant 192 : index
      %get3A_900 = tpu.vector_load %arg9[%get3A_899] {strides = array<i32>} : memref<256xf32, #tpu.memory_space<vmem>>, vector<16xf32>,
      %get3A_901 = arith.constant 208 : index
      %get3A_902 = tpu.vector_load %arg9[%get3A_901] {strides = array<i32>} : memref<256xf32, #tpu.memory_space<vmem>>, vector<16xf32>,
      %get3A_903 = arith.constant 224 : index
      %get3A_904 = tpu.vector_load %arg9[%get3A_903] {strides = array<i32>} : memref<256xf32, #tpu.memory_space<vmem>>, vector<16xf32>,
      %get3A_905 = arith.constant 240 : index
      %get3A_906 = tpu.vector_load %arg9[%get3A_905] {strides = array<i32>} : memref<256xf32, #tpu.memory_space<vmem>>, vector<16xf32>,
      %get3A_907 = arith.constant 0 : index
      %get3A_908 = tpu.vector_load %arg10[%get3A_907] {strides = array<i32>} : memref<256xf32, #tpu.memory_space<vmem>>, vector<16xf32>,
      %get3A_909 = arith.constant 16 : index
      %get3A_910 = tpu.vector_load %arg10[%get3A_909] {strides = array<i32>} : memref<256xf32, #tpu.memory_space<vmem>>, vector<16xf32>,
      %get3A_911 = arith.constant 32 : index
      %get3A_912 = tpu.vector_load %arg10[%get3A_911] {strides = array<i32>} : memref<256xf32, #tpu.memory_space<vmem>>, vector<16xf32>,
      %get3A_913 = arith.constant 48 : index
      %get3A_914 = tpu.vector_load %arg10[%get3A_913] {strides = array<i32>} : memref<256xf32, #tpu.memory_space<vmem>>, vector<16xf32>,
      %get3A_915 = arith.constant 64 : index
      %get3A_916 = tpu.vector_load %arg10[%get3A_915] {strides = array<i32>} : memref<256xf32, #tpu.memory_space<vmem>>, vector<16xf32>,
      %get3A_917 = arith.constant 80 : index
      %get3A_918 = tpu.vector_load %arg10[%get3A_917] {strides = array<i32>} : memref<256xf32, #tpu.memory_space<vmem>>, vector<16xf32>,
      %get3A_919 = arith.constant 96 : index
      %get3A_920 = tpu.vector_load %arg10[%get3A_919] {strides = array<i32>} : memref<256xf32, #tpu.memory_space<vmem>>, vector<16xf32>,
      %get3A_921 = arith.constant 112 : index
      %get3A_922 = tpu.vector_load %arg10[%get3A_921] {strides = array<i32>} : memref<256xf32, #tpu.memory_space<vmem>>, vector<16xf32>,
      %get3A_923 = arith.constant 128 : index
      %get3A_924 = tpu.vector_load %arg10[%get3A_923] {strides = array<i32>} : memref<256xf32, #tpu.memory_space<vmem>>, vector<16xf32>,
      %get3A_925 = arith.constant 144 : index
      %get3A_926 = tpu.vector_load %arg10[%get3A_925] {strides = array<i32>} : memref<256xf32, #tpu.memory_space<vmem>>, vector<16xf32>,
      %get3A_927 = arith.constant 160 : index
      %get3A_928 = tpu.vector_load %arg10[%get3A_927] {strides = array<i32>} : memref<256xf32, #tpu.memory_space<vmem>>, vector<16xf32>,
      %get3A_929 = arith.constant 176 : index
      %get3A_930 = tpu.vector_load %arg10[%get3A_929] {strides = array<i32>} : memref<256xf32, #tpu.memory_space<vmem>>, vector<16xf32>,
      %get3A_931 = arith.constant 192 : index
      %get3A_932 = tpu.vector_load %arg10[%get3A_931] {strides = array<i32>} : memref<256xf32, #tpu.memory_space<vmem>>, vector<16xf32>,
      %get3A_933 = arith.constant 208 : index
      %get3A_934 = tpu.vector_load %arg10[%get3A_933] {strides = array<i32>} : memref<256xf32, #tpu.memory_space<vmem>>, vector<16xf32>,
      %get3A_935 = arith.constant 224 : index
      %get3A_936 = tpu.vector_load %arg10[%get3A_935] {strides = array<i32>} : memref<256xf32, #tpu.memory_space<vmem>>, vector<16xf32>,
      %get3A_937 = arith.constant 240 : index
      %get3A_938 = tpu.vector_load %arg10[%get3A_937] {strides = array<i32>} : memref<256xf32, #tpu.memory_space<vmem>>, vector<16xf32>,
      %get3A_939 = arith.constant 0 : index
      %get3A_940 = tpu.vector_load %arg11[%get3A_939] {strides = array<i32>} : memref<256xf32, #tpu.memory_space<vmem>>, vector<16xf32>,
      %get3A_941 = arith.constant 16 : index
      %get3A_942 = tpu.vector_load %arg11[%get3A_941] {strides = array<i32>} : memref<256xf32, #tpu.memory_space<vmem>>, vector<16xf32>,
      %get3A_943 = arith.constant 32 : index
      %get3A_944 = tpu.vector_load %arg11[%get3A_943] {strides = array<i32>} : memref<256xf32, #tpu.memory_space<vmem>>, vector<16xf32>,
      %get3A_945 = arith.constant 48 : index
      %get3A_946 = tpu.vector_load %arg11[%get3A_945] {strides = array<i32>} : memref<256xf32, #tpu.memory_space<vmem>>, vector<16xf32>,
      %get3A_947 = arith.constant 64 : index
      %get3A_948 = tpu.vector_load %arg11[%get3A_947] {strides = array<i32>} : memref<256xf32, #tpu.memory_space<vmem>>, vector<16xf32>,
      %get3A_949 = arith.constant 80 : index
      %get3A_950 = tpu.vector_load %arg11[%get3A_949] {strides = array<i32>} : memref<256xf32, #tpu.memory_space<vmem>>, vector<16xf32>,
      %get3A_951 = arith.constant 96 : index
      %get3A_952 = tpu.vector_load %arg11[%get3A_951] {strides = array<i32>} : memref<256xf32, #tpu.memory_space<vmem>>, vector<16xf32>,
      %get3A_953 = arith.constant 112 : index
      %get3A_954 = tpu.vector_load %arg11[%get3A_953] {strides = array<i32>} : memref<256xf32, #tpu.memory_space<vmem>>, vector<16xf32>,
      %get3A_955 = arith.constant 128 : index
      %get3A_956 = tpu.vector_load %arg11[%get3A_955] {strides = array<i32>} : memref<256xf32, #tpu.memory_space<vmem>>, vector<16xf32>,
      %get3A_957 = arith.constant 144 : index
      %get3A_958 = tpu.vector_load %arg11[%get3A_957] {strides = array<i32>} : memref<256xf32, #tpu.memory_space<vmem>>, vector<16xf32>,
      %get3A_959 = arith.constant 160 : index
      %get3A_960 = tpu.vector_load %arg11[%get3A_959] {strides = array<i32>} : memref<256xf32, #tpu.memory_space<vmem>>, vector<16xf32>,
      %get3A_961 = arith.constant 176 : index
      %get3A_962 = tpu.vector_load %arg11[%get3A_961] {strides = array<i32>} : memref<256xf32, #tpu.memory_space<vmem>>, vector<16xf32>,
      %get3A_963 = arith.constant 192 : index
      %get3A_964 = tpu.vector_load %arg11[%get3A_963] {strides = array<i32>} : memref<256xf32, #tpu.memory_space<vmem>>, vector<16xf32>,
      %get3A_965 = arith.constant 208 : index
      %get3A_966 = tpu.vector_load %arg11[%get3A_965] {strides = array<i32>} : memref<256xf32, #tpu.memory_space<vmem>>, vector<16xf32>,
      %get3A_967 = arith.constant 224 : index
      %get3A_968 = tpu.vector_load %arg11[%get3A_967] {strides = array<i32>} : memref<256xf32, #tpu.memory_space<vmem>>, vector<16xf32>,
      %get3A_969 = arith.constant 240 : index
      %get3A_970 = tpu.vector_load %arg11[%get3A_969] {strides = array<i32>} : memref<256xf32, #tpu.memory_space<vmem>>, vector<16xf32>,
      %add3A_971 = arith.addf %add3A_868, %get3A_876 : vector<16xf32>
      %add3A_972 = arith.addf %add3A_868, %get3A_878 : vector<16xf32>
      %add3A_973 = arith.addf %add3A_868, %get3A_880 : vector<16xf32>
      %add3A_974 = arith.addf %add3A_868, %get3A_882 : vector<16xf32>
      %add3A_975 = arith.addf %add3A_868, %get3A_884 : vector<16xf32>
      %add3A_976 = arith.addf %add3A_868, %get3A_886 : vector<16xf32>
      %add3A_977 = arith.addf %add3A_868, %get3A_888 : vector<16xf32>
      %add3A_978 = arith.addf %add3A_868, %get3A_890 : vector<16xf32>
      %add3A_979 = arith.addf %add3A_868, %get3A_892 : vector<16xf32>
      %add3A_980 = arith.addf %add3A_868, %get3A_894 : vector<16xf32>
      %add3A_981 = arith.addf %add3A_868, %get3A_896 : vector<16xf32>
      %add3A_982 = arith.addf %add3A_868, %get3A_898 : vector<16xf32>
      %add3A_983 = arith.addf %add3A_868, %get3A_900 : vector<16xf32>
      %add3A_984 = arith.addf %add3A_868, %get3A_902 : vector<16xf32>
      %add3A_985 = arith.addf %add3A_868, %get3A_904 : vector<16xf32>
      %add3A_986 = arith.addf %add3A_868, %get3A_906 : vector<16xf32>
      %add3A_987 = arith.addf %add3A_869, %get3A_908 : vector<16xf32>
      %add3A_988 = arith.addf %add3A_869, %get3A_910 : vector<16xf32>
      %add3A_989 = arith.addf %add3A_869, %get3A_912 : vector<16xf32>
      %add3A_990 = arith.addf %add3A_869, %get3A_914 : vector<16xf32>
      %add3A_991 = arith.addf %add3A_869, %get3A_916 : vector<16xf32>
      %add3A_992 = arith.addf %add3A_869, %get3A_918 : vector<16xf32>
      %add3A_993 = arith.addf %add3A_869, %get3A_920 : vector<16xf32>
      %add3A_994 = arith.addf %add3A_869, %get3A_922 : vector<16xf32>
      %add3A_995 = arith.addf %add3A_869, %get3A_924 : vector<16xf32>
      %add3A_996 = arith.addf %add3A_869, %get3A_926 : vector<16xf32>
      %add3A_997 = arith.addf %add3A_869, %get3A_928 : vector<16xf32>
      %add3A_998 = arith.addf %add3A_869, %get3A_930 : vector<16xf32>
      %add3A_999 = arith.addf %add3A_869, %get3A_932 : vector<16xf32>
      %add3A_1000 = arith.addf %add3A_869, %get3A_934 : vector<16xf32>
      %add3A_1001 = arith.addf %add3A_869, %get3A_936 : vector<16xf32>
      %add3A_1002 = arith.addf %add3A_869, %get3A_938 : vector<16xf32>
      %mul3A_1003 = arith.mulf %get3A_908, %get3A_940 : vector<16xf32>
      %add3A_1004 = arith.addf %add3A_870, %mul3A_1003 : vector<16xf32>
      %mul3A_1005 = arith.mulf %get3A_910, %get3A_942 : vector<16xf32>
      %add3A_1006 = arith.addf %add3A_870, %mul3A_1005 : vector<16xf32>
      %mul3A_1007 = arith.mulf %get3A_912, %get3A_944 : vector<16xf32>
      %add3A_1008 = arith.addf %add3A_870, %mul3A_1007 : vector<16xf32>
      %mul3A_1009 = arith.mulf %get3A_914, %get3A_946 : vector<16xf32>
      %add3A_1010 = arith.addf %add3A_870, %mul3A_1009 : vector<16xf32>
      %mul3A_1011 = arith.mulf %get3A_916, %get3A_948 : vector<16xf32>
      %add3A_1012 = arith.addf %add3A_870, %mul3A_1011 : vector<16xf32>
      %mul3A_1013 = arith.mulf %get3A_918, %get3A_950 : vector<16xf32>
      %add3A_1014 = arith.addf %add3A_870, %mul3A_1013 : vector<16xf32>
      %mul3A_1015 = arith.mulf %get3A_920, %get3A_952 : vector<16xf32>
      %add3A_1016 = arith.addf %add3A_870, %mul3A_1015 : vector<16xf32>
      %mul3A_1017 = arith.mulf %get3A_922, %get3A_954 : vector<16xf32>
      %add3A_1018 = arith.addf %add3A_870, %mul3A_1017 : vector<16xf32>
      %mul3A_1019 = arith.mulf %get3A_924, %get3A_956 : vector<16xf32>
      %add3A_1020 = arith.addf %add3A_870, %mul3A_1019 : vector<16xf32>
      %mul3A_1021 = arith.mulf %get3A_926, %get3A_958 : vector<16xf32>
      %add3A_1022 = arith.addf %add3A_870, %mul3A_1021 : vector<16xf32>
      %mul3A_1023 = arith.mulf %get3A_928, %get3A_960 : vector<16xf32>
      %add3A_1024 = arith.addf %add3A_870, %mul3A_1023 : vector<16xf32>
      %mul3A_1025 = arith.mulf %get3A_930, %get3A_962 : vector<16xf32>
      %add3A_1026 = arith.addf %add3A_870, %mul3A_1025 : vector<16xf32>
      %mul3A_1027 = arith.mulf %get3A_932, %get3A_964 : vector<16xf32>
      %add3A_1028 = arith.addf %add3A_870, %mul3A_1027 : vector<16xf32>
      %mul3A_1029 = arith.mulf %get3A_934, %get3A_966 : vector<16xf32>
      %add3A_1030 = arith.addf %add3A_870, %mul3A_1029 : vector<16xf32>
      %mul3A_1031 = arith.mulf %get3A_936, %get3A_968 : vector<16xf32>
      %add3A_1032 = arith.addf %add3A_870, %mul3A_1031 : vector<16xf32>
      %mul3A_1033 = arith.mulf %get3A_938, %get3A_970 : vector<16xf32>
      %add3A_1034 = arith.addf %add3A_870, %mul3A_1033 : vector<16xf32>
      %div3A = arith.constant 1.000000e+00 : f32
      %div3A_1035 = vector.broadcast %div3A : f32 to vector<16xf32>
      %div3A_1036 = arith.divf %div3A_1035, %add3A_987 : vector<16xf32>
      %div3A_1037 = arith.constant 1.000000e+00 : f32
      %div3A_1038 = vector.broadcast %div3A_1037 : f32 to vector<16xf32>
      %div3A_1039 = arith.divf %div3A_1038, %add3A_988 : vector<16xf32>
      %div3A_1040 = arith.constant 1.000000e+00 : f32
      %div3A_1041 = vector.broadcast %div3A_1040 : f32 to vector<16xf32>
      %div3A_1042 = arith.divf %div3A_1041, %add3A_989 : vector<16xf32>
      %div3A_1043 = arith.constant 1.000000e+00 : f32
      %div3A_1044 = vector.broadcast %div3A_1043 : f32 to vector<16xf32>
      %div3A_1045 = arith.divf %div3A_1044, %add3A_990 : vector<16xf32>
      %div3A_1046 = arith.constant 1.000000e+00 : f32
      %div3A_1047 = vector.broadcast %div3A_1046 : f32 to vector<16xf32>
      %div3A_1048 = arith.divf %div3A_1047, %add3A_991 : vector<16xf32>
      %div3A_1049 = arith.constant 1.000000e+00 : f32
      %div3A_1050 = vector.broadcast %div3A_1049 : f32 to vector<16xf32>
      %div3A_1051 = arith.divf %div3A_1050, %add3A_992 : vector<16xf32>
      %div3A_1052 = arith.constant 1.000000e+00 : f32
      %div3A_1053 = vector.broadcast %div3A_1052 : f32 to vector<16xf32>
      %div3A_1054 = arith.divf %div3A_1053, %add3A_993 : vector<16xf32>
      %div3A_1055 = arith.constant 1.000000e+00 : f32
      %div3A_1056 = vector.broadcast %div3A_1055 : f32 to vector<16xf32>
      %div3A_1057 = arith.divf %div3A_1056, %add3A_994 : vector<16xf32>
      %div3A_1058 = arith.constant 1.000000e+00 : f32
      %div3A_1059 = vector.broadcast %div3A_1058 : f32 to vector<16xf32>
      %div3A_1060 = arith.divf %div3A_1059, %add3A_995 : vector<16xf32>
      %div3A_1061 = arith.constant 1.000000e+00 : f32
      %div3A_1062 = vector.broadcast %div3A_1061 : f32 to vector<16xf32>
      %div3A_1063 = arith.divf %div3A_1062, %add3A_996 : vector<16xf32>
      %div3A_1064 = arith.constant 1.000000e+00 : f32
      %div3A_1065 = vector.broadcast %div3A_1064 : f32 to vector<16xf32>
      %div3A_1066 = arith.divf %div3A_1065, %add3A_997 : vector<16xf32>
      %div3A_1067 = arith.constant 1.000000e+00 : f32
      %div3A_1068 = vector.broadcast %div3A_1067 : f32 to vector<16xf32>
      %div3A_1069 = arith.divf %div3A_1068, %add3A_998 : vector<16xf32>
      %div3A_1070 = arith.constant 1.000000e+00 : f32
      %div3A_1071 = vector.broadcast %div3A_1070 : f32 to vector<16xf32>
      %div3A_1072 = arith.divf %div3A_1071, %add3A_999 : vector<16xf32>
      %div3A_1073 = arith.constant 1.000000e+00 : f32
      %div3A_1074 = vector.broadcast %div3A_1073 : f32 to vector<16xf32>
      %div3A_1075 = arith.divf %div3A_1074, %add3A_1000 : vector<16xf32>
      %div3A_1076 = arith.constant 1.000000e+00 : f32
      %div3A_1077 = vector.broadcast %div3A_1076 : f32 to vector<16xf32>
      %div3A_1078 = arith.divf %div3A_1077, %add3A_1001 : vector<16xf32>
      %div3A_1079 = arith.constant 1.000000e+00 : f32
      %div3A_1080 = vector.broadcast %div3A_1079 : f32 to vector<16xf32>
      %div3A_1081 = arith.divf %div3A_1080, %add3A_1002 : vector<16xf32>
      %mul3A_1082 = arith.mulf %add3A_971, %div3A_1036 : vector<16xf32>
      %mul3A_1083 = arith.mulf %add3A_972, %div3A_1039 : vector<16xf32>
      %mul3A_1084 = arith.mulf %add3A_973, %div3A_1042 : vector<16xf32>
      %mul3A_1085 = arith.mulf %add3A_974, %div3A_1045 : vector<16xf32>
      %mul3A_1086 = arith.mulf %add3A_975, %div3A_1048 : vector<16xf32>
      %mul3A_1087 = arith.mulf %add3A_976, %div3A_1051 : vector<16xf32>
      %mul3A_1088 = arith.mulf %add3A_977, %div3A_1054 : vector<16xf32>
      %mul3A_1089 = arith.mulf %add3A_978, %div3A_1057 : vector<16xf32>
      %mul3A_1090 = arith.mulf %add3A_979, %div3A_1060 : vector<16xf32>
      %mul3A_1091 = arith.mulf %add3A_980, %div3A_1063 : vector<16xf32>
      %mul3A_1092 = arith.mulf %add3A_981, %div3A_1066 : vector<16xf32>
      %mul3A_1093 = arith.mulf %add3A_982, %div3A_1069 : vector<16xf32>
      %mul3A_1094 = arith.mulf %add3A_983, %div3A_1072 : vector<16xf32>
      %mul3A_1095 = arith.mulf %add3A_984, %div3A_1075 : vector<16xf32>
      %mul3A_1096 = arith.mulf %add3A_985, %div3A_1078 : vector<16xf32>
      %mul3A_1097 = arith.mulf %add3A_986, %div3A_1081 : vector<16xf32>
      %bitcast3A = vector.bitcast %mul3A_1082 : vector<16xf32> to vector<16xi32>
      %add3A_1098 = arith.constant 4194304 : i32
      %add3A_1099 = vector.broadcast %add3A_1098 : i32 to vector<16xi32>
      %add3A_1100 = arith.addi %bitcast3A, %add3A_1099 : vector<16xi32>
      %shift_right_arithmetic3A = arith.constant 23 : i32
      %shift_right_arithmetic3A_1101 = vector.broadcast %shift_right_arithmetic3A : i32 to vector<16xi32>
      %shift_right_arithmetic3A_1102 = arith.shrsi %add3A_1100, %shift_right_arithmetic3A_1101 : vector<16xi32>
      %sub3A_1103 = arith.constant 254 : i32
      %sub3A_1104 = vector.broadcast %sub3A_1103 : i32 to vector<16xi32>
      %sub3A_1105 = arith.subi %sub3A_1104, %shift_right_arithmetic3A_1102 : vector<16xi32>
      %shift_left3A = arith.constant 23 : i32
      %shift_left3A_1106 = vector.broadcast %shift_left3A : i32 to vector<16xi32>
      %shift_left3A_1107 = arith.shli %sub3A_1105, %shift_left3A_1106 : vector<16xi32>
      %bitcast3A_1108 = vector.bitcast %shift_left3A_1107 : vector<16xi32> to vector<16xf32>
      %mul3A_1109 = arith.mulf %mul3A_1082, %bitcast3A_1108 : vector<16xf32>
      %sub3A_1110 = arith.constant 1.000000e+00 : f32
      %sub3A_1111 = vector.broadcast %sub3A_1110 : f32 to vector<16xf32>
      %sub3A_1112 = arith.subf %mul3A_1109, %sub3A_1111 : vector<16xf32>
      %broadcast_in_dim3A_1113 = arith.constant -0.104627281 : f32
      %broadcast_in_dim3A_1114 = vector.broadcast %broadcast_in_dim3A_1113 : f32 to vector<16xf32>
      %mul3A_1115 = arith.mulf %broadcast_in_dim3A_1114, %sub3A_1112 : vector<16xf32>
      %add3A_1116 = arith.constant 0.202413872 : f32
      %add3A_1117 = vector.broadcast %add3A_1116 : f32 to vector<16xf32>
      %add3A_1118 = arith.addf %mul3A_1115, %add3A_1117 : vector<16xf32>
      %mul3A_1119 = arith.mulf %add3A_1118, %sub3A_1112 : vector<16xf32>
      %add3A_1120 = arith.constant -0.255314916 : f32
      %add3A_1121 = vector.broadcast %add3A_1120 : f32 to vector<16xf32>
      %add3A_1122 = arith.addf %mul3A_1119, %add3A_1121 : vector<16xf32>
      %mul3A_1123 = arith.mulf %add3A_1122, %sub3A_1112 : vector<16xf32>
      %add3A_1124 = arith.constant 0.333631486 : f32
      %add3A_1125 = vector.broadcast %add3A_1124 : f32 to vector<16xf32>
      %add3A_1126 = arith.addf %mul3A_1123, %add3A_1125 : vector<16xf32>
      %mul3A_1127 = arith.mulf %add3A_1126, %sub3A_1112 : vector<16xf32>
      %add3A_1128 = arith.constant -0.499911308 : f32
      %add3A_1129 = vector.broadcast %add3A_1128 : f32 to vector<16xf32>
      %add3A_1130 = arith.addf %mul3A_1127, %add3A_1129 : vector<16xf32>
      %mul3A_1131 = arith.mulf %add3A_1130, %sub3A_1112 : vector<16xf32>
      %add3A_1132 = arith.constant 0.999997496 : f32
      %add3A_1133 = vector.broadcast %add3A_1132 : f32 to vector<16xf32>
      %add3A_1134 = arith.addf %mul3A_1131, %add3A_1133 : vector<16xf32>
      %convert_element_type3A = arith.sitofp %shift_right_arithmetic3A_1102 : vector<16xi32> to vector<16xf32>
      %mul3A_1135 = arith.constant 0.693147182 : f32
      %mul3A_1136 = vector.broadcast %mul3A_1135 : f32 to vector<16xf32>
      %mul3A_1137 = arith.mulf %convert_element_type3A, %mul3A_1136 : vector<16xf32>
      %mul3A_1138 = arith.mulf %sub3A_1112, %add3A_1134 : vector<16xf32>
      %add3A_1139 = arith.addf %mul3A_1137, %mul3A_1138 : vector<16xf32>
      %bitcast3A_1140 = vector.bitcast %mul3A_1083 : vector<16xf32> to vector<16xi32>
      %add3A_1141 = arith.constant 4194304 : i32
      %add3A_1142 = vector.broadcast %add3A_1141 : i32 to vector<16xi32>
      %add3A_1143 = arith.addi %bitcast3A_1140, %add3A_1142 : vector<16xi32>
      %shift_right_arithmetic3A_1144 = arith.constant 23 : i32
      %shift_right_arithmetic3A_1145 = vector.broadcast %shift_right_arithmetic3A_1144 : i32 to vector<16xi32>
      %shift_right_arithmetic3A_1146 = arith.shrsi %add3A_1143, %shift_right_arithmetic3A_1145 : vector<16xi32>
      %sub3A_1147 = arith.constant 254 : i32
      %sub3A_1148 = vector.broadcast %sub3A_1147 : i32 to vector<16xi32>
      %sub3A_1149 = arith.subi %sub3A_1148, %shift_right_arithmetic3A_1146 : vector<16xi32>
      %shift_left3A_1150 = arith.constant 23 : i32
      %shift_left3A_1151 = vector.broadcast %shift_left3A_1150 : i32 to vector<16xi32>
      %shift_left3A_1152 = arith.shli %sub3A_1149, %shift_left3A_1151 : vector<16xi32>
      %bitcast3A_1153 = vector.bitcast %shift_left3A_1152 : vector<16xi32> to vector<16xf32>
      %mul3A_1154 = arith.mulf %mul3A_1083, %bitcast3A_1153 : vector<16xf32>
      %sub3A_1155 = arith.constant 1.000000e+00 : f32
      %sub3A_1156 = vector.broadcast %sub3A_1155 : f32 to vector<16xf32>
      %sub3A_1157 = arith.subf %mul3A_1154, %sub3A_1156 : vector<16xf32>
      %broadcast_in_dim3A_1158 = arith.constant -0.104627281 : f32
      %broadcast_in_dim3A_1159 = vector.broadcast %broadcast_in_dim3A_1158 : f32 to vector<16xf32>
      %mul3A_1160 = arith.mulf %broadcast_in_dim3A_1159, %sub3A_1157 : vector<16xf32>
      %add3A_1161 = arith.constant 0.202413872 : f32
      %add3A_1162 = vector.broadcast %add3A_1161 : f32 to vector<16xf32>
      %add3A_1163 = arith.addf %mul3A_1160, %add3A_1162 : vector<16xf32>
      %mul3A_1164 = arith.mulf %add3A_1163, %sub3A_1157 : vector<16xf32>
      %add3A_1165 = arith.constant -0.255314916 : f32
      %add3A_1166 = vector.broadcast %add3A_1165 : f32 to vector<16xf32>
      %add3A_1167 = arith.addf %mul3A_1164, %add3A_1166 : vector<16xf32>
      %mul3A_1168 = arith.mulf %add3A_1167, %sub3A_1157 : vector<16xf32>
      %add3A_1169 = arith.constant 0.333631486 : f32
      %add3A_1170 = vector.broadcast %add3A_1169 : f32 to vector<16xf32>
      %add3A_1171 = arith.addf %mul3A_1168, %add3A_1170 : vector<16xf32>
      %mul3A_1172 = arith.mulf %add3A_1171, %sub3A_1157 : vector<16xf32>
      %add3A_1173 = arith.constant -0.499911308 : f32
      %add3A_1174 = vector.broadcast %add3A_1173 : f32 to vector<16xf32>
      %add3A_1175 = arith.addf %mul3A_1172, %add3A_1174 : vector<16xf32>
      %mul3A_1176 = arith.mulf %add3A_1175, %sub3A_1157 : vector<16xf32>
      %add3A_1177 = arith.constant 0.999997496 : f32
      %add3A_1178 = vector.broadcast %add3A_1177 : f32 to vector<16xf32>
      %add3A_1179 = arith.addf %mul3A_1176, %add3A_1178 : vector<16xf32>
      %convert_element_type3A_1180 = arith.sitofp %shift_right_arithmetic3A_1146 : vector<16xi32> to vector<16xf32>
      %mul3A_1181 = arith.constant 0.693147182 : f32
      %mul3A_1182 = vector.broadcast %mul3A_1181 : f32 to vector<16xf32>
      %mul3A_1183 = arith.mulf %convert_element_type3A_1180, %mul3A_1182 : vector<16xf32>
      %mul3A_1184 = arith.mulf %sub3A_1157, %add3A_1179 : vector<16xf32>
      %add3A_1185 = arith.addf %mul3A_1183, %mul3A_1184 : vector<16xf32>
      %bitcast3A_1186 = vector.bitcast %mul3A_1084 : vector<16xf32> to vector<16xi32>
      %add3A_1187 = arith.constant 4194304 : i32
      %add3A_1188 = vector.broadcast %add3A_1187 : i32 to vector<16xi32>
      %add3A_1189 = arith.addi %bitcast3A_1186, %add3A_1188 : vector<16xi32>
      %shift_right_arithmetic3A_1190 = arith.constant 23 : i32
      %shift_right_arithmetic3A_1191 = vector.broadcast %shift_right_arithmetic3A_1190 : i32 to vector<16xi32>
      %shift_right_arithmetic3A_1192 = arith.shrsi %add3A_1189, %shift_right_arithmetic3A_1191 : vector<16xi32>
      %sub3A_1193 = arith.constant 254 : i32
      %sub3A_1194 = vector.broadcast %sub3A_1193 : i32 to vector<16xi32>
      %sub3A_1195 = arith.subi %sub3A_1194, %shift_right_arithmetic3A_1192 : vector<16xi32>
      %shift_left3A_1196 = arith.constant 23 : i32
      %shift_left3A_1197 = vector.broadcast %shift_left3A_1196 : i32 to vector<16xi32>
      %shift_left3A_1198 = arith.shli %sub3A_1195, %shift_left3A_1197 : vector<16xi32>
      %bitcast3A_1199 = vector.bitcast %shift_left3A_1198 : vector<16xi32> to vector<16xf32>
      %mul3A_1200 = arith.mulf %mul3A_1084, %bitcast3A_1199 : vector<16xf32>
      %sub3A_1201 = arith.constant 1.000000e+00 : f32
      %sub3A_1202 = vector.broadcast %sub3A_1201 : f32 to vector<16xf32>
      %sub3A_1203 = arith.subf %mul3A_1200, %sub3A_1202 : vector<16xf32>
      %broadcast_in_dim3A_1204 = arith.constant -0.104627281 : f32
      %broadcast_in_dim3A_1205 = vector.broadcast %broadcast_in_dim3A_1204 : f32 to vector<16xf32>
      %mul3A_1206 = arith.mulf %broadcast_in_dim3A_1205, %sub3A_1203 : vector<16xf32>
      %add3A_1207 = arith.constant 0.202413872 : f32
      %add3A_1208 = vector.broadcast %add3A_1207 : f32 to vector<16xf32>
      %add3A_1209 = arith.addf %mul3A_1206, %add3A_1208 : vector<16xf32>
      %mul3A_1210 = arith.mulf %add3A_1209, %sub3A_1203 : vector<16xf32>
      %add3A_1211 = arith.constant -0.255314916 : f32
      %add3A_1212 = vector.broadcast %add3A_1211 : f32 to vector<16xf32>
      %add3A_1213 = arith.addf %mul3A_1210, %add3A_1212 : vector<16xf32>
      %mul3A_1214 = arith.mulf %add3A_1213, %sub3A_1203 : vector<16xf32>
      %add3A_1215 = arith.constant 0.333631486 : f32
      %add3A_1216 = vector.broadcast %add3A_1215 : f32 to vector<16xf32>
      %add3A_1217 = arith.addf %mul3A_1214, %add3A_1216 : vector<16xf32>
      %mul3A_1218 = arith.mulf %add3A_1217, %sub3A_1203 : vector<16xf32>
      %add3A_1219 = arith.constant -0.499911308 : f32
      %add3A_1220 = vector.broadcast %add3A_1219 : f32 to vector<16xf32>
      %add3A_1221 = arith.addf %mul3A_1218, %add3A_1220 : vector<16xf32>
      %mul3A_1222 = arith.mulf %add3A_1221, %sub3A_1203 : vector<16xf32>
      %add3A_1223 = arith.constant 0.999997496 : f32
      %add3A_1224 = vector.broadcast %add3A_1223 : f32 to vector<16xf32>
      %add3A_1225 = arith.addf %mul3A_1222, %add3A_1224 : vector<16xf32>
      %convert_element_type3A_1226 = arith.sitofp %shift_right_arithmetic3A_1192 : vector<16xi32> to vector<16xf32>
      %mul3A_1227 = arith.constant 0.693147182 : f32
      %mul3A_1228 = vector.broadcast %mul3A_1227 : f32 to vector<16xf32>
      %mul3A_1229 = arith.mulf %convert_element_type3A_1226, %mul3A_1228 : vector<16xf32>
      %mul3A_1230 = arith.mulf %sub3A_1203, %add3A_1225 : vector<16xf32>
      %add3A_1231 = arith.addf %mul3A_1229, %mul3A_1230 : vector<16xf32>
      %bitcast3A_1232 = vector.bitcast %mul3A_1085 : vector<16xf32> to vector<16xi32>
      %add3A_1233 = arith.constant 4194304 : i32
      %add3A_1234 = vector.broadcast %add3A_1233 : i32 to vector<16xi32>
      %add3A_1235 = arith.addi %bitcast3A_1232, %add3A_1234 : vector<16xi32>
      %shift_right_arithmetic3A_1236 = arith.constant 23 : i32
      %shift_right_arithmetic3A_1237 = vector.broadcast %shift_right_arithmetic3A_1236 : i32 to vector<16xi32>
      %shift_right_arithmetic3A_1238 = arith.shrsi %add3A_1235, %shift_right_arithmetic3A_1237 : vector<16xi32>
      %sub3A_1239 = arith.constant 254 : i32
      %sub3A_1240 = vector.broadcast %sub3A_1239 : i32 to vector<16xi32>
      %sub3A_1241 = arith.subi %sub3A_1240, %shift_right_arithmetic3A_1238 : vector<16xi32>
      %shift_left3A_1242 = arith.constant 23 : i32
      %shift_left3A_1243 = vector.broadcast %shift_left3A_1242 : i32 to vector<16xi32>
      %shift_left3A_1244 = arith.shli %sub3A_1241, %shift_left3A_1243 : vector<16xi32>
      %bitcast3A_1245 = vector.bitcast %shift_left3A_1244 : vector<16xi32> to vector<16xf32>
      %mul3A_1246 = arith.mulf %mul3A_1085, %bitcast3A_1245 : vector<16xf32>
      %sub3A_1247 = arith.constant 1.000000e+00 : f32
      %sub3A_1248 = vector.broadcast %sub3A_1247 : f32 to vector<16xf32>
      %sub3A_1249 = arith.subf %mul3A_1246, %sub3A_1248 : vector<16xf32>
      %broadcast_in_dim3A_1250 = arith.constant -0.104627281 : f32
      %broadcast_in_dim3A_1251 = vector.broadcast %broadcast_in_dim3A_1250 : f32 to vector<16xf32>
      %mul3A_1252 = arith.mulf %broadcast_in_dim3A_1251, %sub3A_1249 : vector<16xf32>
      %add3A_1253 = arith.constant 0.202413872 : f32
      %add3A_1254 = vector.broadcast %add3A_1253 : f32 to vector<16xf32>
      %add3A_1255 = arith.addf %mul3A_1252, %add3A_1254 : vector<16xf32>
      %mul3A_1256 = arith.mulf %add3A_1255, %sub3A_1249 : vector<16xf32>
      %add3A_1257 = arith.constant -0.255314916 : f32
      %add3A_1258 = vector.broadcast %add3A_1257 : f32 to vector<16xf32>
      %add3A_1259 = arith.addf %mul3A_1256, %add3A_1258 : vector<16xf32>
      %mul3A_1260 = arith.mulf %add3A_1259, %sub3A_1249 : vector<16xf32>
      %add3A_1261 = arith.constant 0.333631486 : f32
      %add3A_1262 = vector.broadcast %add3A_1261 : f32 to vector<16xf32>
      %add3A_1263 = arith.addf %mul3A_1260, %add3A_1262 : vector<16xf32>
      %mul3A_1264 = arith.mulf %add3A_1263, %sub3A_1249 : vector<16xf32>
      %add3A_1265 = arith.constant -0.499911308 : f32
      %add3A_1266 = vector.broadcast %add3A_1265 : f32 to vector<16xf32>
      %add3A_1267 = arith.addf %mul3A_1264, %add3A_1266 : vector<16xf32>
      %mul3A_1268 = arith.mulf %add3A_1267, %sub3A_1249 : vector<16xf32>
      %add3A_1269 = arith.constant 0.999997496 : f32
      %add3A_1270 = vector.broadcast %add3A_1269 : f32 to vector<16xf32>
      %add3A_1271 = arith.addf %mul3A_1268, %add3A_1270 : vector<16xf32>
      %convert_element_type3A_1272 = arith.sitofp %shift_right_arithmetic3A_1238 : vector<16xi32> to vector<16xf32>
      %mul3A_1273 = arith.constant 0.693147182 : f32
      %mul3A_1274 = vector.broadcast %mul3A_1273 : f32 to vector<16xf32>
      %mul3A_1275 = arith.mulf %convert_element_type3A_1272, %mul3A_1274 : vector<16xf32>
      %mul3A_1276 = arith.mulf %sub3A_1249, %add3A_1271 : vector<16xf32>
      %add3A_1277 = arith.addf %mul3A_1275, %mul3A_1276 : vector<16xf32>
      %bitcast3A_1278 = vector.bitcast %mul3A_1086 : vector<16xf32> to vector<16xi32>
      %add3A_1279 = arith.constant 4194304 : i32
      %add3A_1280 = vector.broadcast %add3A_1279 : i32 to vector<16xi32>
      %add3A_1281 = arith.addi %bitcast3A_1278, %add3A_1280 : vector<16xi32>
      %shift_right_arithmetic3A_1282 = arith.constant 23 : i32
      %shift_right_arithmetic3A_1283 = vector.broadcast %shift_right_arithmetic3A_1282 : i32 to vector<16xi32>
      %shift_right_arithmetic3A_1284 = arith.shrsi %add3A_1281, %shift_right_arithmetic3A_1283 : vector<16xi32>
      %sub3A_1285 = arith.constant 254 : i32
      %sub3A_1286 = vector.broadcast %sub3A_1285 : i32 to vector<16xi32>
      %sub3A_1287 = arith.subi %sub3A_1286, %shift_right_arithmetic3A_1284 : vector<16xi32>
      %shift_left3A_1288 = arith.constant 23 : i32
      %shift_left3A_1289 = vector.broadcast %shift_left3A_1288 : i32 to vector<16xi32>
      %shift_left3A_1290 = arith.shli %sub3A_1287, %shift_left3A_1289 : vector<16xi32>
      %bitcast3A_1291 = vector.bitcast %shift_left3A_1290 : vector<16xi32> to vector<16xf32>
      %mul3A_1292 = arith.mulf %mul3A_1086, %bitcast3A_1291 : vector<16xf32>
      %sub3A_1293 = arith.constant 1.000000e+00 : f32
      %sub3A_1294 = vector.broadcast %sub3A_1293 : f32 to vector<16xf32>
      %sub3A_1295 = arith.subf %mul3A_1292, %sub3A_1294 : vector<16xf32>
      %broadcast_in_dim3A_1296 = arith.constant -0.104627281 : f32
      %broadcast_in_dim3A_1297 = vector.broadcast %broadcast_in_dim3A_1296 : f32 to vector<16xf32>
      %mul3A_1298 = arith.mulf %broadcast_in_dim3A_1297, %sub3A_1295 : vector<16xf32>
      %add3A_1299 = arith.constant 0.202413872 : f32
      %add3A_1300 = vector.broadcast %add3A_1299 : f32 to vector<16xf32>
      %add3A_1301 = arith.addf %mul3A_1298, %add3A_1300 : vector<16xf32>
      %mul3A_1302 = arith.mulf %add3A_1301, %sub3A_1295 : vector<16xf32>
      %add3A_1303 = arith.constant -0.255314916 : f32
      %add3A_1304 = vector.broadcast %add3A_1303 : f32 to vector<16xf32>
      %add3A_1305 = arith.addf %mul3A_1302, %add3A_1304 : vector<16xf32>
      %mul3A_1306 = arith.mulf %add3A_1305, %sub3A_1295 : vector<16xf32>
      %add3A_1307 = arith.constant 0.333631486 : f32
      %add3A_1308 = vector.broadcast %add3A_1307 : f32 to vector<16xf32>
      %add3A_1309 = arith.addf %mul3A_1306, %add3A_1308 : vector<16xf32>
      %mul3A_1310 = arith.mulf %add3A_1309, %sub3A_1295 : vector<16xf32>
      %add3A_1311 = arith.constant -0.499911308 : f32
      %add3A_1312 = vector.broadcast %add3A_1311 : f32 to vector<16xf32>
      %add3A_1313 = arith.addf %mul3A_1310, %add3A_1312 : vector<16xf32>
      %mul3A_1314 = arith.mulf %add3A_1313, %sub3A_1295 : vector<16xf32>
      %add3A_1315 = arith.constant 0.999997496 : f32
      %add3A_1316 = vector.broadcast %add3A_1315 : f32 to vector<16xf32>
      %add3A_1317 = arith.addf %mul3A_1314, %add3A_1316 : vector<16xf32>
      %convert_element_type3A_1318 = arith.sitofp %shift_right_arithmetic3A_1284 : vector<16xi32> to vector<16xf32>
      %mul3A_1319 = arith.constant 0.693147182 : f32
      %mul3A_1320 = vector.broadcast %mul3A_1319 : f32 to vector<16xf32>
      %mul3A_1321 = arith.mulf %convert_element_type3A_1318, %mul3A_1320 : vector<16xf32>
      %mul3A_1322 = arith.mulf %sub3A_1295, %add3A_1317 : vector<16xf32>
      %add3A_1323 = arith.addf %mul3A_1321, %mul3A_1322 : vector<16xf32>
      %bitcast3A_1324 = vector.bitcast %mul3A_1087 : vector<16xf32> to vector<16xi32>
      %add3A_1325 = arith.constant 4194304 : i32
      %add3A_1326 = vector.broadcast %add3A_1325 : i32 to vector<16xi32>
      %add3A_1327 = arith.addi %bitcast3A_1324, %add3A_1326 : vector<16xi32>
      %shift_right_arithmetic3A_1328 = arith.constant 23 : i32
      %shift_right_arithmetic3A_1329 = vector.broadcast %shift_right_arithmetic3A_1328 : i32 to vector<16xi32>
      %shift_right_arithmetic3A_1330 = arith.shrsi %add3A_1327, %shift_right_arithmetic3A_1329 : vector<16xi32>
      %sub3A_1331 = arith.constant 254 : i32
      %sub3A_1332 = vector.broadcast %sub3A_1331 : i32 to vector<16xi32>
      %sub3A_1333 = arith.subi %sub3A_1332, %shift_right_arithmetic3A_1330 : vector<16xi32>
      %shift_left3A_1334 = arith.constant 23 : i32
      %shift_left3A_1335 = vector.broadcast %shift_left3A_1334 : i32 to vector<16xi32>
      %shift_left3A_1336 = arith.shli %sub3A_1333, %shift_left3A_1335 : vector<16xi32>
      %bitcast3A_1337 = vector.bitcast %shift_left3A_1336 : vector<16xi32> to vector<16xf32>
      %mul3A_1338 = arith.mulf %mul3A_1087, %bitcast3A_1337 : vector<16xf32>
      %sub3A_1339 = arith.constant 1.000000e+00 : f32
      %sub3A_1340 = vector.broadcast %sub3A_1339 : f32 to vector<16xf32>
      %sub3A_1341 = arith.subf %mul3A_1338, %sub3A_1340 : vector<16xf32>
      %broadcast_in_dim3A_1342 = arith.constant -0.104627281 : f32
      %broadcast_in_dim3A_1343 = vector.broadcast %broadcast_in_dim3A_1342 : f32 to vector<16xf32>
      %mul3A_1344 = arith.mulf %broadcast_in_dim3A_1343, %sub3A_1341 : vector<16xf32>
      %add3A_1345 = arith.constant 0.202413872 : f32
      %add3A_1346 = vector.broadcast %add3A_1345 : f32 to vector<16xf32>
      %add3A_1347 = arith.addf %mul3A_1344, %add3A_1346 : vector<16xf32>
      %mul3A_1348 = arith.mulf %add3A_1347, %sub3A_1341 : vector<16xf32>
      %add3A_1349 = arith.constant -0.255314916 : f32
      %add3A_1350 = vector.broadcast %add3A_1349 : f32 to vector<16xf32>
      %add3A_1351 = arith.addf %mul3A_1348, %add3A_1350 : vector<16xf32>
      %mul3A_1352 = arith.mulf %add3A_1351, %sub3A_1341 : vector<16xf32>
      %add3A_1353 = arith.constant 0.333631486 : f32
      %add3A_1354 = vector.broadcast %add3A_1353 : f32 to vector<16xf32>
      %add3A_1355 = arith.addf %mul3A_1352, %add3A_1354 : vector<16xf32>
      %mul3A_1356 = arith.mulf %add3A_1355, %sub3A_1341 : vector<16xf32>
      %add3A_1357 = arith.constant -0.499911308 : f32
      %add3A_1358 = vector.broadcast %add3A_1357 : f32 to vector<16xf32>
      %add3A_1359 = arith.addf %mul3A_1356, %add3A_1358 : vector<16xf32>
      %mul3A_1360 = arith.mulf %add3A_1359, %sub3A_1341 : vector<16xf32>
      %add3A_1361 = arith.constant 0.999997496 : f32
      %add3A_1362 = vector.broadcast %add3A_1361 : f32 to vector<16xf32>
      %add3A_1363 = arith.addf %mul3A_1360, %add3A_1362 : vector<16xf32>
      %convert_element_type3A_1364 = arith.sitofp %shift_right_arithmetic3A_1330 : vector<16xi32> to vector<16xf32>
      %mul3A_1365 = arith.constant 0.693147182 : f32
      %mul3A_1366 = vector.broadcast %mul3A_1365 : f32 to vector<16xf32>
      %mul3A_1367 = arith.mulf %convert_element_type3A_1364, %mul3A_1366 : vector<16xf32>
      %mul3A_1368 = arith.mulf %sub3A_1341, %add3A_1363 : vector<16xf32>
      %add3A_1369 = arith.addf %mul3A_1367, %mul3A_1368 : vector<16xf32>
      %bitcast3A_1370 = vector.bitcast %mul3A_1088 : vector<16xf32> to vector<16xi32>
      %add3A_1371 = arith.constant 4194304 : i32
      %add3A_1372 = vector.broadcast %add3A_1371 : i32 to vector<16xi32>
      %add3A_1373 = arith.addi %bitcast3A_1370, %add3A_1372 : vector<16xi32>
      %shift_right_arithmetic3A_1374 = arith.constant 23 : i32
      %shift_right_arithmetic3A_1375 = vector.broadcast %shift_right_arithmetic3A_1374 : i32 to vector<16xi32>
      %shift_right_arithmetic3A_1376 = arith.shrsi %add3A_1373, %shift_right_arithmetic3A_1375 : vector<16xi32>
      %sub3A_1377 = arith.constant 254 : i32
      %sub3A_1378 = vector.broadcast %sub3A_1377 : i32 to vector<16xi32>
      %sub3A_1379 = arith.subi %sub3A_1378, %shift_right_arithmetic3A_1376 : vector<16xi32>
      %shift_left3A_1380 = arith.constant 23 : i32
      %shift_left3A_1381 = vector.broadcast %shift_left3A_1380 : i32 to vector<16xi32>
      %shift_left3A_1382 = arith.shli %sub3A_1379, %shift_left3A_1381 : vector<16xi32>
      %bitcast3A_1383 = vector.bitcast %shift_left3A_1382 : vector<16xi32> to vector<16xf32>
      %mul3A_1384 = arith.mulf %mul3A_1088, %bitcast3A_1383 : vector<16xf32>
      %sub3A_1385 = arith.constant 1.000000e+00 : f32
      %sub3A_1386 = vector.broadcast %sub3A_1385 : f32 to vector<16xf32>
      %sub3A_1387 = arith.subf %mul3A_1384, %sub3A_1386 : vector<16xf32>
      %broadcast_in_dim3A_1388 = arith.constant -0.104627281 : f32
      %broadcast_in_dim3A_1389 = vector.broadcast %broadcast_in_dim3A_1388 : f32 to vector<16xf32>
      %mul3A_1390 = arith.mulf %broadcast_in_dim3A_1389, %sub3A_1387 : vector<16xf32>
      %add3A_1391 = arith.constant 0.202413872 : f32
      %add3A_1392 = vector.broadcast %add3A_1391 : f32 to vector<16xf32>
      %add3A_1393 = arith.addf %mul3A_1390, %add3A_1392 : vector<16xf32>
      %mul3A_1394 = arith.mulf %add3A_1393, %sub3A_1387 : vector<16xf32>
      %add3A_1395 = arith.constant -0.255314916 : f32
      %add3A_1396 = vector.broadcast %add3A_1395 : f32 to vector<16xf32>
      %add3A_1397 = arith.addf %mul3A_1394, %add3A_1396 : vector<16xf32>
      %mul3A_1398 = arith.mulf %add3A_1397, %sub3A_1387 : vector<16xf32>
      %add3A_1399 = arith.constant 0.333631486 : f32
      %add3A_1400 = vector.broadcast %add3A_1399 : f32 to vector<16xf32>
      %add3A_1401 = arith.addf %mul3A_1398, %add3A_1400 : vector<16xf32>
      %mul3A_1402 = arith.mulf %add3A_1401, %sub3A_1387 : vector<16xf32>
      %add3A_1403 = arith.constant -0.499911308 : f32
      %add3A_1404 = vector.broadcast %add3A_1403 : f32 to vector<16xf32>
      %add3A_1405 = arith.addf %mul3A_1402, %add3A_1404 : vector<16xf32>
      %mul3A_1406 = arith.mulf %add3A_1405, %sub3A_1387 : vector<16xf32>
      %add3A_1407 = arith.constant 0.999997496 : f32
      %add3A_1408 = vector.broadcast %add3A_1407 : f32 to vector<16xf32>
      %add3A_1409 = arith.addf %mul3A_1406, %add3A_1408 : vector<16xf32>
      %convert_element_type3A_1410 = arith.sitofp %shift_right_arithmetic3A_1376 : vector<16xi32> to vector<16xf32>
      %mul3A_1411 = arith.constant 0.693147182 : f32
      %mul3A_1412 = vector.broadcast %mul3A_1411 : f32 to vector<16xf32>
      %mul3A_1413 = arith.mulf %convert_element_type3A_1410, %mul3A_1412 : vector<16xf32>
      %mul3A_1414 = arith.mulf %sub3A_1387, %add3A_1409 : vector<16xf32>
      %add3A_1415 = arith.addf %mul3A_1413, %mul3A_1414 : vector<16xf32>
      %bitcast3A_1416 = vector.bitcast %mul3A_1089 : vector<16xf32> to vector<16xi32>
      %add3A_1417 = arith.constant 4194304 : i32
      %add3A_1418 = vector.broadcast %add3A_1417 : i32 to vector<16xi32>
      %add3A_1419 = arith.addi %bitcast3A_1416, %add3A_1418 : vector<16xi32>
      %shift_right_arithmetic3A_1420 = arith.constant 23 : i32
      %shift_right_arithmetic3A_1421 = vector.broadcast %shift_right_arithmetic3A_1420 : i32 to vector<16xi32>
      %shift_right_arithmetic3A_1422 = arith.shrsi %add3A_1419, %shift_right_arithmetic3A_1421 : vector<16xi32>
      %sub3A_1423 = arith.constant 254 : i32
      %sub3A_1424 = vector.broadcast %sub3A_1423 : i32 to vector<16xi32>
      %sub3A_1425 = arith.subi %sub3A_1424, %shift_right_arithmetic3A_1422 : vector<16xi32>
      %shift_left3A_1426 = arith.constant 23 : i32
      %shift_left3A_1427 = vector.broadcast %shift_left3A_1426 : i32 to vector<16xi32>
      %shift_left3A_1428 = arith.shli %sub3A_1425, %shift_left3A_1427 : vector<16xi32>
      %bitcast3A_1429 = vector.bitcast %shift_left3A_1428 : vector<16xi32> to vector<16xf32>
      %mul3A_1430 = arith.mulf %mul3A_1089, %bitcast3A_1429 : vector<16xf32>
      %sub3A_1431 = arith.constant 1.000000e+00 : f32
      %sub3A_1432 = vector.broadcast %sub3A_1431 : f32 to vector<16xf32>
      %sub3A_1433 = arith.subf %mul3A_1430, %sub3A_1432 : vector<16xf32>
      %broadcast_in_dim3A_1434 = arith.constant -0.104627281 : f32
      %broadcast_in_dim3A_1435 = vector.broadcast %broadcast_in_dim3A_1434 : f32 to vector<16xf32>
      %mul3A_1436 = arith.mulf %broadcast_in_dim3A_1435, %sub3A_1433 : vector<16xf32>
      %add3A_1437 = arith.constant 0.202413872 : f32
      %add3A_1438 = vector.broadcast %add3A_1437 : f32 to vector<16xf32>
      %add3A_1439 = arith.addf %mul3A_1436, %add3A_1438 : vector<16xf32>
      %mul3A_1440 = arith.mulf %add3A_1439, %sub3A_1433 : vector<16xf32>
      %add3A_1441 = arith.constant -0.255314916 : f32
      %add3A_1442 = vector.broadcast %add3A_1441 : f32 to vector<16xf32>
      %add3A_1443 = arith.addf %mul3A_1440, %add3A_1442 : vector<16xf32>
      %mul3A_1444 = arith.mulf %add3A_1443, %sub3A_1433 : vector<16xf32>
      %add3A_1445 = arith.constant 0.333631486 : f32
      %add3A_1446 = vector.broadcast %add3A_1445 : f32 to vector<16xf32>
      %add3A_1447 = arith.addf %mul3A_1444, %add3A_1446 : vector<16xf32>
      %mul3A_1448 = arith.mulf %add3A_1447, %sub3A_1433 : vector<16xf32>
      %add3A_1449 = arith.constant -0.499911308 : f32
      %add3A_1450 = vector.broadcast %add3A_1449 : f32 to vector<16xf32>
      %add3A_1451 = arith.addf %mul3A_1448, %add3A_1450 : vector<16xf32>
      %mul3A_1452 = arith.mulf %add3A_1451, %sub3A_1433 : vector<16xf32>
      %add3A_1453 = arith.constant 0.999997496 : f32
      %add3A_1454 = vector.broadcast %add3A_1453 : f32 to vector<16xf32>
      %add3A_1455 = arith.addf %mul3A_1452, %add3A_1454 : vector<16xf32>
      %convert_element_type3A_1456 = arith.sitofp %shift_right_arithmetic3A_1422 : vector<16xi32> to vector<16xf32>
      %mul3A_1457 = arith.constant 0.693147182 : f32
      %mul3A_1458 = vector.broadcast %mul3A_1457 : f32 to vector<16xf32>
      %mul3A_1459 = arith.mulf %convert_element_type3A_1456, %mul3A_1458 : vector<16xf32>
      %mul3A_1460 = arith.mulf %sub3A_1433, %add3A_1455 : vector<16xf32>
      %add3A_1461 = arith.addf %mul3A_1459, %mul3A_1460 : vector<16xf32>
      %bitcast3A_1462 = vector.bitcast %mul3A_1090 : vector<16xf32> to vector<16xi32>
      %add3A_1463 = arith.constant 4194304 : i32
      %add3A_1464 = vector.broadcast %add3A_1463 : i32 to vector<16xi32>
      %add3A_1465 = arith.addi %bitcast3A_1462, %add3A_1464 : vector<16xi32>
      %shift_right_arithmetic3A_1466 = arith.constant 23 : i32
      %shift_right_arithmetic3A_1467 = vector.broadcast %shift_right_arithmetic3A_1466 : i32 to vector<16xi32>
      %shift_right_arithmetic3A_1468 = arith.shrsi %add3A_1465, %shift_right_arithmetic3A_1467 : vector<16xi32>
      %sub3A_1469 = arith.constant 254 : i32
      %sub3A_1470 = vector.broadcast %sub3A_1469 : i32 to vector<16xi32>
      %sub3A_1471 = arith.subi %sub3A_1470, %shift_right_arithmetic3A_1468 : vector<16xi32>
      %shift_left3A_1472 = arith.constant 23 : i32
      %shift_left3A_1473 = vector.broadcast %shift_left3A_1472 : i32 to vector<16xi32>
      %shift_left3A_1474 = arith.shli %sub3A_1471, %shift_left3A_1473 : vector<16xi32>
      %bitcast3A_1475 = vector.bitcast %shift_left3A_1474 : vector<16xi32> to vector<16xf32>
      %mul3A_1476 = arith.mulf %mul3A_1090, %bitcast3A_1475 : vector<16xf32>
      %sub3A_1477 = arith.constant 1.000000e+00 : f32
      %sub3A_1478 = vector.broadcast %sub3A_1477 : f32 to vector<16xf32>
      %sub3A_1479 = arith.subf %mul3A_1476, %sub3A_1478 : vector<16xf32>
      %broadcast_in_dim3A_1480 = arith.constant -0.104627281 : f32
      %broadcast_in_dim3A_1481 = vector.broadcast %broadcast_in_dim3A_1480 : f32 to vector<16xf32>
      %mul3A_1482 = arith.mulf %broadcast_in_dim3A_1481, %sub3A_1479 : vector<16xf32>
      %add3A_1483 = arith.constant 0.202413872 : f32
      %add3A_1484 = vector.broadcast %add3A_1483 : f32 to vector<16xf32>
      %add3A_1485 = arith.addf %mul3A_1482, %add3A_1484 : vector<16xf32>
      %mul3A_1486 = arith.mulf %add3A_1485, %sub3A_1479 : vector<16xf32>
      %add3A_1487 = arith.constant -0.255314916 : f32
      %add3A_1488 = vector.broadcast %add3A_1487 : f32 to vector<16xf32>
      %add3A_1489 = arith.addf %mul3A_1486, %add3A_1488 : vector<16xf32>
      %mul3A_1490 = arith.mulf %add3A_1489, %sub3A_1479 : vector<16xf32>
      %add3A_1491 = arith.constant 0.333631486 : f32
      %add3A_1492 = vector.broadcast %add3A_1491 : f32 to vector<16xf32>
      %add3A_1493 = arith.addf %mul3A_1490, %add3A_1492 : vector<16xf32>
      %mul3A_1494 = arith.mulf %add3A_1493, %sub3A_1479 : vector<16xf32>
      %add3A_1495 = arith.constant -0.499911308 : f32
      %add3A_1496 = vector.broadcast %add3A_1495 : f32 to vector<16xf32>
      %add3A_1497 = arith.addf %mul3A_1494, %add3A_1496 : vector<16xf32>
      %mul3A_1498 = arith.mulf %add3A_1497, %sub3A_1479 : vector<16xf32>
      %add3A_1499 = arith.constant 0.999997496 : f32
      %add3A_1500 = vector.broadcast %add3A_1499 : f32 to vector<16xf32>
      %add3A_1501 = arith.addf %mul3A_1498, %add3A_1500 : vector<16xf32>
      %convert_element_type3A_1502 = arith.sitofp %shift_right_arithmetic3A_1468 : vector<16xi32> to vector<16xf32>
      %mul3A_1503 = arith.constant 0.693147182 : f32
      %mul3A_1504 = vector.broadcast %mul3A_1503 : f32 to vector<16xf32>
      %mul3A_1505 = arith.mulf %convert_element_type3A_1502, %mul3A_1504 : vector<16xf32>
      %mul3A_1506 = arith.mulf %sub3A_1479, %add3A_1501 : vector<16xf32>
      %add3A_1507 = arith.addf %mul3A_1505, %mul3A_1506 : vector<16xf32>
      %bitcast3A_1508 = vector.bitcast %mul3A_1091 : vector<16xf32> to vector<16xi32>
      %add3A_1509 = arith.constant 4194304 : i32
      %add3A_1510 = vector.broadcast %add3A_1509 : i32 to vector<16xi32>
      %add3A_1511 = arith.addi %bitcast3A_1508, %add3A_1510 : vector<16xi32>
      %shift_right_arithmetic3A_1512 = arith.constant 23 : i32
      %shift_right_arithmetic3A_1513 = vector.broadcast %shift_right_arithmetic3A_1512 : i32 to vector<16xi32>
      %shift_right_arithmetic3A_1514 = arith.shrsi %add3A_1511, %shift_right_arithmetic3A_1513 : vector<16xi32>
      %sub3A_1515 = arith.constant 254 : i32
      %sub3A_1516 = vector.broadcast %sub3A_1515 : i32 to vector<16xi32>
      %sub3A_1517 = arith.subi %sub3A_1516, %shift_right_arithmetic3A_1514 : vector<16xi32>
      %shift_left3A_1518 = arith.constant 23 : i32
      %shift_left3A_1519 = vector.broadcast %shift_left3A_1518 : i32 to vector<16xi32>
      %shift_left3A_1520 = arith.shli %sub3A_1517, %shift_left3A_1519 : vector<16xi32>
      %bitcast3A_1521 = vector.bitcast %shift_left3A_1520 : vector<16xi32> to vector<16xf32>
      %mul3A_1522 = arith.mulf %mul3A_1091, %bitcast3A_1521 : vector<16xf32>
      %sub3A_1523 = arith.constant 1.000000e+00 : f32
      %sub3A_1524 = vector.broadcast %sub3A_1523 : f32 to vector<16xf32>
      %sub3A_1525 = arith.subf %mul3A_1522, %sub3A_1524 : vector<16xf32>
      %broadcast_in_dim3A_1526 = arith.constant -0.104627281 : f32
      %broadcast_in_dim3A_1527 = vector.broadcast %broadcast_in_dim3A_1526 : f32 to vector<16xf32>
      %mul3A_1528 = arith.mulf %broadcast_in_dim3A_1527, %sub3A_1525 : vector<16xf32>
      %add3A_1529 = arith.constant 0.202413872 : f32
      %add3A_1530 = vector.broadcast %add3A_1529 : f32 to vector<16xf32>
      %add3A_1531 = arith.addf %mul3A_1528, %add3A_1530 : vector<16xf32>
      %mul3A_1532 = arith.mulf %add3A_1531, %sub3A_1525 : vector<16xf32>
      %add3A_1533 = arith.constant -0.255314916 : f32
      %add3A_1534 = vector.broadcast %add3A_1533 : f32 to vector<16xf32>
      %add3A_1535 = arith.addf %mul3A_1532, %add3A_1534 : vector<16xf32>
      %mul3A_1536 = arith.mulf %add3A_1535, %sub3A_1525 : vector<16xf32>
      %add3A_1537 = arith.constant 0.333631486 : f32
      %add3A_1538 = vector.broadcast %add3A_1537 : f32 to vector<16xf32>
      %add3A_1539 = arith.addf %mul3A_1536, %add3A_1538 : vector<16xf32>
      %mul3A_1540 = arith.mulf %add3A_1539, %sub3A_1525 : vector<16xf32>
      %add3A_1541 = arith.constant -0.499911308 : f32
      %add3A_1542 = vector.broadcast %add3A_1541 : f32 to vector<16xf32>
      %add3A_1543 = arith.addf %mul3A_1540, %add3A_1542 : vector<16xf32>
      %mul3A_1544 = arith.mulf %add3A_1543, %sub3A_1525 : vector<16xf32>
      %add3A_1545 = arith.constant 0.999997496 : f32
      %add3A_1546 = vector.broadcast %add3A_1545 : f32 to vector<16xf32>
      %add3A_1547 = arith.addf %mul3A_1544, %add3A_1546 : vector<16xf32>
      %convert_element_type3A_1548 = arith.sitofp %shift_right_arithmetic3A_1514 : vector<16xi32> to vector<16xf32>
      %mul3A_1549 = arith.constant 0.693147182 : f32
      %mul3A_1550 = vector.broadcast %mul3A_1549 : f32 to vector<16xf32>
      %mul3A_1551 = arith.mulf %convert_element_type3A_1548, %mul3A_1550 : vector<16xf32>
      %mul3A_1552 = arith.mulf %sub3A_1525, %add3A_1547 : vector<16xf32>
      %add3A_1553 = arith.addf %mul3A_1551, %mul3A_1552 : vector<16xf32>
      %bitcast3A_1554 = vector.bitcast %mul3A_1092 : vector<16xf32> to vector<16xi32>
      %add3A_1555 = arith.constant 4194304 : i32
      %add3A_1556 = vector.broadcast %add3A_1555 : i32 to vector<16xi32>
      %add3A_1557 = arith.addi %bitcast3A_1554, %add3A_1556 : vector<16xi32>
      %shift_right_arithmetic3A_1558 = arith.constant 23 : i32
      %shift_right_arithmetic3A_1559 = vector.broadcast %shift_right_arithmetic3A_1558 : i32 to vector<16xi32>
      %shift_right_arithmetic3A_1560 = arith.shrsi %add3A_1557, %shift_right_arithmetic3A_1559 : vector<16xi32>
      %sub3A_1561 = arith.constant 254 : i32
      %sub3A_1562 = vector.broadcast %sub3A_1561 : i32 to vector<16xi32>
      %sub3A_1563 = arith.subi %sub3A_1562, %shift_right_arithmetic3A_1560 : vector<16xi32>
      %shift_left3A_1564 = arith.constant 23 : i32
      %shift_left3A_1565 = vector.broadcast %shift_left3A_1564 : i32 to vector<16xi32>
      %shift_left3A_1566 = arith.shli %sub3A_1563, %shift_left3A_1565 : vector<16xi32>
      %bitcast3A_1567 = vector.bitcast %shift_left3A_1566 : vector<16xi32> to vector<16xf32>
      %mul3A_1568 = arith.mulf %mul3A_1092, %bitcast3A_1567 : vector<16xf32>
      %sub3A_1569 = arith.constant 1.000000e+00 : f32
      %sub3A_1570 = vector.broadcast %sub3A_1569 : f32 to vector<16xf32>
      %sub3A_1571 = arith.subf %mul3A_1568, %sub3A_1570 : vector<16xf32>
      %broadcast_in_dim3A_1572 = arith.constant -0.104627281 : f32
      %broadcast_in_dim3A_1573 = vector.broadcast %broadcast_in_dim3A_1572 : f32 to vector<16xf32>
      %mul3A_1574 = arith.mulf %broadcast_in_dim3A_1573, %sub3A_1571 : vector<16xf32>
      %add3A_1575 = arith.constant 0.202413872 : f32
      %add3A_1576 = vector.broadcast %add3A_1575 : f32 to vector<16xf32>
      %add3A_1577 = arith.addf %mul3A_1574, %add3A_1576 : vector<16xf32>
      %mul3A_1578 = arith.mulf %add3A_1577, %sub3A_1571 : vector<16xf32>
      %add3A_1579 = arith.constant -0.255314916 : f32
      %add3A_1580 = vector.broadcast %add3A_1579 : f32 to vector<16xf32>
      %add3A_1581 = arith.addf %mul3A_1578, %add3A_1580 : vector<16xf32>
      %mul3A_1582 = arith.mulf %add3A_1581, %sub3A_1571 : vector<16xf32>
      %add3A_1583 = arith.constant 0.333631486 : f32
      %add3A_1584 = vector.broadcast %add3A_1583 : f32 to vector<16xf32>
      %add3A_1585 = arith.addf %mul3A_1582, %add3A_1584 : vector<16xf32>
      %mul3A_1586 = arith.mulf %add3A_1585, %sub3A_1571 : vector<16xf32>
      %add3A_1587 = arith.constant -0.499911308 : f32
      %add3A_1588 = vector.broadcast %add3A_1587 : f32 to vector<16xf32>
      %add3A_1589 = arith.addf %mul3A_1586, %add3A_1588 : vector<16xf32>
      %mul3A_1590 = arith.mulf %add3A_1589, %sub3A_1571 : vector<16xf32>
      %add3A_1591 = arith.constant 0.999997496 : f32
      %add3A_1592 = vector.broadcast %add3A_1591 : f32 to vector<16xf32>
      %add3A_1593 = arith.addf %mul3A_1590, %add3A_1592 : vector<16xf32>
      %convert_element_type3A_1594 = arith.sitofp %shift_right_arithmetic3A_1560 : vector<16xi32> to vector<16xf32>
      %mul3A_1595 = arith.constant 0.693147182 : f32
      %mul3A_1596 = vector.broadcast %mul3A_1595 : f32 to vector<16xf32>
      %mul3A_1597 = arith.mulf %convert_element_type3A_1594, %mul3A_1596 : vector<16xf32>
      %mul3A_1598 = arith.mulf %sub3A_1571, %add3A_1593 : vector<16xf32>
      %add3A_1599 = arith.addf %mul3A_1597, %mul3A_1598 : vector<16xf32>
      %bitcast3A_1600 = vector.bitcast %mul3A_1093 : vector<16xf32> to vector<16xi32>
      %add3A_1601 = arith.constant 4194304 : i32
      %add3A_1602 = vector.broadcast %add3A_1601 : i32 to vector<16xi32>
      %add3A_1603 = arith.addi %bitcast3A_1600, %add3A_1602 : vector<16xi32>
      %shift_right_arithmetic3A_1604 = arith.constant 23 : i32
      %shift_right_arithmetic3A_1605 = vector.broadcast %shift_right_arithmetic3A_1604 : i32 to vector<16xi32>
      %shift_right_arithmetic3A_1606 = arith.shrsi %add3A_1603, %shift_right_arithmetic3A_1605 : vector<16xi32>
      %sub3A_1607 = arith.constant 254 : i32
      %sub3A_1608 = vector.broadcast %sub3A_1607 : i32 to vector<16xi32>
      %sub3A_1609 = arith.subi %sub3A_1608, %shift_right_arithmetic3A_1606 : vector<16xi32>
      %shift_left3A_1610 = arith.constant 23 : i32
      %shift_left3A_1611 = vector.broadcast %shift_left3A_1610 : i32 to vector<16xi32>
      %shift_left3A_1612 = arith.shli %sub3A_1609, %shift_left3A_1611 : vector<16xi32>
      %bitcast3A_1613 = vector.bitcast %shift_left3A_1612 : vector<16xi32> to vector<16xf32>
      %mul3A_1614 = arith.mulf %mul3A_1093, %bitcast3A_1613 : vector<16xf32>
      %sub3A_1615 = arith.constant 1.000000e+00 : f32
      %sub3A_1616 = vector.broadcast %sub3A_1615 : f32 to vector<16xf32>
      %sub3A_1617 = arith.subf %mul3A_1614, %sub3A_1616 : vector<16xf32>
      %broadcast_in_dim3A_1618 = arith.constant -0.104627281 : f32
      %broadcast_in_dim3A_1619 = vector.broadcast %broadcast_in_dim3A_1618 : f32 to vector<16xf32>
      %mul3A_1620 = arith.mulf %broadcast_in_dim3A_1619, %sub3A_1617 : vector<16xf32>
      %add3A_1621 = arith.constant 0.202413872 : f32
      %add3A_1622 = vector.broadcast %add3A_1621 : f32 to vector<16xf32>
      %add3A_1623 = arith.addf %mul3A_1620, %add3A_1622 : vector<16xf32>
      %mul3A_1624 = arith.mulf %add3A_1623, %sub3A_1617 : vector<16xf32>
      %add3A_1625 = arith.constant -0.255314916 : f32
      %add3A_1626 = vector.broadcast %add3A_1625 : f32 to vector<16xf32>
      %add3A_1627 = arith.addf %mul3A_1624, %add3A_1626 : vector<16xf32>
      %mul3A_1628 = arith.mulf %add3A_1627, %sub3A_1617 : vector<16xf32>
      %add3A_1629 = arith.constant 0.333631486 : f32
      %add3A_1630 = vector.broadcast %add3A_1629 : f32 to vector<16xf32>
      %add3A_1631 = arith.addf %mul3A_1628, %add3A_1630 : vector<16xf32>
      %mul3A_1632 = arith.mulf %add3A_1631, %sub3A_1617 : vector<16xf32>
      %add3A_1633 = arith.constant -0.499911308 : f32
      %add3A_1634 = vector.broadcast %add3A_1633 : f32 to vector<16xf32>
      %add3A_1635 = arith.addf %mul3A_1632, %add3A_1634 : vector<16xf32>
      %mul3A_1636 = arith.mulf %add3A_1635, %sub3A_1617 : vector<16xf32>
      %add3A_1637 = arith.constant 0.999997496 : f32
      %add3A_1638 = vector.broadcast %add3A_1637 : f32 to vector<16xf32>
      %add3A_1639 = arith.addf %mul3A_1636, %add3A_1638 : vector<16xf32>
      %convert_element_type3A_1640 = arith.sitofp %shift_right_arithmetic3A_1606 : vector<16xi32> to vector<16xf32>
      %mul3A_1641 = arith.constant 0.693147182 : f32
      %mul3A_1642 = vector.broadcast %mul3A_1641 : f32 to vector<16xf32>
      %mul3A_1643 = arith.mulf %convert_element_type3A_1640, %mul3A_1642 : vector<16xf32>
      %mul3A_1644 = arith.mulf %sub3A_1617, %add3A_1639 : vector<16xf32>
      %add3A_1645 = arith.addf %mul3A_1643, %mul3A_1644 : vector<16xf32>
      %bitcast3A_1646 = vector.bitcast %mul3A_1094 : vector<16xf32> to vector<16xi32>
      %add3A_1647 = arith.constant 4194304 : i32
      %add3A_1648 = vector.broadcast %add3A_1647 : i32 to vector<16xi32>
      %add3A_1649 = arith.addi %bitcast3A_1646, %add3A_1648 : vector<16xi32>
      %shift_right_arithmetic3A_1650 = arith.constant 23 : i32
      %shift_right_arithmetic3A_1651 = vector.broadcast %shift_right_arithmetic3A_1650 : i32 to vector<16xi32>
      %shift_right_arithmetic3A_1652 = arith.shrsi %add3A_1649, %shift_right_arithmetic3A_1651 : vector<16xi32>
      %sub3A_1653 = arith.constant 254 : i32
      %sub3A_1654 = vector.broadcast %sub3A_1653 : i32 to vector<16xi32>
      %sub3A_1655 = arith.subi %sub3A_1654, %shift_right_arithmetic3A_1652 : vector<16xi32>
      %shift_left3A_1656 = arith.constant 23 : i32
      %shift_left3A_1657 = vector.broadcast %shift_left3A_1656 : i32 to vector<16xi32>
      %shift_left3A_1658 = arith.shli %sub3A_1655, %shift_left3A_1657 : vector<16xi32>
      %bitcast3A_1659 = vector.bitcast %shift_left3A_1658 : vector<16xi32> to vector<16xf32>
      %mul3A_1660 = arith.mulf %mul3A_1094, %bitcast3A_1659 : vector<16xf32>
      %sub3A_1661 = arith.constant 1.000000e+00 : f32
      %sub3A_1662 = vector.broadcast %sub3A_1661 : f32 to vector<16xf32>
      %sub3A_1663 = arith.subf %mul3A_1660, %sub3A_1662 : vector<16xf32>
      %broadcast_in_dim3A_1664 = arith.constant -0.104627281 : f32
      %broadcast_in_dim3A_1665 = vector.broadcast %broadcast_in_dim3A_1664 : f32 to vector<16xf32>
      %mul3A_1666 = arith.mulf %broadcast_in_dim3A_1665, %sub3A_1663 : vector<16xf32>
      %add3A_1667 = arith.constant 0.202413872 : f32
      %add3A_1668 = vector.broadcast %add3A_1667 : f32 to vector<16xf32>
      %add3A_1669 = arith.addf %mul3A_1666, %add3A_1668 : vector<16xf32>
      %mul3A_1670 = arith.mulf %add3A_1669, %sub3A_1663 : vector<16xf32>
      %add3A_1671 = arith.constant -0.255314916 : f32
      %add3A_1672 = vector.broadcast %add3A_1671 : f32 to vector<16xf32>
      %add3A_1673 = arith.addf %mul3A_1670, %add3A_1672 : vector<16xf32>
      %mul3A_1674 = arith.mulf %add3A_1673, %sub3A_1663 : vector<16xf32>
      %add3A_1675 = arith.constant 0.333631486 : f32
      %add3A_1676 = vector.broadcast %add3A_1675 : f32 to vector<16xf32>
      %add3A_1677 = arith.addf %mul3A_1674, %add3A_1676 : vector<16xf32>
      %mul3A_1678 = arith.mulf %add3A_1677, %sub3A_1663 : vector<16xf32>
      %add3A_1679 = arith.constant -0.499911308 : f32
      %add3A_1680 = vector.broadcast %add3A_1679 : f32 to vector<16xf32>
      %add3A_1681 = arith.addf %mul3A_1678, %add3A_1680 : vector<16xf32>
      %mul3A_1682 = arith.mulf %add3A_1681, %sub3A_1663 : vector<16xf32>
      %add3A_1683 = arith.constant 0.999997496 : f32
      %add3A_1684 = vector.broadcast %add3A_1683 : f32 to vector<16xf32>
      %add3A_1685 = arith.addf %mul3A_1682, %add3A_1684 : vector<16xf32>
      %convert_element_type3A_1686 = arith.sitofp %shift_right_arithmetic3A_1652 : vector<16xi32> to vector<16xf32>
      %mul3A_1687 = arith.constant 0.693147182 : f32
      %mul3A_1688 = vector.broadcast %mul3A_1687 : f32 to vector<16xf32>
      %mul3A_1689 = arith.mulf %convert_element_type3A_1686, %mul3A_1688 : vector<16xf32>
      %mul3A_1690 = arith.mulf %sub3A_1663, %add3A_1685 : vector<16xf32>
      %add3A_1691 = arith.addf %mul3A_1689, %mul3A_1690 : vector<16xf32>
      %bitcast3A_1692 = vector.bitcast %mul3A_1095 : vector<16xf32> to vector<16xi32>
      %add3A_1693 = arith.constant 4194304 : i32
      %add3A_1694 = vector.broadcast %add3A_1693 : i32 to vector<16xi32>
      %add3A_1695 = arith.addi %bitcast3A_1692, %add3A_1694 : vector<16xi32>
      %shift_right_arithmetic3A_1696 = arith.constant 23 : i32
      %shift_right_arithmetic3A_1697 = vector.broadcast %shift_right_arithmetic3A_1696 : i32 to vector<16xi32>
      %shift_right_arithmetic3A_1698 = arith.shrsi %add3A_1695, %shift_right_arithmetic3A_1697 : vector<16xi32>
      %sub3A_1699 = arith.constant 254 : i32
      %sub3A_1700 = vector.broadcast %sub3A_1699 : i32 to vector<16xi32>
      %sub3A_1701 = arith.subi %sub3A_1700, %shift_right_arithmetic3A_1698 : vector<16xi32>
      %shift_left3A_1702 = arith.constant 23 : i32
      %shift_left3A_1703 = vector.broadcast %shift_left3A_1702 : i32 to vector<16xi32>
      %shift_left3A_1704 = arith.shli %sub3A_1701, %shift_left3A_1703 : vector<16xi32>
      %bitcast3A_1705 = vector.bitcast %shift_left3A_1704 : vector<16xi32> to vector<16xf32>
      %mul3A_1706 = arith.mulf %mul3A_1095, %bitcast3A_1705 : vector<16xf32>
      %sub3A_1707 = arith.constant 1.000000e+00 : f32
      %sub3A_1708 = vector.broadcast %sub3A_1707 : f32 to vector<16xf32>
      %sub3A_1709 = arith.subf %mul3A_1706, %sub3A_1708 : vector<16xf32>
      %broadcast_in_dim3A_1710 = arith.constant -0.104627281 : f32
      %broadcast_in_dim3A_1711 = vector.broadcast %broadcast_in_dim3A_1710 : f32 to vector<16xf32>
      %mul3A_1712 = arith.mulf %broadcast_in_dim3A_1711, %sub3A_1709 : vector<16xf32>
      %add3A_1713 = arith.constant 0.202413872 : f32
      %add3A_1714 = vector.broadcast %add3A_1713 : f32 to vector<16xf32>
      %add3A_1715 = arith.addf %mul3A_1712, %add3A_1714 : vector<16xf32>
      %mul3A_1716 = arith.mulf %add3A_1715, %sub3A_1709 : vector<16xf32>
      %add3A_1717 = arith.constant -0.255314916 : f32
      %add3A_1718 = vector.broadcast %add3A_1717 : f32 to vector<16xf32>
      %add3A_1719 = arith.addf %mul3A_1716, %add3A_1718 : vector<16xf32>
      %mul3A_1720 = arith.mulf %add3A_1719, %sub3A_1709 : vector<16xf32>
      %add3A_1721 = arith.constant 0.333631486 : f32
      %add3A_1722 = vector.broadcast %add3A_1721 : f32 to vector<16xf32>
      %add3A_1723 = arith.addf %mul3A_1720, %add3A_1722 : vector<16xf32>
      %mul3A_1724 = arith.mulf %add3A_1723, %sub3A_1709 : vector<16xf32>
      %add3A_1725 = arith.constant -0.499911308 : f32
      %add3A_1726 = vector.broadcast %add3A_1725 : f32 to vector<16xf32>
      %add3A_1727 = arith.addf %mul3A_1724, %add3A_1726 : vector<16xf32>
      %mul3A_1728 = arith.mulf %add3A_1727, %sub3A_1709 : vector<16xf32>
      %add3A_1729 = arith.constant 0.999997496 : f32
      %add3A_1730 = vector.broadcast %add3A_1729 : f32 to vector<16xf32>
      %add3A_1731 = arith.addf %mul3A_1728, %add3A_1730 : vector<16xf32>
      %convert_element_type3A_1732 = arith.sitofp %shift_right_arithmetic3A_1698 : vector<16xi32> to vector<16xf32>
      %mul3A_1733 = arith.constant 0.693147182 : f32
      %mul3A_1734 = vector.broadcast %mul3A_1733 : f32 to vector<16xf32>
      %mul3A_1735 = arith.mulf %convert_element_type3A_1732, %mul3A_1734 : vector<16xf32>
      %mul3A_1736 = arith.mulf %sub3A_1709, %add3A_1731 : vector<16xf32>
      %add3A_1737 = arith.addf %mul3A_1735, %mul3A_1736 : vector<16xf32>
      %bitcast3A_1738 = vector.bitcast %mul3A_1096 : vector<16xf32> to vector<16xi32>
      %add3A_1739 = arith.constant 4194304 : i32
      %add3A_1740 = vector.broadcast %add3A_1739 : i32 to vector<16xi32>
      %add3A_1741 = arith.addi %bitcast3A_1738, %add3A_1740 : vector<16xi32>
      %shift_right_arithmetic3A_1742 = arith.constant 23 : i32
      %shift_right_arithmetic3A_1743 = vector.broadcast %shift_right_arithmetic3A_1742 : i32 to vector<16xi32>
      %shift_right_arithmetic3A_1744 = arith.shrsi %add3A_1741, %shift_right_arithmetic3A_1743 : vector<16xi32>
      %sub3A_1745 = arith.constant 254 : i32
      %sub3A_1746 = vector.broadcast %sub3A_1745 : i32 to vector<16xi32>
      %sub3A_1747 = arith.subi %sub3A_1746, %shift_right_arithmetic3A_1744 : vector<16xi32>
      %shift_left3A_1748 = arith.constant 23 : i32
      %shift_left3A_1749 = vector.broadcast %shift_left3A_1748 : i32 to vector<16xi32>
      %shift_left3A_1750 = arith.shli %sub3A_1747, %shift_left3A_1749 : vector<16xi32>
      %bitcast3A_1751 = vector.bitcast %shift_left3A_1750 : vector<16xi32> to vector<16xf32>
      %mul3A_1752 = arith.mulf %mul3A_1096, %bitcast3A_1751 : vector<16xf32>
      %sub3A_1753 = arith.constant 1.000000e+00 : f32
      %sub3A_1754 = vector.broadcast %sub3A_1753 : f32 to vector<16xf32>
      %sub3A_1755 = arith.subf %mul3A_1752, %sub3A_1754 : vector<16xf32>
      %broadcast_in_dim3A_1756 = arith.constant -0.104627281 : f32
      %broadcast_in_dim3A_1757 = vector.broadcast %broadcast_in_dim3A_1756 : f32 to vector<16xf32>
      %mul3A_1758 = arith.mulf %broadcast_in_dim3A_1757, %sub3A_1755 : vector<16xf32>
      %add3A_1759 = arith.constant 0.202413872 : f32
      %add3A_1760 = vector.broadcast %add3A_1759 : f32 to vector<16xf32>
      %add3A_1761 = arith.addf %mul3A_1758, %add3A_1760 : vector<16xf32>
      %mul3A_1762 = arith.mulf %add3A_1761, %sub3A_1755 : vector<16xf32>
      %add3A_1763 = arith.constant -0.255314916 : f32
      %add3A_1764 = vector.broadcast %add3A_1763 : f32 to vector<16xf32>
      %add3A_1765 = arith.addf %mul3A_1762, %add3A_1764 : vector<16xf32>
      %mul3A_1766 = arith.mulf %add3A_1765, %sub3A_1755 : vector<16xf32>
      %add3A_1767 = arith.constant 0.333631486 : f32
      %add3A_1768 = vector.broadcast %add3A_1767 : f32 to vector<16xf32>
      %add3A_1769 = arith.addf %mul3A_1766, %add3A_1768 : vector<16xf32>
      %mul3A_1770 = arith.mulf %add3A_1769, %sub3A_1755 : vector<16xf32>
      %add3A_1771 = arith.constant -0.499911308 : f32
      %add3A_1772 = vector.broadcast %add3A_1771 : f32 to vector<16xf32>
      %add3A_1773 = arith.addf %mul3A_1770, %add3A_1772 : vector<16xf32>
      %mul3A_1774 = arith.mulf %add3A_1773, %sub3A_1755 : vector<16xf32>
      %add3A_1775 = arith.constant 0.999997496 : f32
      %add3A_1776 = vector.broadcast %add3A_1775 : f32 to vector<16xf32>
      %add3A_1777 = arith.addf %mul3A_1774, %add3A_1776 : vector<16xf32>
      %convert_element_type3A_1778 = arith.sitofp %shift_right_arithmetic3A_1744 : vector<16xi32> to vector<16xf32>
      %mul3A_1779 = arith.constant 0.693147182 : f32
      %mul3A_1780 = vector.broadcast %mul3A_1779 : f32 to vector<16xf32>
      %mul3A_1781 = arith.mulf %convert_element_type3A_1778, %mul3A_1780 : vector<16xf32>
      %mul3A_1782 = arith.mulf %sub3A_1755, %add3A_1777 : vector<16xf32>
      %add3A_1783 = arith.addf %mul3A_1781, %mul3A_1782 : vector<16xf32>
      %bitcast3A_1784 = vector.bitcast %mul3A_1097 : vector<16xf32> to vector<16xi32>
      %add3A_1785 = arith.constant 4194304 : i32
      %add3A_1786 = vector.broadcast %add3A_1785 : i32 to vector<16xi32>
      %add3A_1787 = arith.addi %bitcast3A_1784, %add3A_1786 : vector<16xi32>
      %shift_right_arithmetic3A_1788 = arith.constant 23 : i32
      %shift_right_arithmetic3A_1789 = vector.broadcast %shift_right_arithmetic3A_1788 : i32 to vector<16xi32>
      %shift_right_arithmetic3A_1790 = arith.shrsi %add3A_1787, %shift_right_arithmetic3A_1789 : vector<16xi32>
      %sub3A_1791 = arith.constant 254 : i32
      %sub3A_1792 = vector.broadcast %sub3A_1791 : i32 to vector<16xi32>
      %sub3A_1793 = arith.subi %sub3A_1792, %shift_right_arithmetic3A_1790 : vector<16xi32>
      %shift_left3A_1794 = arith.constant 23 : i32
      %shift_left3A_1795 = vector.broadcast %shift_left3A_1794 : i32 to vector<16xi32>
      %shift_left3A_1796 = arith.shli %sub3A_1793, %shift_left3A_1795 : vector<16xi32>
      %bitcast3A_1797 = vector.bitcast %shift_left3A_1796 : vector<16xi32> to vector<16xf32>
      %mul3A_1798 = arith.mulf %mul3A_1097, %bitcast3A_1797 : vector<16xf32>
      %sub3A_1799 = arith.constant 1.000000e+00 : f32
      %sub3A_1800 = vector.broadcast %sub3A_1799 : f32 to vector<16xf32>
      %sub3A_1801 = arith.subf %mul3A_1798, %sub3A_1800 : vector<16xf32>
      %broadcast_in_dim3A_1802 = arith.constant -0.104627281 : f32
      %broadcast_in_dim3A_1803 = vector.broadcast %broadcast_in_dim3A_1802 : f32 to vector<16xf32>
      %mul3A_1804 = arith.mulf %broadcast_in_dim3A_1803, %sub3A_1801 : vector<16xf32>
      %add3A_1805 = arith.constant 0.202413872 : f32
      %add3A_1806 = vector.broadcast %add3A_1805 : f32 to vector<16xf32>
      %add3A_1807 = arith.addf %mul3A_1804, %add3A_1806 : vector<16xf32>
      %mul3A_1808 = arith.mulf %add3A_1807, %sub3A_1801 : vector<16xf32>
      %add3A_1809 = arith.constant -0.255314916 : f32
      %add3A_1810 = vector.broadcast %add3A_1809 : f32 to vector<16xf32>
      %add3A_1811 = arith.addf %mul3A_1808, %add3A_1810 : vector<16xf32>
      %mul3A_1812 = arith.mulf %add3A_1811, %sub3A_1801 : vector<16xf32>
      %add3A_1813 = arith.constant 0.333631486 : f32
      %add3A_1814 = vector.broadcast %add3A_1813 : f32 to vector<16xf32>
      %add3A_1815 = arith.addf %mul3A_1812, %add3A_1814 : vector<16xf32>
      %mul3A_1816 = arith.mulf %add3A_1815, %sub3A_1801 : vector<16xf32>
      %add3A_1817 = arith.constant -0.499911308 : f32
      %add3A_1818 = vector.broadcast %add3A_1817 : f32 to vector<16xf32>
      %add3A_1819 = arith.addf %mul3A_1816, %add3A_1818 : vector<16xf32>
      %mul3A_1820 = arith.mulf %add3A_1819, %sub3A_1801 : vector<16xf32>
      %add3A_1821 = arith.constant 0.999997496 : f32
      %add3A_1822 = vector.broadcast %add3A_1821 : f32 to vector<16xf32>
      %add3A_1823 = arith.addf %mul3A_1820, %add3A_1822 : vector<16xf32>
      %convert_element_type3A_1824 = arith.sitofp %shift_right_arithmetic3A_1790 : vector<16xi32> to vector<16xf32>
      %mul3A_1825 = arith.constant 0.693147182 : f32
      %mul3A_1826 = vector.broadcast %mul3A_1825 : f32 to vector<16xf32>
      %mul3A_1827 = arith.mulf %convert_element_type3A_1824, %mul3A_1826 : vector<16xf32>
      %mul3A_1828 = arith.mulf %sub3A_1801, %add3A_1823 : vector<16xf32>
      %add3A_1829 = arith.addf %mul3A_1827, %mul3A_1828 : vector<16xf32>
      %mul3A_1830 = arith.mulf %add3A_1004, %div3A_1036 : vector<16xf32>
      %add3A_1831 = arith.addf %mul3A_1830, %add3A_1139 : vector<16xf32>
      %add3A_1832 = arith.addf %add3A_1831, %sub3A_874 : vector<16xf32>
      %get3A_1833 = arith.index_cast %scan3A_35 : i32 to index
      %get3A_1834 = arith.constant 0 : index
      %get3A_1835 = tpu.vector_load %arg8[%get3A_1833, %get3A_1834] {strides = array<i32>} : memref<16x256xf32, #tpu.memory_space<vmem>>, vector<16xf32>,
      %mul3A_1836 = arith.mulf %add3A_1832, %get3A_1835 : vector<16xf32>
      %add3A_1837 = arith.addf %broadcast_in_dim3A_260, %mul3A_1836 : vector<16xf32>
      %mul3A_1838 = arith.mulf %add3A_1006, %div3A_1039 : vector<16xf32>
      %add3A_1839 = arith.addf %mul3A_1838, %add3A_1185 : vector<16xf32>
      %add3A_1840 = arith.addf %add3A_1839, %sub3A_874 : vector<16xf32>
      %get3A_1841 = arith.index_cast %scan3A_35 : i32 to index
      %get3A_1842 = arith.constant 16 : index
      %get3A_1843 = tpu.vector_load %arg8[%get3A_1841, %get3A_1842] {strides = array<i32>} : memref<16x256xf32, #tpu.memory_space<vmem>>, vector<16xf32>,
      %mul3A_1844 = arith.mulf %add3A_1840, %get3A_1843 : vector<16xf32>
      %add3A_1845 = arith.addf %add3A_1837, %mul3A_1844 : vector<16xf32>
      %mul3A_1846 = arith.mulf %add3A_1008, %div3A_1042 : vector<16xf32>
      %add3A_1847 = arith.addf %mul3A_1846, %add3A_1231 : vector<16xf32>
      %add3A_1848 = arith.addf %add3A_1847, %sub3A_874 : vector<16xf32>
      %get3A_1849 = arith.index_cast %scan3A_35 : i32 to index
      %get3A_1850 = arith.constant 32 : index
      %get3A_1851 = tpu.vector_load %arg8[%get3A_1849, %get3A_1850] {strides = array<i32>} : memref<16x256xf32, #tpu.memory_space<vmem>>, vector<16xf32>,
      %mul3A_1852 = arith.mulf %add3A_1848, %get3A_1851 : vector<16xf32>
      %add3A_1853 = arith.addf %add3A_1845, %mul3A_1852 : vector<16xf32>
      %mul3A_1854 = arith.mulf %add3A_1010, %div3A_1045 : vector<16xf32>
      %add3A_1855 = arith.addf %mul3A_1854, %add3A_1277 : vector<16xf32>
      %add3A_1856 = arith.addf %add3A_1855, %sub3A_874 : vector<16xf32>
      %get3A_1857 = arith.index_cast %scan3A_35 : i32 to index
      %get3A_1858 = arith.constant 48 : index
      %get3A_1859 = tpu.vector_load %arg8[%get3A_1857, %get3A_1858] {strides = array<i32>} : memref<16x256xf32, #tpu.memory_space<vmem>>, vector<16xf32>,
      %mul3A_1860 = arith.mulf %add3A_1856, %get3A_1859 : vector<16xf32>
      %add3A_1861 = arith.addf %add3A_1853, %mul3A_1860 : vector<16xf32>
      %mul3A_1862 = arith.mulf %add3A_1012, %div3A_1048 : vector<16xf32>
      %add3A_1863 = arith.addf %mul3A_1862, %add3A_1323 : vector<16xf32>
      %add3A_1864 = arith.addf %add3A_1863, %sub3A_874 : vector<16xf32>
      %get3A_1865 = arith.index_cast %scan3A_35 : i32 to index
      %get3A_1866 = arith.constant 64 : index
      %get3A_1867 = tpu.vector_load %arg8[%get3A_1865, %get3A_1866] {strides = array<i32>} : memref<16x256xf32, #tpu.memory_space<vmem>>, vector<16xf32>,
      %mul3A_1868 = arith.mulf %add3A_1864, %get3A_1867 : vector<16xf32>
      %add3A_1869 = arith.addf %add3A_1861, %mul3A_1868 : vector<16xf32>
      %mul3A_1870 = arith.mulf %add3A_1014, %div3A_1051 : vector<16xf32>
      %add3A_1871 = arith.addf %mul3A_1870, %add3A_1369 : vector<16xf32>
      %add3A_1872 = arith.addf %add3A_1871, %sub3A_874 : vector<16xf32>
      %get3A_1873 = arith.index_cast %scan3A_35 : i32 to index
      %get3A_1874 = arith.constant 80 : index
      %get3A_1875 = tpu.vector_load %arg8[%get3A_1873, %get3A_1874] {strides = array<i32>} : memref<16x256xf32, #tpu.memory_space<vmem>>, vector<16xf32>,
      %mul3A_1876 = arith.mulf %add3A_1872, %get3A_1875 : vector<16xf32>
      %add3A_1877 = arith.addf %add3A_1869, %mul3A_1876 : vector<16xf32>
      %mul3A_1878 = arith.mulf %add3A_1016, %div3A_1054 : vector<16xf32>
      %add3A_1879 = arith.addf %mul3A_1878, %add3A_1415 : vector<16xf32>
      %add3A_1880 = arith.addf %add3A_1879, %sub3A_874 : vector<16xf32>
      %get3A_1881 = arith.index_cast %scan3A_35 : i32 to index
      %get3A_1882 = arith.constant 96 : index
      %get3A_1883 = tpu.vector_load %arg8[%get3A_1881, %get3A_1882] {strides = array<i32>} : memref<16x256xf32, #tpu.memory_space<vmem>>, vector<16xf32>,
      %mul3A_1884 = arith.mulf %add3A_1880, %get3A_1883 : vector<16xf32>
      %add3A_1885 = arith.addf %add3A_1877, %mul3A_1884 : vector<16xf32>
      %mul3A_1886 = arith.mulf %add3A_1018, %div3A_1057 : vector<16xf32>
      %add3A_1887 = arith.addf %mul3A_1886, %add3A_1461 : vector<16xf32>
      %add3A_1888 = arith.addf %add3A_1887, %sub3A_874 : vector<16xf32>
      %get3A_1889 = arith.index_cast %scan3A_35 : i32 to index
      %get3A_1890 = arith.constant 112 : index
      %get3A_1891 = tpu.vector_load %arg8[%get3A_1889, %get3A_1890] {strides = array<i32>} : memref<16x256xf32, #tpu.memory_space<vmem>>, vector<16xf32>,
      %mul3A_1892 = arith.mulf %add3A_1888, %get3A_1891 : vector<16xf32>
      %add3A_1893 = arith.addf %add3A_1885, %mul3A_1892 : vector<16xf32>
      %mul3A_1894 = arith.mulf %add3A_1020, %div3A_1060 : vector<16xf32>
      %add3A_1895 = arith.addf %mul3A_1894, %add3A_1507 : vector<16xf32>
      %add3A_1896 = arith.addf %add3A_1895, %sub3A_874 : vector<16xf32>
      %get3A_1897 = arith.index_cast %scan3A_35 : i32 to index
      %get3A_1898 = arith.constant 128 : index
      %get3A_1899 = tpu.vector_load %arg8[%get3A_1897, %get3A_1898] {strides = array<i32>} : memref<16x256xf32, #tpu.memory_space<vmem>>, vector<16xf32>,
      %mul3A_1900 = arith.mulf %add3A_1896, %get3A_1899 : vector<16xf32>
      %add3A_1901 = arith.addf %add3A_1893, %mul3A_1900 : vector<16xf32>
      %mul3A_1902 = arith.mulf %add3A_1022, %div3A_1063 : vector<16xf32>
      %add3A_1903 = arith.addf %mul3A_1902, %add3A_1553 : vector<16xf32>
      %add3A_1904 = arith.addf %add3A_1903, %sub3A_874 : vector<16xf32>
      %get3A_1905 = arith.index_cast %scan3A_35 : i32 to index
      %get3A_1906 = arith.constant 144 : index
      %get3A_1907 = tpu.vector_load %arg8[%get3A_1905, %get3A_1906] {strides = array<i32>} : memref<16x256xf32, #tpu.memory_space<vmem>>, vector<16xf32>,
      %mul3A_1908 = arith.mulf %add3A_1904, %get3A_1907 : vector<16xf32>
      %add3A_1909 = arith.addf %add3A_1901, %mul3A_1908 : vector<16xf32>
      %mul3A_1910 = arith.mulf %add3A_1024, %div3A_1066 : vector<16xf32>
      %add3A_1911 = arith.addf %mul3A_1910, %add3A_1599 : vector<16xf32>
      %add3A_1912 = arith.addf %add3A_1911, %sub3A_874 : vector<16xf32>
      %get3A_1913 = arith.index_cast %scan3A_35 : i32 to index
      %get3A_1914 = arith.constant 160 : index
      %get3A_1915 = tpu.vector_load %arg8[%get3A_1913, %get3A_1914] {strides = array<i32>} : memref<16x256xf32, #tpu.memory_space<vmem>>, vector<16xf32>,
      %mul3A_1916 = arith.mulf %add3A_1912, %get3A_1915 : vector<16xf32>
      %add3A_1917 = arith.addf %add3A_1909, %mul3A_1916 : vector<16xf32>
      %mul3A_1918 = arith.mulf %add3A_1026, %div3A_1069 : vector<16xf32>
      %add3A_1919 = arith.addf %mul3A_1918, %add3A_1645 : vector<16xf32>
      %add3A_1920 = arith.addf %add3A_1919, %sub3A_874 : vector<16xf32>
      %get3A_1921 = arith.index_cast %scan3A_35 : i32 to index
      %get3A_1922 = arith.constant 176 : index
      %get3A_1923 = tpu.vector_load %arg8[%get3A_1921, %get3A_1922] {strides = array<i32>} : memref<16x256xf32, #tpu.memory_space<vmem>>, vector<16xf32>,
      %mul3A_1924 = arith.mulf %add3A_1920, %get3A_1923 : vector<16xf32>
      %add3A_1925 = arith.addf %add3A_1917, %mul3A_1924 : vector<16xf32>
      %mul3A_1926 = arith.mulf %add3A_1028, %div3A_1072 : vector<16xf32>
      %add3A_1927 = arith.addf %mul3A_1926, %add3A_1691 : vector<16xf32>
      %add3A_1928 = arith.addf %add3A_1927, %sub3A_874 : vector<16xf32>
      %get3A_1929 = arith.index_cast %scan3A_35 : i32 to index
      %get3A_1930 = arith.constant 192 : index
      %get3A_1931 = tpu.vector_load %arg8[%get3A_1929, %get3A_1930] {strides = array<i32>} : memref<16x256xf32, #tpu.memory_space<vmem>>, vector<16xf32>,
      %mul3A_1932 = arith.mulf %add3A_1928, %get3A_1931 : vector<16xf32>
      %add3A_1933 = arith.addf %add3A_1925, %mul3A_1932 : vector<16xf32>
      %mul3A_1934 = arith.mulf %add3A_1030, %div3A_1075 : vector<16xf32>
      %add3A_1935 = arith.addf %mul3A_1934, %add3A_1737 : vector<16xf32>
      %add3A_1936 = arith.addf %add3A_1935, %sub3A_874 : vector<16xf32>
      %get3A_1937 = arith.index_cast %scan3A_35 : i32 to index
      %get3A_1938 = arith.constant 208 : index
      %get3A_1939 = tpu.vector_load %arg8[%get3A_1937, %get3A_1938] {strides = array<i32>} : memref<16x256xf32, #tpu.memory_space<vmem>>, vector<16xf32>,
      %mul3A_1940 = arith.mulf %add3A_1936, %get3A_1939 : vector<16xf32>
      %add3A_1941 = arith.addf %add3A_1933, %mul3A_1940 : vector<16xf32>
      %mul3A_1942 = arith.mulf %add3A_1032, %div3A_1078 : vector<16xf32>
      %add3A_1943 = arith.addf %mul3A_1942, %add3A_1783 : vector<16xf32>
      %add3A_1944 = arith.addf %add3A_1943, %sub3A_874 : vector<16xf32>
      %get3A_1945 = arith.index_cast %scan3A_35 : i32 to index
      %get3A_1946 = arith.constant 224 : index
      %get3A_1947 = tpu.vector_load %arg8[%get3A_1945, %get3A_1946] {strides = array<i32>} : memref<16x256xf32, #tpu.memory_space<vmem>>, vector<16xf32>,
      %mul3A_1948 = arith.mulf %add3A_1944, %get3A_1947 : vector<16xf32>
      %add3A_1949 = arith.addf %add3A_1941, %mul3A_1948 : vector<16xf32>
      %mul3A_1950 = arith.mulf %add3A_1034, %div3A_1081 : vector<16xf32>
      %add3A_1951 = arith.addf %mul3A_1950, %add3A_1829 : vector<16xf32>
      %add3A_1952 = arith.addf %add3A_1951, %sub3A_874 : vector<16xf32>
      %get3A_1953 = arith.index_cast %scan3A_35 : i32 to index
      %get3A_1954 = arith.constant 240 : index
      %get3A_1955 = tpu.vector_load %arg8[%get3A_1953, %get3A_1954] {strides = array<i32>} : memref<16x256xf32, #tpu.memory_space<vmem>>, vector<16xf32>,
      %mul3A_1956 = arith.mulf %add3A_1952, %get3A_1955 : vector<16xf32>
      %add3A_1957 = arith.addf %add3A_1949, %mul3A_1956 : vector<16xf32>
      %add3A_1958 = arith.addf %scan3A_36, %add3A_1957 : vector<16xf32>
      scf.yield %add3A_1958 : vector<16xf32>
    }
    %scan3A_30 = arith.constant 16 : i32
    %mul3A_31 = arith.constant 0.001953125 : f32
    %mul3A_32 = vector.broadcast %mul3A_31 : f32 to vector<16xf32>
    %mul3A_33 = arith.mulf %scan3A_29, %mul3A_32 : vector<16xf32>
    %swap3A = arith.constant 0 : index
    %swap3A_34 = tpu.vector_load %arg12[%swap3A] {strides = array<i32>} : memref<16xf32, #tpu.memory_space<vmem>>, vector<16xf32>,
    tpu.vector_store %arg12[%swap3A], %mul3A_33 {strides = array<i32>} : memref<16xf32, #tpu.memory_space<vmem>>, vector<16xf32>,
    "tpu.region"() ({
      %run_scoped3A = tpu.sem_alloc : memref<!tpu.dma_semaphore, #tpu.memory_space<semaphore_mem>>
      %dma_start3A_35 = arith.constant 0 : i32
      %dma_start3A_36 = tpu.memref_slice %arg5[%add3A, %dma_start3A_35] : memref<32x16xf32, #tpu.memory_space<hbm>> -> memref<1x16xf32, #tpu.memory_space<hbm>>
      %dma_start3A_37 = tpu.memref_squeeze %dma_start3A_36 : memref<1x16xf32, #tpu.memory_space<hbm>> -> memref<16xf32, #tpu.memory_space<hbm>>
      %dma_start3A_38 = arith.constant 0 : i32
      %dma_start3A_39 = tpu.memref_slice %arg5[%add3A, %dma_start3A_38] : memref<32x16xf32, #tpu.memory_space<hbm>> -> memref<1x16xf32, #tpu.memory_space<hbm>>
      %dma_start3A_40 = tpu.memref_squeeze %dma_start3A_39 : memref<1x16xf32, #tpu.memory_space<hbm>> -> memref<16xf32, #tpu.memory_space<hbm>>
      tpu.enqueue_dma source(%arg12 : memref<16xf32, #tpu.memory_space<vmem>>) target(%dma_start3A_40 : memref<16xf32, #tpu.memory_space<hbm>>) target_semaphore(%run_scoped3A : memref<!tpu.dma_semaphore, #tpu.memory_space<semaphore_mem>>)
      %dma_wait3A_41 = arith.constant 0 : i32
      %dma_wait3A_42 = tpu.memref_slice %arg5[%add3A, %dma_wait3A_41] : memref<32x16xf32, #tpu.memory_space<hbm>> -> memref<1x16xf32, #tpu.memory_space<hbm>>
      %dma_wait3A_43 = tpu.memref_squeeze %dma_wait3A_42 : memref<1x16xf32, #tpu.memory_space<hbm>> -> memref<16xf32, #tpu.memory_space<hbm>>
      %dma_wait3A_44 = arith.constant 0 : i32
      %dma_wait3A_45 = tpu.memref_slice %arg5[%add3A, %dma_wait3A_44] : memref<32x16xf32, #tpu.memory_space<hbm>> -> memref<1x16xf32, #tpu.memory_space<hbm>>
      %dma_wait3A_46 = tpu.memref_squeeze %dma_wait3A_45 : memref<1x16xf32, #tpu.memory_space<hbm>> -> memref<16xf32, #tpu.memory_space<hbm>>
      tpu.wait_dma2 semaphore(%run_scoped3A : memref<!tpu.dma_semaphore, #tpu.memory_space<semaphore_mem>>) src(%arg12 : memref<16xf32, #tpu.memory_space<vmem>>) dst(%dma_wait3A_46 : memref<16xf32, #tpu.memory_space<hbm>>)
      tpu.yield
    }) : () -> ()
    return
  }
}

</mosaic_0001>

<sc_bundles>
// kernel: kernel.3.cloned.1.call-start
scs
__scs_entry_jumppad:
0x0: {  	(pc) =	sbr.rel $0x88, $3  }
0x1: {  	(tag) =	ssettag $0x0;
	lr =	simm.s32 $0x1  }
0x2: {  	[smem:$0x3F9E] =	sst lr;
	_ =	strace $0xD0000000  }
0x3: {  	_ = 	snop  }
0x4: {  	_ = 	snop  }
0x5: {  	_ = 	snop  }
0x6: {  	_ = 	snop  }
0x7: {  	_ = 	snop  }
__scs_overlays_trampoline_lowered:
0x8: {  	[smem:$0x3FAD] =	sst s0  }
0x9: {  	[smem:$0x3FAE] =	sst s1  }
0xa: {  	[smem:$0x3FAF] =	sst s2  }
0xb: {  	[smem:$0x3FB0] =	sst s3  }
0xc: {  	[smem:$0x3FB1] =	sst s4  }
0xd: {  	[smem:$0x3FB2] =	sst s5  }
0xe: {  	[smem:$0x3FB3] =	sst s6  }
0xf: {  	[smem:$0x3FB4] =	sst s7  }
0x10: {  	[smem:$0x3FB5] =	sst s8  }
0x11: {  	[smem:$0x3FB6] =	sst s9;
	s0 =	simm.s32 @!p0 $0x0  }
0x12: {  	s1 =	sld [smem:$0x3F9C];
	s0 =	simm.s32 @p0 $0x1  }
0x13: {  	[smem:$0x3FB7] =	sst s0;
	s0 =	simm.s32 @!p1 $0x0  }
0x14: {  	s2 =	sld [smem:$0x3F9B];
	s0 =	simm.s32 @p1 $0x1  }
0x15: {  	[smem:$0x3FB8] =	sst s0;
	s0 =	simm.s32 @!p2 $0x0  }
0x16: {  	s3 =	sld [smem:$0x3FDB];
	s0 =	simm.s32 @p2 $0x1  }
0x17: {  	s4 =	simm.s32 $0x1BF5;
	[smem:$0x3FBA] =	sst s0  }
0x18: {  	s0 =	sld [smem:$0x3F9D];
	_ =	swait.ge [sflag:s4], $0x0  }
0x19: {  	s7 =	sld [smem:$0x3F9E]  }
0x1a: {  	s8 =	sadd.s32 $0xFFFFE003, lr  }
0x1b: {  	s9 =	sadd.s32 $0xFFFFFEF7, lr;
	s5 =	simm.s32 $0xFFFFFFFF;
	p2 =	slt.u32 s8, $0xFFFFF086  }
0x1c: {  	p1 =	slt.u32 s9, $0xF7A;
	s5 =	simm.s32 @!p2 $0x0  }
0x1d: {  	s5 =	simm.s32 @p1 $0x1;
	p0 =	seq.s32 s7, s2  }
0x1e: {  	s7 =	smul.u32 @!p0 $0xF7A, s2;
	p2 =	seq.s32 @!p0 s5, $0x0  }
0x1f: {  	s9 =	smul.u32 $0xF7A, s1;
	s8 =	simm.s32 @!p0 $0x1BF5;
	p2 =	por !p2, p0  }
0x20: {  	[sflag:s8] =	ssyncset.s32 @!p0 $0xFFFFF086;
	s6 =	sadd.s32 @!p0 s3, s7;
	s7 =	simm.s32 @!p0 $0x108  }
0x21: {  	s3 =	sadd.s32 s3, s9;
	s6 =	sadd.s32 @!p0 $0x88, s6;
	s7 =	simm.s32 @p2 $0x1082  }
0x22: {  	[simem:s7], [sflag:s8] =	dma.local @!p0 [hbm:s6], $0xF7A  }
0x23: {  	s9 =	sor.u32 $0xD0000000, s2;
	s6 =	simm.s32 $0x108;
	_ =	swait.ge @!p0 [sflag:s8], $0x0  }
0x24: {  	s3 =	sadd.s32 $0x88, s3;
	s6 =	simm.s32 @!p1 $0x1082;
	[sflag:s4] =	ssyncset.s32 $0xFFFFF086  }
0x25: {  	[simem:s6], [sflag:s4] =	dma.local [hbm:s3], $0xF7A  }
0x26: {  	[smem:$0x3F9E] =	sst s1;
	(tag) =	ssettag s2;
	_ =	strace s9  }
0x27: {  	s1 =	sld [smem:$0x3FAE]  }
0x28: {  	s2 =	sld [smem:$0x3FAF]  }
0x29: {  	s4 =	sld [smem:$0x3FB1]  }
0x2a: {  	p0 =	seq.s32 s5, $0x0;
	s5 =	sld [smem:$0x3FB2]  }
0x2b: {  	s6 =	sld [smem:$0x3FB3]  }
0x2c: {  	s7 =	sld [smem:$0x3FB4]  }
0x2d: {  	s3 =	simm.s32 $0x108;
	s8 =	sld [smem:$0x3FB5]  }
0x2e: {  	s3 =	simm.s32 @!p0 $0x1082;
	s9 =	sld [smem:$0x3FB6]  }
0x2f: {  	lr =	sadd.s32 s0, s3;
	s0 =	sld [smem:$0x3FAD]  }
0x30: {  	s3 =	sld [smem:$0x3FB0]  }
0x31: {  	[smem:$0x3FB9] =	sst s10  }
0x32: {  	s10 =	sld [smem:$0x3FB7];
	_ =	sdelay $0x3  }
0x33: {  	p0 =	seq.s32 s10, $0x1;
	s10 =	sld [smem:$0x3FB9];
	_ =	sdelay $0x3  }
0x34: {  	[smem:$0x3FB9] =	sst s10  }
0x35: {  	s10 =	sld [smem:$0x3FB8];
	_ =	sdelay $0x3  }
0x36: {  	p1 =	seq.s32 s10, $0x1;
	s10 =	sld [smem:$0x3FB9];
	_ =	sdelay $0x3  }
0x37: {  	[smem:$0x3FB9] =	sst s10  }
0x38: {  	s10 =	sld [smem:$0x3FBA]  }
0x39: {  	_ = 	snop;
	(pc) =	sbr.ind lr, $3  }
0x3a: {  	_ = 	snop  }
0x3b: {  	_ = 	snop  }
0x3c: {  	p2 =	seq.s32 s10, $0x1;
	s10 =	sld [smem:$0x3FB9]  }
0x3d: {  	_ =	shalt  }
0x3e: {  	_ =	shalt  }
0x3f: {  	_ =	shalt  }
0x40: {  	_ =	shalt  }
0x41: {  	_ =	shalt  }
0x42: {  	_ =	shalt  }
0x43: {  	_ =	shalt  }
0x44: {  	_ =	shalt  }
0x45: {  	_ =	shalt  }
0x46: {  	_ =	shalt  }
0x47: {  	_ =	shalt  }
0x48: {  	_ =	shalt  }
0x49: {  	_ =	shalt  }
0x4a: {  	_ =	shalt  }
0x4b: {  	_ =	shalt  }
0x4c: {  	_ =	shalt  }
0x4d: {  	_ =	shalt  }
0x4e: {  	_ =	shalt  }
0x4f: {  	_ =	shalt  }
0x50: {  	_ =	shalt  }
0x51: {  	_ =	shalt  }
0x52: {  	_ =	shalt  }
0x53: {  	_ =	shalt  }
0x54: {  	_ =	shalt  }
0x55: {  	_ =	shalt  }
0x56: {  	_ =	shalt  }
0x57: {  	_ =	shalt  }
0x58: {  	_ =	shalt  }
0x59: {  	_ =	shalt  }
0x5a: {  	_ =	shalt  }
0x5b: {  	_ =	shalt  }
0x5c: {  	_ =	shalt  }
0x5d: {  	_ =	shalt  }
0x5e: {  	_ =	shalt  }
0x5f: {  	_ =	shalt  }
0x60: {  	_ =	shalt  }
0x61: {  	_ =	shalt  }
0x62: {  	_ =	shalt  }
0x63: {  	_ =	shalt  }
0x64: {  	_ =	shalt  }
0x65: {  	_ =	shalt  }
0x66: {  	_ =	shalt  }
0x67: {  	_ =	shalt  }
0x68: {  	_ =	shalt  }
0x69: {  	_ =	shalt  }
0x6a: {  	_ =	shalt  }
0x6b: {  	_ =	shalt  }
0x6c: {  	_ =	shalt  }
0x6d: {  	_ =	shalt  }
0x6e: {  	_ =	shalt  }
0x6f: {  	_ =	shalt  }
0x70: {  	_ =	shalt  }
0x71: {  	_ =	shalt  }
0x72: {  	_ =	shalt  }
0x73: {  	_ =	shalt  }
0x74: {  	_ =	shalt  }
0x75: {  	_ =	shalt  }
0x76: {  	_ =	shalt  }
0x77: {  	_ =	shalt  }
0x78: {  	_ =	shalt  }
0x79: {  	_ =	shalt  }
0x7a: {  	_ =	shalt  }
0x7b: {  	_ =	shalt  }
0x7c: {  	_ =	shalt  }
0x7d: {  	_ =	shalt  }
0x7e: {  	_ =	shalt  }
0x7f: {  	_ =	shalt  }
0x80: {  	_ =	shalt  }
0x81: {  	_ =	shalt  }
0x82: {  	_ =	shalt  }
0x83: {  	_ =	shalt  }
0x84: {  	_ =	shalt  }
0x85: {  	_ =	shalt  }
0x86: {  	_ =	shalt  }
0x87: {  	_ =	shalt  }
.Lfunc_end0:
.L_simem_size_0:
called_computation_lowered:
.L_overlay_start_0:
0x88: {  	s2 =	sld [smem:$0x3FD9]  }
0x89: {  	s3 =	sld [smem:$0x3FFE];
	_ =	sdelay $0x1  }
0x8a: {  	s1 =	srdreg.scid  }
0x8b: {  	s0 =	sand.u32 $0x1, s1  }
0x8c: {  	s17 =	sshll.u32 s0, $0xA;
	s2 =	sadd.s32 s3, s2  }
0x8d: {  	s2 =	sadd.s32 s2, s17  }
0x8e: {  	[smem:$0x3FC5] =	sst s2  }
0x8f: {  	_ = 	snop  }
0x90: {  	s2 =	sld [smem:$0x3FC9]  }
0x91: {  	s18 =	sld [smem:$0x3FC8]  }
0x92: {  	s4 =	sld [smem:$0x3FC7];
	(tm) =	ssettm $0x1  }
0x93: {  	s5 =	sld [smem:$0x3FFB];
	_ =	sdelay $0x3  }
0x94: {  	_ =	strace s5  }
0x95: {  	s5 =	sld [smem:$0x3FFC];
	_ =	sdelay $0x3  }
0x96: {  	_ =	strace s5  }
0x97: {  	s5 =	sld [smem:$0x3FFD];
	_ =	sdelay $0x3  }
0x98: {  	_ =	strace s5  }
0x99: {  	_ =	strace $0x8FFFFFFF  }
0x9a: {  	s19 =	sld [smem:$0x3FDB];
	_ =	sdelay $0x1  }
0x9b: {  	s6 =	simm.s32 $_scs_section_size  }
0x9c: {  	s7 =	simm.s32 $_size__tile_overlayer_lowered;
	s8 =	simm.s32 $_tile_overlayer_lowered  }
0x9d: {  	s22 =	simm.s32 $0x1BFF;
	s21 =	sshll.u32 s8, $0x1;
	s5 =	sadd.s32 s6, s19  }
0x9e: {  	s9 =	simm.s32 $0x0;
	s20 =	sshll.u32 s7, $0x1;
	s7 =	sadd.s32 s21, s5  }
0x9f: {  	[timem:s9], [sflag:s22] =	dma.local [hbm:s7], s20  }
0xa0: {  	_ =	swait.ge [sflag:s22], s20  }
0xa1: {  	s6 =	ssub.s32 $0x0, s20;
	[sflag:s22] =	ssyncset.done $0x0  }
0xa2: {  	[sflag:s22] =	ssyncadd.s32 s6;
	_ =	sdelay $0x1  }
0xa3: {  	s23 =	simm.s32 $0x1B8B  }
0xa4: {  	_ =	swait.ge [sflag:s23], $0x1  }
0xa5: {  	[sflag:s23] =	ssyncset.done $0x0  }
0xa6: {  	s25 =	simm.s32 $0x1B8E;
	s24 =	sld [smem:$0x3FFE];
	[sflag:s23] =	ssyncadd.s32 $0xFFFFFFFF  }
0xa7: {  	s26 =	simm.s32 $execute0_lowered;
	[smem:$0x3FD2] =	sst s25  }
0xa8: {  	s7 =	sshll.u32 s26, $0x1;
	_ =	strace $0x80000046;
	[dreg:$0x1] =	wrdreg $0xFFFFFFFF  }
0xa9: {  	s28 =	simm.s32 $_size_execute0_lowered;
	s5 =	sadd.s32 s5, s7;
	[dreg:$0x0] =	wrdreg $0x0  }
0xaa: {  	s7 =	sshll.u32 s28, $0x1;
	[dreg:$0x2] =	wrdreg s5  }
0xab: {  	[dreg:$0x3] =	wrdreg s7  }
0xac: {  	[dreg:$0x4] =	wrdreg $0xC0  }
0xad: {  	_ =	task [dreg:s9], $0x5FFFF  }
0xae: {  	[dreg:$0x1] =	wrdreg $0xFFFFFFFF  }
0xaf: {  	[dreg:$0x0] =	wrdreg $0x60  }
0xb0: {  	[dreg:$0x2] =	wrdreg s2  }
0xb1: {  	[dreg:$0x3] =	wrdreg s18  }
0xb2: {  	[dreg:$0x4] =	wrdreg s4  }
0xb3: {  	[dreg:$0x5] =	wrdreg s24  }
0xb4: {  	[dreg:$0x6] =	wrdreg $0x9  }
0xb5: {  	_ =	task.clear_ibuf [dreg:s9], $0x7FFFF;
	_ =	strace $0x90000046  }
0xb6: {  	s29 =	simm.s32 $0x9;
	_ =	strace $0x80000048  }
0xb7: {  	_ =	swait.ge [sflag:s29], $0x1  }
0xb8: {  	[sflag:s29] =	ssyncadd.s32 $0xFFFFFFFF  }
0xb9: {  	_ =	strace $0x90000048  }
0xba: {  	_ =	sfence  }
0xbb: {  	s30 =	sld [smem:$0x0];
	_ =	sdelay $0x2  }
0xbc: {  	s31 =	sshll.u32 s1, $0xD;
	s1 =	sshrl.u32 s1, $0x2  }
0xbd: {  	s3 =	sand.u32 $0x4000, s31;
	s1 =	sadd.s32 s1, s30  }
0xbe: {  	s0 =	sor.u32 s3, s0;
	s1 =	sshll.u32 s1, $0x11  }
0xbf: {  	s0 =	sor.u32 s1, s0  }
0xc0: {  	s0 =	sadd.s32 $0x8F2B, s0  }
0xc1: {  	[sflag:s0] =	ssyncadd.remote.s32 $0x1  }
0xc2: {  	_ =	sfence.sel $0xFFFF  }
0xc3: {  	[dreg:$0x0] =	wrdreg $0xFFFFFFFF;
	(pc) =	sbr.abs _section_cstart, $3  }
0xc4: {  	[dreg:$0x1] =	wrdreg $0xFFFFFFFF  }
0xc5: {  	_ =	task.clear_ibuf [dreg:s9], $0x2FFFF;
	_ =	strace $0x9FFFFFFF  }
0xc6: {  	(tm) =	ssettm $0x7FFFFFFF  }
0xc7: {  	_ =	shalt  }
tec
execute0_lowered:
.L_overlay_start_1:
0x0: {  	(tag) =	ssettag $0x1  }
0x1: {  	v0 =	vimm.s32 $0xFEDCBA98  }
0x2: {  	s3 =	rddreg [dreg:$0x0];
	v1 =	vimm.s32 $0x76543210;
	v2 =	vimm.s32 $0xBA98FEDC;
	v3 =	vimm.s32 $0x32107654  }
0x3: {  	s4 =	rddreg [dreg:$0x1];
	v4 =	vimm.s32 $0xDCFE98BA;
	v5 =	vimm.s32 $0x54761032;
	v6 =	vimm.s32 $0xEFCDAB89  }
0x4: {  	s5 =	rddreg [dreg:$0x2];
	v7 =	vimm.s32 $0x67452301;
	v2 =	vunpack.c.l.s4.s8 v2;
	v3 =	vunpack.c.l.s4.s8 v3  }
0x5: {  	s6 =	rddreg [dreg:$0x3];
	s2 =	srdreg.scid;
	v4 =	vunpack.c.l.s4.s8 v4;
	v5 =	vunpack.c.l.s4.s8 v5;
	v6 =	vunpack.c.l.s4.s8 v6  }
0x6: {  	s0 =	rddreg [dreg:$0x4];
	s1 =	stileid.u32;
	s11 =	simm.s32 $0x3300;
	v7 =	vunpack.c.l.s4.s8 v7;
	v2 =	vunpack.c.0.s8.s32 v2;
	v3 =	vunpack.c.0.s8.s32 v3  }
0x7: {  	s12 =	simm.s32 $0x2;
	s13 =	simm.s32 $0x0;
	v0 =	vunpack.c.l.s4.s8 v0;
	s7 =	sand.u32 $0x1, s2;
	v4 =	vunpack.c.0.s8.s32 v4;
	v5 =	vunpack.c.0.s8.s32 v5  }
0x8: {  	s2 =	simm.s32 $0x0;
	s9 =	sshll.u32 s1, $0x1;
	s8 =	ssub.s32 $0x2, s7;
	v6 =	vunpack.c.0.s8.s32 v6;
	v7 =	vunpack.c.0.s8.s32 v7;
	v2 =	vcombine.low v3, v2  }
0x9: {  	v1 =	vunpack.c.l.s4.s8 v1;
	[smem:$0x7FF] =	sst s2;
	s7 =	sor.u32 s7, s9;
	s10 =	sshrl.u32 s8, $0x1;
	v3 =	vcombine.low v5, v4  }
0xa: {  	v0 =	vunpack.c.0.s8.s32 v0;
	_ =	strace $0x80000047;
	s9 =	sshll.u32 s7, $0x9;
	s7 =	sshll.u32 s7, $0x4;
	v4 =	vcombine.low v7, v6;
	v2 =	vand.u32 $0xF, v2  }
0xb: {  	v1 =	vunpack.c.0.s8.s32 v1;
	s8 =	ssub.s32 s8, s10;
	s3 =	sadd.s32 s3, s9;
	s4 =	sadd.s32 s4, s9;
	v3 =	vand.u32 $0xF, v3;
	[tilespmem:$0x1FFD0] =	vst v2  }
0xc: {  	s5 =	sadd.s32 s5, s9;
	s6 =	sadd.s32 s6, s7;
	s9 =	simm.s32 $0x2000;
	v0 =	vand.u32 $0xF, v0;
	v4 =	vand.u32 $0xF, v4;
	[tilespmem:$0x1FFE0] =	vst v3  }
0xd: {  	s10 =	simm.s32 $0x1;
	s7 =	smax.u32 s8, $0x1;
	s8 =	simm.s32 $0x1000;
	v1 =	vcombine.low v0, v1;
	[tilespmem:$0x1FFF0] =	vst v4  }
.LBB2_1:
0xe: {  	[tilespmem:s2], [sflag:$0x1] =	stream.linear.gather [hbm4b:s3+s2], $0x1000, $0x38;
	[tilespmem:$0x3380] =	vst v63  }
0xf: {  	_ = 	snop  }
0x10: {  	[tilespmem:s8], [sflag:$0x1] =	stream.linear.gather [hbm4b:s4+s2], $0x1000, $0x38;
	[tilespmem:$0x3380] =	vst v63  }
0x11: {  	_ = 	snop  }
0x12: {  	[tilespmem:s9], [sflag:$0x1] =	stream.linear.gather [hbm4b:s5+s2], $0x1000, $0x38;
	[tilespmem:$0x3380] =	vst v63  }
0x13: {  	_ =	swait.ge [sflag:s10], $0x1000  }
0x14: {  	[sflag:s10] =	ssyncset.done $0x0  }
0x15: {  	[sflag:s10] =	ssyncadd.s32 $0xFFFFF000  }
0x16: {  	_ =	swait.ge [sflag:s10], $0x1000  }
0x17: {  	[sflag:s10] =	ssyncset.done $0x0  }
0x18: {  	[sflag:s10] =	ssyncadd.s32 $0xFFFFF000  }
0x19: {  	_ =	swait.ge [sflag:s10], $0x1000  }
0x1a: {  	[sflag:s10] =	ssyncset.done $0x0  }
0x1b: {  	v0 =	vimm.f32 $0.0e+00;
	s14 =	simm.s32 $0x0;
	s15 =	simm.s32 $0x0;
	[sflag:s10] =	ssyncadd.s32 $0xFFFFF000  }
.LBB2_2:
0x1c: {  	s16 =	sand.u32 $0x800, s15;
	s17 =	sand.u32 $0x380, s14  }
0x1d: {  	s16 =	sor.u32 s17, s16  }
0x1e: {  	v20 =	vld [tilespmem:s16+$0x0]  }
0x1f: {  	v8 =	vld [tilespmem:s16+$0x10]  }
0x20: {  	v21 =	vld [tilespmem:s16+$0x20]  }
0x21: {  	v18 =	vld [tilespmem:s16+$0x30]  }
0x22: {  	v19 =	vld [tilespmem:s16+$0x40]  }
0x23: {  	v16 =	vld [tilespmem:s16+$0x50]  }
0x24: {  	v17 =	vld [tilespmem:s16+$0x60]  }
0x25: {  	v14 =	vld [tilespmem:s16+$0x70]  }
0x26: {  	v15 =	vld [tilespmem:s16+$0x400]  }
0x27: {  	v12 =	vld [tilespmem:s16+$0x410]  }
0x28: {  	v13 =	vld [tilespmem:s16+$0x420]  }
0x29: {  	v10 =	vld [tilespmem:s16+$0x430]  }
0x2a: {  	v11 =	vld [tilespmem:s16+$0x440]  }
0x2b: {  	v9 =	vld [tilespmem:s16+$0x450]  }
0x2c: {  	v36 =	vld [tilespmem:s16+$0x460]  }
0x2d: {  	v5 =	vld [tilespmem:s16+$0x470]  }
0x2e: {  	v22 =	vld [tilespmem:s16+$0x1000]  }
0x2f: {  	v52 =	vld [tilespmem:s16+$0x1020]  }
0x30: {  	v38 =	vld [tilespmem:s16+$0x1030]  }
0x31: {  	v50 =	vld [tilespmem:s16+$0x1040]  }
0x32: {  	v39 =	vld [tilespmem:s16+$0x1050]  }
0x33: {  	v49 =	vld [tilespmem:s16+$0x1060]  }
0x34: {  	v47 =	vld [tilespmem:s16+$0x1070]  }
0x35: {  	v48 =	vld [tilespmem:s16+$0x1400]  }
0x36: {  	v43 =	vld [tilespmem:s16+$0x1410]  }
0x37: {  	v44 =	vld [tilespmem:s16+$0x1420]  }
0x38: {  	v40 =	vld [tilespmem:s16+$0x1430];
	v6 =	vmax.f32 v20, v8;
	v7 =	vmax.f32 v21, v18;
	v23 =	vmax.f32 v19, v16  }
0x39: {  	v41 =	vld [tilespmem:s16+$0x1440];
	v24 =	vmax.f32 v17, v14;
	v25 =	vmax.f32 v15, v12;
	v26 =	vmax.f32 v13, v10  }
0x3a: {  	v42 =	vld [tilespmem:s16+$0x1450];
	v27 =	vmax.f32 v11, v9;
	v28 =	vmax.f32 v36, v5;
	v6 =	vmax.f32 v6, v7  }
0x3b: {  	v45 =	vld [tilespmem:s16+$0x1460];
	v7 =	vmax.f32 v23, v24;
	v56 =	vmax.f32 v25, v26;
	v57 =	vmax.f32 v27, v28  }
0x3c: {  	v46 =	vld [tilespmem:s16+$0x1470];
	v6 =	vmax.f32 v6, v7;
	v7 =	vmax.f32 v56, v57  }
0x3d: {  	v51 =	vld [tilespmem:s16+$0x1010];
	v6 =	vmax.f32 v6, v7  }
0x3e: {  	v35 =	vperm.xlane v6, v1  }
0x3f: {  	v58 =	vmax.f32 v52, v38;
	v59 =	vmax.f32 v50, v39;
	v60 =	vmax.f32 v49, v47  }
0x40: {  	v61 =	vmax.f32 v48, v43;
	v62 =	vmax.f32 v44, v40;
	v6 =	vmax.f32 v6, v35  }
0x41: {  	v63 =	vmax.f32 v41, v42;
	v29 =	vmax.f32 v45, v46;
	v24 =	vperm.xlane v6, v2  }
0x42: {  	v31 =	vmax.f32 v59, v60;
	v32 =	vmax.f32 v61, v62;
	v7 =	vmax.f32 v22, v51  }
0x43: {  	v33 =	vmax.f32 v63, v29;
	v7 =	vmax.f32 v7, v58;
	v6 =	vmax.f32 v6, v24  }
0x44: {  	v34 =	vmax.f32 v32, v33;
	v7 =	vmax.f32 v7, v31;
	v24 =	vperm.xlane v6, v3  }
0x45: {  	v7 =	vmax.f32 v7, v34  }
0x46: {  	v23 =	vperm.xlane v7, v1;
	v6 =	vmax.f32 v6, v24  }
0x47: {  	v24 =	vperm.xlane v6, v4  }
0x48: {  	v7 =	vmax.f32 v7, v23  }
0x49: {  	v23 =	vperm.xlane v7, v2;
	v6 =	vmax.f32 v6, v24  }
0x4a: {  	v24 =	vsub.f32 v20, v6  }
0x4b: {  	v7 =	vmax.f32 v7, v23;
	v37 =	vsub.f32 v8, v6;
	v53 =	vsub.f32 v21, v6  }
0x4c: {  	v23 =	vperm.xlane v7, v3;
	v54 =	vsub.f32 v18, v6;
	v55 =	vsub.f32 v19, v6  }
0x4d: {  	v56 =	vsub.f32 v16, v6;
	v57 =	vsub.f32 v17, v6  }
0x4e: {  	v7 =	vmax.f32 v7, v23;
	v30 =	vsub.f32 v14, v6;
	v59 =	vsub.f32 v15, v6  }
0x4f: {  	v23 =	vperm.xlane v7, v4;
	v61 =	vsub.f32 v12, v6;
	v63 =	vsub.f32 v13, v6  }
0x50: {  	v33 =	vsub.f32 v10, v6;
	v35 =	vsub.f32 v11, v6  }
0x51: {  	v7 =	vmax.f32 v7, v23;
	v24 =	vmul.f32 $1.442695020e+00, v24;
	v23 =	vmul.f32 $1.442695020e+00, v37  }
0x52: {  	v19 =	vsub.f32 v50, v19;
	v58 =	vmul.f32 $1.442695020e+00, v53;
	v60 =	vmul.f32 $1.442695020e+00, v54  }
0x53: {  	v15 =	vsub.f32 v48, v15;
	v62 =	vmul.f32 $1.442695020e+00, v55;
	v32 =	vmul.f32 $1.442695020e+00, v56  }
0x54: {  	v13 =	vsub.f32 v44, v13;
	v34 =	vmul.f32 $1.442695020e+00, v57;
	v56 =	vmul.f32 $1.442695020e+00, v30  }
0x55: {  	v11 =	vsub.f32 v41, v11;
	v37 =	vmul.f32 $1.442695020e+00, v63;
	(erf) = vpow2.f32 v24  }
0x56: {  	v57 =	vsub.f32 v9, v6;
	v54 =	vmul.f32 $1.442695020e+00, v33;
	(erf) = vpow2.f32 v23  }
0x57: {  	v53 =	vsub.f32 v22, v7;
	v55 =	vsub.f32 v51, v7;
	(erf) = vpow2.f32 v58  }
0x58: {  	v63 =	vsub.f32 v52, v7;
	v31 =	vsub.f32 v38, v7;
	(erf) = vpow2.f32 v60  }
0x59: {  	[tilespmem:$0x1FFC0] =	vst v0;
	v33 =	vsub.f32 v39, v7;
	v0 =	vsub.f32 v45, v7;
	(erf) = vpow2.f32 v62  }
0x5a: {  	v4 =	vmovc v1;
	v1 =	vsub.f32 v46, v7;
	v22 =	vsub.f32 v22, v20;
	(erf) = vpow2.f32 v32  }
0x5b: {  	v20 =	vsub.f32 v51, v8;
	v58 =	vmul.f32 $1.442695020e+00, v59;
	(erf) = vpow2.f32 v34  }
0x5c: {  	v8 =	vsub.f32 v52, v21;
	v60 =	vmul.f32 $1.442695020e+00, v61;
	(erf) = vpow2.f32 v56  }
0x5d: {  	v21 =	vsub.f32 v38, v18;
	v29 =	vmul.f32 $1.442695020e+00, v63;
	(erf) = vpow2.f32 v58  }
0x5e: {  	v18 =	vsub.f32 v39, v16;
	v31 =	vmul.f32 $1.442695020e+00, v31;
	(erf) = vpow2.f32 v60  }
0x5f: {  	v59 =	vsub.f32 v36, v6;
	v62 =	vmul.f32 $1.442695020e+00, v35;
	(erf) = vpow2.f32 v37  }
0x60: {  	v61 =	vsub.f32 v5, v6;
	v56 =	vmul.f32 $1.442695020e+00, v57;
	v37 =	vpop (erf);
	(erf) = vpow2.f32 v54  }
0x61: {  	v16 =	vsub.f32 v49, v17;
	v57 =	vmul.f32 $1.442695020e+00, v59;
	v35 =	vpop (erf);
	(erf) = vpow2.f32 v62  }
0x62: {  	v17 =	vsub.f32 v47, v14;
	v59 =	vmul.f32 $1.442695020e+00, v61;
	v34 =	vpop (erf);
	(erf) = vpow2.f32 v56  }
0x63: {  	v14 =	vsub.f32 v43, v12;
	v60 =	vmul.f32 $1.442695020e+00, v53;
	v32 =	vpop (erf);
	(erf) = vpow2.f32 v57  }
0x64: {  	v12 =	vsub.f32 v40, v10;
	v62 =	vmul.f32 $1.442695020e+00, v55;
	v30 =	vpop (erf);
	(erf) = vpow2.f32 v59  }
0x65: {  	v0 =	vmul.f32 $1.442695020e+00, v0;
	v58 =	vsub.f32 v50, v7;
	v28 =	vpop (erf);
	(erf) = vpow2.f32 v60  }
0x66: {  	v10 =	vsub.f32 v42, v9;
	v1 =	vmul.f32 $1.442695020e+00, v1;
	v26 =	vpop (erf);
	(erf) = vpow2.f32 v62  }
0x67: {  	v61 =	vsub.f32 v49, v7;
	v63 =	vmul.f32 $1.442695020e+00, v58;
	v24 =	vpop (erf);
	(erf) = vpow2.f32 v29  }
0x68: {  	v51 =	vld [tilespmem:s16+$0x2060];
	v53 =	vsub.f32 v47, v7;
	v23 =	vpop (erf);
	(erf) = vpow2.f32 v31;
	v31 =	vmul.f32 $1.442695020e+00, v33  }
0x69: {  	v50 =	vld [tilespmem:s16+$0x2070];
	v54 =	vsub.f32 v48, v7;
	v25 =	vpop (erf);
	v33 =	vmul.f32 $1.442695020e+00, v61;
	(erf) = vpow2.f32 v63  }
0x6a: {  	v53 =	vmul.f32 $1.442695020e+00, v53;
	v55 =	vsub.f32 v43, v7;
	v57 =	vld [tilespmem:s16+$0x2000];
	v27 =	vpop (erf);
	(erf) = vpow2.f32 v31  }
0x6b: {  	v56 =	vsub.f32 v44, v7;
	v54 =	vmul.f32 $1.442695020e+00, v54;
	v59 =	vld [tilespmem:s16+$0x2010];
	v29 =	vpop (erf);
	(erf) = vpow2.f32 v33  }
0x6c: {  	v58 =	vsub.f32 v40, v7;
	v61 =	vld [tilespmem:s16+$0x2020];
	v31 =	vpop (erf);
	(erf) = vpow2.f32 v53;
	v53 =	vmul.f32 $1.442695020e+00, v55  }
0x6d: {  	v56 =	vmul.f32 $1.442695020e+00, v56;
	v60 =	vsub.f32 v41, v7;
	v63 =	vld [tilespmem:s16+$0x2030];
	v33 =	vpop (erf);
	(erf) = vpow2.f32 v54  }
0x6e: {  	v58 =	vmul.f32 $1.442695020e+00, v58;
	v62 =	vsub.f32 v42, v7;
	v55 =	vld [tilespmem:s16+$0x2040];
	(erf) = vpow2.f32 v53  }
0x6f: {  	v9 =	vsub.f32 v45, v36;
	v43 =	vld [tilespmem:s16+$0x2420];
	v38 =	vpop (erf);
	(erf) = vpow2.f32 v56;
	v56 =	vmul.f32 $1.442695020e+00, v60  }
0x70: {  	v5 =	vsub.f32 v46, v5;
	v54 =	vld [tilespmem:s16+$0x2050];
	v39 =	vpop (erf);
	(erf) = vpow2.f32 v58;
	v58 =	vmul.f32 $1.442695020e+00, v62  }
0x71: {  	v51 =	vsub.f32 $1.000000000e+00, v51;
	v47 =	vld [tilespmem:s16+$0x2410];
	v44 =	vsub.f32 $1.000000000e+00, v57;
	v40 =	vpop (erf);
	(erf) = vpow2.f32 v56  }
0x72: {  	v52 =	vsub.f32 $1.000000000e+00, v59;
	v53 =	vsub.f32 $1.000000000e+00, v61;
	v36 =	vpop (erf);
	(erf) = vpow2.f32 v58  }
0x73: {  	v57 =	vsub.f32 $1.000000000e+00, v63;
	v55 =	vsub.f32 $1.000000000e+00, v55;
	v41 =	vpop (erf);
	(erf) = vpow2.f32 v0  }
0x74: {  	v0 =	vsub.f32 $1.000000000e+00, v50;
	v50 =	vsub.f32 $1.000000000e+00, v43;
	v43 =	vmul.f32 v40, v44  }
0x75: {  	v54 =	vsub.f32 $1.000000000e+00, v54;
	v45 =	vmul.f32 v36, v52;
	v44 =	vmul.f32 v37, v44  }
0x76: {  	v42 =	vpop (erf);
	(erf) = vpow2.f32 v1;
	v1 =	vsub.f32 $1.000000000e+00, v47;
	v61 =	vmul.f32 v43, v22  }
0x77: {  	v47 =	vmul.f32 v52, v35;
	v44 =	vadd.f32 $0.0e+00, v44;
	v43 =	vadd.f32 $0.0e+00, v43  }
0x78: {  	v52 =	vmul.f32 v53, v41;
	v46 =	vadd.f32 $0.0e+00, v61;
	v61 =	vmul.f32 v45, v20  }
0x79: {  	v44 =	vadd.f32 v44, v47;
	v45 =	vadd.f32 v43, v45;
	v47 =	vmul.f32 v53, v34  }
0x7a: {  	v53 =	vmul.f32 v57, v42;
	v46 =	vadd.f32 v46, v61;
	v61 =	vmul.f32 v52, v8  }
0x7b: {  	v49 =	vld [tilespmem:s16+$0x2400];
	v43 =	vpop (erf);
	v47 =	vadd.f32 v44, v47;
	v45 =	vadd.f32 v45, v52;
	v52 =	vmul.f32 v57, v32  }
0x7c: {  	v48 =	vld [tilespmem:s16+$0x2430];
	v57 =	vmul.f32 v55, v43;
	v46 =	vadd.f32 v46, v61;
	v61 =	vmul.f32 v53, v21  }
0x7d: {  	v60 =	vld [tilespmem:s16+$0x2450];
	v44 =	vpop (erf);
	v47 =	vadd.f32 v47, v52;
	v52 =	vadd.f32 v45, v53;
	v53 =	vmul.f32 v55, v30  }
0x7e: {  	v62 =	vld [tilespmem:s16+$0x2440];
	v55 =	vmul.f32 v54, v44;
	v46 =	vadd.f32 v46, v61;
	v61 =	vmul.f32 v57, v19  }
0x7f: {  	v56 =	vld [tilespmem:s16+$0x2460];
	v45 =	vpop (erf);
	v47 =	vadd.f32 v47, v53;
	v52 =	vadd.f32 v52, v57;
	v53 =	vmul.f32 v54, v28  }
0x80: {  	v58 =	vld [tilespmem:s16+$0x2470];
	[tilespmem:$0x3000] =	vst v37;
	v54 =	vmul.f32 v51, v45;
	v57 =	vadd.f32 v46, v61;
	v61 =	vmul.f32 v55, v18  }
0x81: {  	v49 =	vsub.f32 $1.000000000e+00, v49;
	[tilespmem:$0x3010] =	vst v35;
	v51 =	vmul.f32 v51, v26;
	v53 =	vadd.f32 v47, v53  }
0x82: {  	[tilespmem:$0x3020] =	vst v34;
	v52 =	vadd.f32 v52, v55;
	v57 =	vadd.f32 v57, v61;
	v61 =	vmul.f32 v54, v16  }
0x83: {  	[tilespmem:$0x3030] =	vst v32;
	v59 =	vsub.f32 $1.000000000e+00, v62;
	v46 =	vpop (erf);
	v51 =	vadd.f32 v53, v51  }
0x84: {  	[tilespmem:$0x3040] =	vst v30;
	v52 =	vadd.f32 v52, v54;
	v55 =	vmul.f32 v0, v46;
	v47 =	vpop (erf);
	v0 =	vmul.f32 v0, v24  }
0x85: {  	[tilespmem:$0x3050] =	vst v28;
	v53 =	vmul.f32 v49, v47;
	v54 =	vadd.f32 v57, v61;
	v49 =	vmul.f32 v49, v23  }
0x86: {  	[tilespmem:$0x3060] =	vst v26;
	v57 =	vmul.f32 v55, v17;
	v0 =	vadd.f32 v51, v0;
	v62 =	vadd.f32 v52, v55;
	v61 =	vpop (erf)  }
0x87: {  	v48 =	vsub.f32 $1.000000000e+00, v48;
	[tilespmem:$0x3070] =	vst v24;
	v52 =	vmul.f32 v1, v61  }
0x88: {  	[tilespmem:$0x3080] =	vst v23;
	v0 =	vadd.f32 v0, v49;
	v49 =	vadd.f32 v62, v53;
	v1 =	vmul.f32 v1, v25  }
0x89: {  	[tilespmem:$0x3090] =	vst v25;
	v60 =	vsub.f32 $1.000000000e+00, v60;
	v63 =	vmul.f32 v53, v15;
	v54 =	vadd.f32 v54, v57  }
0x8a: {  	[tilespmem:$0x3100] =	vst v40;
	v57 =	vpop (erf);
	v0 =	vadd.f32 v0, v1;
	v1 =	vadd.f32 v49, v52;
	v49 =	vmul.f32 v50, v27  }
0x8b: {  	[tilespmem:$0x3110] =	vst v36;
	v36 =	vld [tilespmem:$0x3100];
	v62 =	vadd.f32 v54, v63;
	v63 =	vmul.f32 v52, v14;
	v51 =	vmul.f32 v50, v57;
	v55 =	vpop (erf)  }
0x8c: {  	[tilespmem:$0x3120] =	vst v41;
	v35 =	vld [tilespmem:$0x3020];
	v50 =	vmul.f32 v48, v55;
	v0 =	vadd.f32 v0, v49;
	v48 =	vmul.f32 v48, v29  }
0x8d: {  	[tilespmem:$0x3130] =	vst v42;
	v56 =	vsub.f32 $1.000000000e+00, v56;
	v42 =	vld [tilespmem:$0x3120];
	v62 =	vadd.f32 v62, v63;
	v54 =	vpop (erf);
	v63 =	vmul.f32 v51, v13  }
0x8e: {  	[tilespmem:$0x3220] =	vst v8;
	v58 =	vsub.f32 $1.000000000e+00, v58;
	v32 =	vld [tilespmem:$0x3040];
	v37 =	vmul.f32 v59, v54;
	v0 =	vadd.f32 v0, v48  }
0x8f: {  	[tilespmem:$0x3140] =	vst v43;
	v43 =	vld [tilespmem:$0x3130];
	v52 =	vpop (erf);
	v49 =	vadd.f32 v62, v63;
	v62 =	vmul.f32 v50, v12;
	v63 =	vmul.f32 v59, v31  }
0x90: {  	[tilespmem:$0x3230] =	vst v21;
	v21 =	vld [tilespmem:$0x3220];
	v1 =	vadd.f32 v1, v51;
	v34 =	vmul.f32 v60, v52;
	v60 =	vmul.f32 v60, v33  }
0x91: {  	[tilespmem:$0x3150] =	vst v44;
	v44 =	vld [tilespmem:$0x3140];
	v53 =	vpop (erf);
	v59 =	vmul.f32 v37, v11;
	v49 =	vadd.f32 v49, v62;
	v0 =	vadd.f32 v0, v63  }
0x92: {  	[tilespmem:$0x3240] =	vst v19;
	v19 =	vld [tilespmem:$0x3230];
	v1 =	vadd.f32 v1, v50;
	v30 =	vmul.f32 v56, v53;
	v56 =	vmul.f32 v56, v38  }
0x93: {  	[tilespmem:$0x3160] =	vst v45;
	v45 =	vld [tilespmem:$0x3150];
	v63 =	vmul.f32 v34, v10;
	v62 =	vadd.f32 v49, v59;
	v0 =	vadd.f32 v0, v60  }
0x94: {  	[tilespmem:$0x3250] =	vst v18;
	v18 =	vld [tilespmem:$0x3240];
	v1 =	vadd.f32 v1, v37  }
0x95: {  	[tilespmem:$0x3260] =	vst v16;
	v16 =	vld [tilespmem:$0x3250];
	v59 =	vpop (erf);
	v60 =	vadd.f32 v62, v63;
	v0 =	vadd.f32 v0, v56;
	v63 =	vmul.f32 v58, v39  }
0x96: {  	[tilespmem:$0x3170] =	vst v46;
	v46 =	vld [tilespmem:$0x3160];
	v1 =	vadd.f32 v1, v34;
	v26 =	vmul.f32 v58, v59;
	v62 =	vmul.f32 v30, v9  }
0x97: {  	[tilespmem:$0x3180] =	vst v47;
	v47 =	vld [tilespmem:$0x3170];
	v0 =	vadd.f32 v0, v63  }
0x98: {  	[tilespmem:$0x3270] =	vst v17;
	v17 =	vld [tilespmem:$0x3260];
	v1 =	vadd.f32 v1, v30;
	v60 =	vadd.f32 v60, v62;
	v62 =	vmul.f32 v26, v5  }
0x99: {  	[tilespmem:$0x3280] =	vst v15;
	v15 =	vld [tilespmem:$0x3270];
	v24 =	vperm.xlane v0, v4  }
0x9a: {  	[tilespmem:$0x3190] =	vst v61;
	v61 =	vld [tilespmem:$0x3180];
	v1 =	vadd.f32 v1, v26;
	v23 =	vadd.f32 v60, v62  }
0x9b: {  	[tilespmem:$0x30A0] =	vst v27;
	v27 =	vld [tilespmem:$0x3090];
	v0 =	vadd.f32 v24, v0  }
0x9c: {  	[tilespmem:$0x31A0] =	vst v57;
	v57 =	vld [tilespmem:$0x3190];
	v63 =	vperm.xlane v1, v4;
	v28 =	vperm.xlane v23, v4  }
0x9d: {  	[tilespmem:$0x31B0] =	vst v55;
	v55 =	vld [tilespmem:$0x31A0];
	v24 =	vperm.xlane v0, v2  }
0x9e: {  	v51 =	vld [tilespmem:$0x3010];
	v1 =	vadd.f32 v63, v1;
	v23 =	vadd.f32 v28, v23  }
0x9f: {  	[tilespmem:$0x30B0] =	vst v29;
	v48 =	vld [tilespmem:$0x3000];
	v0 =	vadd.f32 v24, v0  }
0xa0: {  	[tilespmem:$0x30C0] =	vst v31;
	v25 =	vperm.xlane v1, v2;
	v28 =	vperm.xlane v23, v2;
	v2 =	vld [tilespmem:$0x1FFF0]  }
0xa1: {  	[tilespmem:$0x30D0] =	vst v33;
	v31 =	vld [tilespmem:$0x30B0];
	v24 =	vperm.xlane v0, v3  }
0xa2: {  	[tilespmem:$0x30E0] =	vst v38;
	v38 =	vld [tilespmem:$0x30D0]  }
0xa3: {  	v37 =	vld [tilespmem:$0x30A0];
	v0 =	vadd.f32 v24, v0  }
0xa4: {  	v49 =	vld [tilespmem:$0x3050];
	v1 =	vadd.f32 v25, v1  }
0xa5: {  	v34 =	vld [tilespmem:$0x3070];
	v23 =	vadd.f32 v28, v23;
	v24 =	vperm.xlane v0, v2  }
0xa6: {  	v56 =	vld [tilespmem:$0x3060];
	v25 =	vperm.xlane v1, v3  }
0xa7: {  	v26 =	vld [tilespmem:$0x3080];
	v28 =	vperm.xlane v23, v3;
	v0 =	vadd.f32 v24, v0  }
0xa8: {  	v6 =	vsub.f32 v6, v7;
	[tilespmem:$0x30F0] =	vst v39;
	v1 =	vadd.f32 v25, v1;
	v2 =	vld [tilespmem:$0x1FFF0]  }
0xa9: {  	[tilespmem:$0x3200] =	vst v22;
	v58 =	vld [tilespmem:$0x30C0];
	v23 =	vadd.f32 v28, v23;
	v48 =	vadd.f32 v48, v0  }
0xaa: {  	[tilespmem:$0x3210] =	vst v20;
	v60 =	vld [tilespmem:$0x30E0];
	v51 =	vadd.f32 v51, v0;
	v30 =	vadd.f32 v32, v0  }
0xab: {  	[tilespmem:$0x3290] =	vst v14;
	v62 =	vld [tilespmem:$0x30F0];
	v29 =	vadd.f32 v49, v0;
	v24 =	vadd.f32 v34, v0  }
0xac: {  	[tilespmem:$0x31C0] =	vst v54;
	v54 =	vld [tilespmem:$0x31B0];
	v41 =	vadd.f32 v26, v0;
	v40 =	vadd.f32 v27, v0  }
0xad: {  	[tilespmem:$0x32A0] =	vst v13;
	v13 =	vld [tilespmem:$0x3290];
	v22 =	vadd.f32 v37, v0;
	v31 =	vadd.f32 v31, v0;
	v25 =	vperm.xlane v1, v2  }
0xae: {  	[tilespmem:$0x32B0] =	vst v12;
	v39 =	vadd.f32 v58, v0;
	v20 =	vadd.f32 v38, v0;
	v2 =	vld [tilespmem:$0x1FFF0]  }
0xaf: {  	[tilespmem:$0x32C0] =	vst v11;
	v21 =	vmul.f32 v21, v42;
	v50 =	vld [tilespmem:$0x3030];
	v8 =	vadd.f32 v60, v0;
	v1 =	vadd.f32 v25, v1  }
0xb0: {  	[tilespmem:$0x32D0] =	vst v10;
	v18 =	vmul.f32 v18, v44;
	v11 =	vld [tilespmem:$0x32B0];
	v7 =	vadd.f32 v62, v0;
	v25 =	vadd.f32 v56, v0  }
0xb1: {  	v16 =	vmul.f32 v16, v45;
	[tilespmem:$0x31D0] =	vst v52;
	v63 =	vld [tilespmem:$0x3110];
	v60 =	vadd.f32 v36, v1;
	v37 =	vadd.f32 v42, v1  }
0xb2: {  	[tilespmem:$0x31E0] =	vst v53;
	v10 =	vmul.f32 v15, v47;
	v32 =	vld [tilespmem:$0x3210];
	v38 =	vadd.f32 v43, v1;
	v52 =	vadd.f32 v44, v1  }
0xb3: {  	v34 =	vld [tilespmem:$0x31E0];
	v53 =	vadd.f32 v45, v1;
	v56 =	vadd.f32 v46, v1;
	v28 =	vperm.xlane v23, v2  }
0xb4: {  	v13 =	vmul.f32 v13, v57;
	[tilespmem:$0x31F0] =	vst v59;
	v49 =	vld [tilespmem:$0x31D0];
	v58 =	vadd.f32 v47, v1;
	v59 =	vadd.f32 v61, v1  }
0xb5: {  	v11 =	vmul.f32 v11, v54;
	v2 =	vadd.f32 v35, v0;
	v35 =	vld [tilespmem:$0x31C0];
	v33 =	vadd.f32 v28, v23  }
0xb6: {  	(erf) = vrcp.f32 v60;
	v28 =	vadd.f32 v50, v0;
	v23 =	vld [tilespmem:$0x3200];
	v0 =	vadd.f32 v63, v1  }
0xb7: {  	v62 =	vadd.f32 v55, v1;
	v3 =	vadd.f32 v54, v1;
	v32 =	vmul.f32 v32, v63;
	v50 =	vld [tilespmem:$0x31F0]  }
0xb8: {  	v14 =	vld [tilespmem:$0x3280];
	v42 =	vadd.f32 v34, v1;
	v43 =	vmul.f32 v19, v43;
	(erf) = vrcp.f32 v0  }
0xb9: {  	v60 =	vadd.f32 v57, v1;
	v63 =	vadd.f32 v49, v1;
	v0 =	vld [tilespmem:$0x32A0];
	(erf) = vrcp.f32 v37  }
0xba: {  	v19 =	vld [tilespmem:$0x32C0];
	v27 =	vadd.f32 v32, v33;
	v18 =	vadd.f32 v18, v33;
	(erf) = vrcp.f32 v38  }
0xbb: {  	v23 =	vmul.f32 v23, v36;
	v36 =	vadd.f32 v35, v1;
	(erf) = vrcp.f32 v52  }
0xbc: {  	v1 =	vadd.f32 v50, v1;
	v50 =	vmul.f32 v50, v5;
	(erf) = vrcp.f32 v53  }
0xbd: {  	v26 =	vadd.f32 v23, v33;
	v23 =	vadd.f32 v21, v33;
	v21 =	vmul.f32 v17, v46  }
0xbe: {  	[tilespmem:$0x32E0] =	vst v9;
	v17 =	vadd.f32 v43, v33;
	v43 =	vmul.f32 v14, v61;
	v0 =	vmul.f32 v0, v55  }
0xbf: {  	v9 =	vld [tilespmem:$0x32E0];
	v15 =	vadd.f32 v10, v33;
	v61 =	vmul.f32 v19, v35;
	(erf) = vrcp.f32 v56;
	v32 =	vpop (erf)  }
0xc0: {  	[tilespmem:$0x32F0] =	vst v5;
	v5 =	vadd.f32 $-8.802969360e+01, v6;
	(erf) = vrcp.f32 v58;
	v12 =	vmul.f32 v32, v48  }
0xc1: {  	v19 =	vadd.f32 v16, v33;
	(erf) = vrcp.f32 v59;
	v16 =	vadd.f32 v43, v33  }
0xc2: {  	v48 =	vld [tilespmem:$0x32D0];
	v26 =	vmul.f32 v26, v32;
	(erf) = vrcp.f32 v60;
	v44 =	vadd.s32 $0x400000, v12;
	v38 =	vpop (erf)  }
0xc3: {  	(erf) = vrcp.f32 v62;
	v57 =	vand.u32 $0xFF800000, v44;
	v56 =	vmul.f32 v38, v51  }
0xc4: {  	v51 =	vmul.f32 v9, v34;
	v35 =	vpop (erf);
	(erf) = vrcp.f32 v3;
	v9 =	vadd.f32 v13, v33  }
0xc5: {  	v13 =	vadd.f32 v11, v33;
	v6 =	vmul.f32 v27, v38;
	v2 =	vmul.f32 v35, v2  }
0xc6: {  	v14 =	vsub.s32 $0x7F000000, v57;
	(erf) = vrcp.f32 v36;
	v23 =	vmul.f32 v23, v35  }
0xc7: {  	v12 =	vmul.f32 v14, v12;
	v14 =	vadd.f32 v21, v33;
	v21 =	vmul.f32 v48, v49  }
0xc8: {  	v36 =	vpop (erf);
	v52 =	vadd.s32 $0x400000, v56;
	(erf) = vrcp.f32 v63;
	v63 =	vshra.s32 v44, $0x17  }
0xc9: {  	v37 =	vpop (erf);
	v17 =	vmul.f32 v17, v36;
	v58 =	vand.u32 $0xFF800000, v52;
	(erf) = vrcp.f32 v42  }
0xca: {  	v42 =	vmul.f32 v37, v30;
	v46 =	vadd.f32 $-1.000000000e+00, v12;
	v59 =	vsub.s32 $0x7F000000, v58  }
0xcb: {  	v53 =	vadd.s32 $0x400000, v2;
	v18 =	vmul.f32 v18, v37;
	v10 =	vmul.f32 v59, v56  }
0xcc: {  	v34 =	vpop (erf);
	v60 =	vand.u32 $0xFF800000, v53;
	(erf) = vrcp.f32 v1;
	v57 =	vmul.f32 $1.046272810e-01, v46  }
0xcd: {  	v30 =	vpop (erf);
	v54 =	vmul.f32 v34, v29;
	v19 =	vmul.f32 v19, v34;
	v43 =	vadd.f32 $-1.000000000e+00, v10  }
0xce: {  	v55 =	vmul.f32 v30, v25;
	v10 =	vsub.s32 $0x7F000000, v60;
	v3 =	vsub.f32 $2.024138720e-01, v57  }
0xcf: {  	v53 =	vshra.s32 v53, $0x17;
	v2 =	vmul.f32 v10, v2;
	v1 =	vmul.f32 $1.046272810e-01, v43  }
0xd0: {  	v12 =	vadd.f32 v0, v33;
	v53 =	vcvt.s32.f32 v53;
	v3 =	vmul.f32 v3, v46  }
0xd1: {  	v14 =	vmul.f32 v14, v30;
	v2 =	vadd.f32 $-1.000000000e+00, v2;
	v1 =	vsub.f32 $2.024138720e-01, v1  }
0xd2: {  	v53 =	vmul.f32 $6.931471820e-01, v53;
	v57 =	vcvt.s32.f32 v63;
	v3 =	vadd.f32 $-2.553149160e-01, v3  }
0xd3: {  	v10 =	vadd.f32 v61, v33;
	v61 =	vmul.f32 $1.046272810e-01, v2;
	v1 =	vmul.f32 v1, v43  }
0xd4: {  	v11 =	vadd.f32 v21, v33;
	v0 =	vmul.f32 v3, v46;
	v3 =	vmul.f32 v36, v28;
	v28 =	vpop (erf)  }
0xd5: {  	v29 =	vpop (erf);
	v45 =	vmul.f32 v28, v24;
	v1 =	vadd.f32 $-2.553149160e-01, v1;
	v15 =	vmul.f32 v15, v28  }
0xd6: {  	v62 =	vsub.f32 $2.024138720e-01, v61;
	v25 =	vpop (erf);
	v56 =	vmul.f32 v29, v41;
	v16 =	vmul.f32 v16, v29  }
0xd7: {  	v0 =	vadd.f32 $3.336314860e-01, v0;
	v49 =	vmul.f32 v25, v40;
	v1 =	vmul.f32 v1, v43  }
0xd8: {  	v61 =	vshra.s32 v52, $0x17;
	v24 =	vpop (erf);
	v40 =	vmul.f32 v62, v2;
	v9 =	vmul.f32 v9, v25  }
0xd9: {  	v44 =	vadd.s32 $0x400000, v3;
	v0 =	vmul.f32 v0, v46;
	v48 =	vmul.f32 v24, v22;
	v22 =	vpop (erf)  }
0xda: {  	v60 =	vand.u32 $0xFF800000, v44;
	v12 =	vmul.f32 v12, v24;
	v47 =	vmul.f32 v22, v31  }
0xdb: {  	v1 =	vadd.f32 $3.336314860e-01, v1;
	v58 =	vadd.f32 $-2.553149160e-01, v40;
	v40 =	vmul.f32 $6.931471820e-01, v57  }
0xdc: {  	v21 =	vpop (erf);
	v57 =	vadd.s32 $0x400000, v54;
	v13 =	vmul.f32 v13, v22;
	v0 =	vadd.f32 $-4.999113080e-01, v0  }
0xdd: {  	v41 =	vmul.f32 v21, v39;
	v39 =	vsub.s32 $0x7F000000, v60;
	v1 =	vmul.f32 v1, v43  }
0xde: {  	v59 =	vmul.f32 v58, v2;
	v3 =	vmul.f32 v39, v3;
	v39 =	vadd.s32 $0x400000, v42  }
0xdf: {  	v10 =	vmul.f32 v10, v21;
	v0 =	vmul.f32 v0, v46;
	v62 =	vand.u32 $0xFF800000, v39  }
0xe0: {  	v39 =	vshra.s32 v39, $0x17;
	v1 =	vadd.f32 $-4.999113080e-01, v1;
	v31 =	vadd.f32 $3.336314860e-01, v59  }
0xe1: {  	v3 =	vadd.f32 $-1.000000000e+00, v3;
	v52 =	vsub.s32 $0x7F000000, v62;
	v39 =	vcvt.s32.f32 v39  }
0xe2: {  	v0 =	vadd.f32 $9.999974960e-01, v0;
	v42 =	vmul.f32 v52, v42;
	v1 =	vmul.f32 v1, v43  }
0xe3: {  	v59 =	vand.u32 $0xFF800000, v57;
	v31 =	vmul.f32 v31, v2;
	v63 =	vmul.f32 $1.046272810e-01, v3  }
0xe4: {  	v39 =	vmul.f32 $6.931471820e-01, v39;
	v0 =	vmul.f32 v0, v46;
	v1 =	vadd.f32 $9.999974960e-01, v1  }
0xe5: {  	v46 =	vcvt.s32.f32 v61;
	v31 =	vadd.f32 $-4.999113080e-01, v31;
	v52 =	vsub.f32 $2.024138720e-01, v63  }
0xe6: {  	v1 =	vmul.f32 v1, v43;
	v43 =	vadd.f32 $-1.000000000e+00, v42;
	v42 =	vsub.s32 $0x7F000000, v59  }
0xe7: {  	v31 =	vmul.f32 v31, v2;
	v42 =	vmul.f32 v42, v54  }
0xe8: {  	v44 =	vshra.s32 v44, $0x17;
	v52 =	vmul.f32 v52, v3;
	v60 =	vmul.f32 $1.046272810e-01, v43  }
0xe9: {  	v59 =	vadd.s32 $0x400000, v55;
	v31 =	vadd.f32 $9.999974960e-01, v31;
	v58 =	vadd.f32 $-1.000000000e+00, v42  }
0xea: {  	v62 =	vand.u32 $0xFF800000, v59;
	v42 =	vadd.f32 $-2.553149160e-01, v52;
	v61 =	vsub.f32 $2.024138720e-01, v60  }
0xeb: {  	v2 =	vmul.f32 v31, v2;
	v60 =	vsub.s32 $0x7F000000, v62;
	v31 =	vadd.f32 v51, v33  }
0xec: {  	v54 =	vmul.f32 $1.046272810e-01, v58;
	v63 =	vmul.f32 v60, v55;
	v55 =	vadd.s32 $0x400000, v45  }
0xed: {  	v42 =	vmul.f32 v42, v3;
	v52 =	vmul.f32 v61, v43;
	v60 =	vand.u32 $0xFF800000, v55  }
0xee: {  	v54 =	vsub.f32 $2.024138720e-01, v54;
	v51 =	vadd.f32 $-1.000000000e+00, v63;
	v60 =	vsub.s32 $0x7F000000, v60  }
0xef: {  	v46 =	vmul.f32 $6.931471820e-01, v46;
	v42 =	vadd.f32 $3.336314860e-01, v42;
	v45 =	vmul.f32 v60, v45  }
0xf0: {  	v52 =	vadd.f32 $-2.553149160e-01, v52;
	v54 =	vmul.f32 v54, v58;
	v60 =	vmul.f32 $1.046272810e-01, v51  }
0xf1: {  	v46 =	vadd.f32 v1, v46;
	v33 =	vadd.f32 v50, v33;
	v42 =	vmul.f32 v42, v3  }
0xf2: {  	v52 =	vmul.f32 v52, v43;
	v54 =	vadd.f32 $-2.553149160e-01, v54;
	v50 =	vsub.f32 $2.024138720e-01, v60  }
0xf3: {  	v42 =	vadd.f32 $-4.999113080e-01, v42;
	v60 =	vcvt.s32.f32 v44;
	v44 =	vadd.f32 v0, v40  }
0xf4: {  	v52 =	vadd.f32 $3.336314860e-01, v52;
	v0 =	vmul.f32 v54, v58;
	v61 =	vmul.f32 v50, v51  }
0xf5: {  	v42 =	vmul.f32 v42, v3;
	v62 =	vmul.f32 $6.931471820e-01, v60;
	v50 =	vadd.s32 $0x400000, v56  }
0xf6: {  	v52 =	vmul.f32 v52, v43;
	v0 =	vadd.f32 $3.336314860e-01, v0;
	v40 =	vadd.f32 $-2.553149160e-01, v61  }
0xf7: {  	v60 =	vshra.s32 v59, $0x17;
	v26 =	vadd.f32 v44, v26;
	v42 =	vadd.f32 $9.999974960e-01, v42  }
0xf8: {  	v52 =	vadd.f32 $-4.999113080e-01, v52;
	v0 =	vmul.f32 v0, v58;
	v1 =	vmul.f32 v40, v51  }
0xf9: {  	v3 =	vmul.f32 v42, v3;
	v42 =	vadd.f32 v2, v53;
	v53 =	vcvt.s32.f32 v60  }
0xfa: {  	v52 =	vmul.f32 v52, v43;
	v0 =	vadd.f32 $-4.999113080e-01, v0;
	v1 =	vadd.f32 $3.336314860e-01, v1  }
0xfb: {  	v40 =	vadd.f32 v3, v62;
	v3 =	vshra.s32 v57, $0x17;
	v57 =	vand.u32 $0xFF800000, v50  }
0xfc: {  	v50 =	vshra.s32 v50, $0x17;
	v23 =	vadd.f32 v42, v23;
	v63 =	vadd.f32 $9.999974960e-01, v52  }
0xfd: {  	v52 =	vadd.f32 $-1.000000000e+00, v45;
	v3 =	vcvt.s32.f32 v3;
	v50 =	vcvt.s32.f32 v50  }
0xfe: {  	v45 =	vsub.s32 $0x7F000000, v57;
	v0 =	vmul.f32 v0, v58;
	v1 =	vmul.f32 v1, v51  }
0xff: {  	v26 =	vadd.f32 v26, v5;
	v45 =	vmul.f32 v45, v56;
	v54 =	vmul.f32 $1.046272810e-01, v52  }
0x100: {  	v23 =	vadd.f32 v23, v5;
	v17 =	vadd.f32 v40, v17;
	v2 =	vmul.f32 v63, v43  }
0x101: {  	v3 =	vmul.f32 $6.931471820e-01, v3;
	v1 =	vadd.f32 $-4.999113080e-01, v1;
	v43 =	vsub.f32 $2.024138720e-01, v54  }
0x102: {  	v63 =	vshra.s32 v55, $0x17;
	v54 =	vadd.f32 $-1.000000000e+00, v45;
	v45 =	vadd.f32 v2, v39  }
0x103: {  	v0 =	vadd.f32 $9.999974960e-01, v0;
	v1 =	vmul.f32 v1, v51;
	v43 =	vmul.f32 v43, v52  }
0x104: {  	v50 =	vmul.f32 $6.931471820e-01, v50;
	v17 =	vadd.f32 v17, v5;
	v18 =	vadd.f32 v45, v18  }
0x105: {  	v2 =	vmul.f32 $6.931471820e-01, v53;
	v1 =	vadd.f32 $9.999974960e-01, v1;
	v43 =	vadd.f32 $-2.553149160e-01, v43  }
0x106: {  	v53 =	vadd.s32 $0x400000, v49;
	v0 =	vmul.f32 v0, v58;
	v62 =	vmul.f32 $1.046272810e-01, v54  }
0x107: {  	v18 =	vadd.f32 v18, v5;
	v1 =	vmul.f32 v1, v51;
	v61 =	vmul.f32 v43, v52  }
0x108: {  	v43 =	vadd.f32 v0, v3;
	v3 =	vand.u32 $0xFF800000, v53;
	v53 =	vshra.s32 v53, $0x17  }
0x109: {  	v39 =	vadd.f32 v1, v2;
	v1 =	vsub.f32 $2.024138720e-01, v62;
	v2 =	vsub.s32 $0x7F000000, v3  }
0x10a: {  	v3 =	vadd.s32 $0x400000, v48;
	v53 =	vcvt.s32.f32 v53;
	v0 =	vadd.f32 $3.336314860e-01, v61  }
0x10b: {  	v2 =	vmul.f32 v2, v49;
	v60 =	vand.u32 $0xFF800000, v3;
	v49 =	vcvt.s32.f32 v63  }
0x10c: {  	v3 =	vshra.s32 v3, $0x17;
	v51 =	vsub.s32 $0x7F000000, v60;
	v0 =	vmul.f32 v0, v52  }
0x10d: {  	v2 =	vadd.f32 $-1.000000000e+00, v2;
	v48 =	vmul.f32 v51, v48;
	v51 =	vadd.s32 $0x400000, v47  }
0x10e: {  	v19 =	vadd.f32 v43, v19;
	v1 =	vmul.f32 v1, v54;
	v62 =	vand.u32 $0xFF800000, v51  }
0x10f: {  	v0 =	vadd.f32 $-4.999113080e-01, v0;
	v61 =	vmul.f32 $1.046272810e-01, v2;
	v56 =	vsub.s32 $0x7F000000, v62  }
0x110: {  	v3 =	vcvt.s32.f32 v3;
	v48 =	vadd.f32 $-1.000000000e+00, v48;
	v47 =	vmul.f32 v56, v47  }
0x111: {  	v1 =	vadd.f32 $-2.553149160e-01, v1;
	v0 =	vmul.f32 v0, v52;
	v55 =	vsub.f32 $2.024138720e-01, v61  }
0x112: {  	v49 =	vmul.f32 $6.931471820e-01, v49;
	v63 =	vmul.f32 $1.046272810e-01, v48;
	v57 =	vadd.f32 $-1.000000000e+00, v47  }
0x113: {  	v1 =	vmul.f32 v1, v54;
	v0 =	vadd.f32 $9.999974960e-01, v0;
	v55 =	vmul.f32 v55, v2  }
0x114: {  	v56 =	vadd.s32 $0x400000, v41;
	v60 =	vsub.f32 $2.024138720e-01, v63;
	v62 =	vmul.f32 $1.046272810e-01, v57  }
0x115: {  	v59 =	vand.u32 $0xFF800000, v56;
	v0 =	vmul.f32 v0, v52;
	v61 =	vadd.f32 $-2.553149160e-01, v55  }
0x116: {  	v63 =	vmul.f32 v60, v48;
	v60 =	vsub.s32 $0x7F000000, v59;
	v55 =	vsub.f32 $2.024138720e-01, v62  }
0x117: {  	v14 =	vadd.f32 v39, v14;
	v1 =	vadd.f32 $3.336314860e-01, v1;
	v41 =	vmul.f32 v60, v41  }
0x118: {  	v47 =	vadd.f32 v0, v49;
	v0 =	vadd.f32 $-2.553149160e-01, v63;
	v62 =	vmul.f32 v55, v57  }
0x119: {  	v19 =	vadd.f32 v19, v5;
	v1 =	vmul.f32 v1, v54;
	v55 =	vadd.f32 $-1.000000000e+00, v41  }
0x11a: {  	v45 =	vld [tilespmem:s16+$0x2060];
	v52 =	vmul.f32 v61, v2;
	v0 =	vmul.f32 v0, v48;
	v58 =	vadd.f32 $-2.553149160e-01, v62  }
0x11b: {  	v3 =	vmul.f32 $6.931471820e-01, v3;
	v1 =	vadd.f32 $-4.999113080e-01, v1;
	v59 =	vmul.f32 $1.046272810e-01, v55  }
0x11c: {  	v61 =	vadd.f32 $3.336314860e-01, v52;
	v0 =	vadd.f32 $3.336314860e-01, v0;
	v49 =	vmul.f32 v58, v57  }
0x11d: {  	v14 =	vadd.f32 v14, v5;
	v1 =	vmul.f32 v1, v54;
	v52 =	vsub.f32 $2.024138720e-01, v59  }
0x11e: {  	v63 =	vmul.f32 v61, v2;
	v0 =	vmul.f32 v0, v48;
	v49 =	vadd.f32 $3.336314860e-01, v49  }
0x11f: {  	v14 =	vmul.f32 v45, v14;
	v1 =	vadd.f32 $9.999974960e-01, v1;
	v52 =	vmul.f32 v52, v55  }
0x120: {  	v41 =	vadd.f32 $-4.999113080e-01, v63;
	v0 =	vadd.f32 $-4.999113080e-01, v0;
	v49 =	vmul.f32 v49, v57  }
0x121: {  	v60 =	vmul.f32 $6.931471820e-01, v53;
	v1 =	vmul.f32 v1, v54;
	v52 =	vadd.f32 $-2.553149160e-01, v52  }
0x122: {  	v41 =	vmul.f32 v41, v2;
	v0 =	vmul.f32 v0, v48;
	v49 =	vadd.f32 $-4.999113080e-01, v49  }
0x123: {  	v15 =	vadd.f32 v47, v15;
	v1 =	vadd.f32 v1, v50;
	v52 =	vmul.f32 v52, v55  }
0x124: {  	v41 =	vadd.f32 $9.999974960e-01, v41;
	v0 =	vadd.f32 $9.999974960e-01, v0;
	v49 =	vmul.f32 v49, v57  }
0x125: {  	v47 =	vld [tilespmem:s16+$0x2400];
	v62 =	vshra.s32 v51, $0x17;
	v1 =	vadd.f32 v1, v16;
	v61 =	vadd.f32 $3.336314860e-01, v52  }
0x126: {  	v50 =	vcvt.s32.f32 v62;
	v0 =	vmul.f32 v0, v48;
	v49 =	vadd.f32 $9.999974960e-01, v49  }
0x127: {  	v1 =	vadd.f32 v1, v5;
	v2 =	vmul.f32 v41, v2;
	v48 =	vmul.f32 v61, v55  }
0x128: {  	v41 =	vpop (erf);
	v61 =	vadd.f32 v46, v6;
	v0 =	vadd.f32 v0, v3;
	v3 =	vmul.f32 v49, v57;
	v57 =	vld [tilespmem:s16+$0x2000]  }
0x129: {  	v15 =	vadd.f32 v15, v5;
	v59 =	vld [tilespmem:s16+$0x2010];
	v54 =	vmul.f32 $6.931471820e-01, v50;
	v20 =	vmul.f32 v41, v20  }
0x12a: {  	v1 =	vmul.f32 v47, v1;
	v2 =	vadd.f32 v2, v60;
	v6 =	vpop (erf);
	v44 =	vadd.f32 v61, v5  }
0x12b: {  	v60 =	vshra.s32 v56, $0x17;
	v8 =	vmul.f32 v6, v8;
	v51 =	vadd.s32 $0x400000, v20  }
0x12c: {  	v62 =	vcvt.s32.f32 v60;
	v2 =	vadd.f32 v2, v9;
	v63 =	vand.u32 $0xFF800000, v51  }
0x12d: {  	v27 =	vadd.s32 $0x400000, v8;
	v53 =	vsub.s32 $0x7F000000, v63;
	v26 =	vmul.f32 v57, v26  }
0x12e: {  	v38 =	vmul.f32 v59, v44;
	v52 =	vand.u32 $0xFF800000, v27;
	v20 =	vmul.f32 v53, v20;
	v44 =	vpop (erf)  }
0x12f: {  	v35 =	vsub.s32 $0x7F000000, v52;
	v7 =	vmul.f32 v44, v7;
	v26 =	vadd.f32 $0.0e+00, v26  }
0x130: {  	v6 =	vmul.f32 v31, v6;
	v3 =	vadd.f32 v3, v54;
	v54 =	vld [tilespmem:s16+$0x2020];
	v8 =	vmul.f32 v35, v8  }
0x131: {  	v20 =	vadd.f32 $-1.000000000e+00, v20;
	v26 =	vadd.f32 v38, v26;
	v38 =	vadd.s32 $0x400000, v7  }
0x132: {  	v48 =	vadd.f32 $-4.999113080e-01, v48;
	v2 =	vadd.f32 v2, v5;
	v56 =	vand.u32 $0xFF800000, v38  }
0x133: {  	v57 =	vld [tilespmem:s16+$0x2030];
	v8 =	vadd.f32 $-1.000000000e+00, v8;
	v63 =	vmul.f32 $1.046272810e-01, v20;
	v36 =	vsub.s32 $0x7F000000, v56  }
0x134: {  	v0 =	vadd.f32 v0, v12;
	v58 =	vmul.f32 v48, v55;
	v7 =	vmul.f32 v36, v7  }
0x135: {  	v59 =	vld [tilespmem:s16+$0x2040];
	v23 =	vmul.f32 v54, v23;
	v60 =	vmul.f32 $1.046272810e-01, v8;
	v48 =	vsub.f32 $2.024138720e-01, v63  }
0x136: {  	v46 =	vmul.f32 $6.931471820e-01, v62;
	v32 =	vadd.f32 $9.999974960e-01, v58;
	v7 =	vadd.f32 $-1.000000000e+00, v7  }
0x137: {  	v62 =	vld [tilespmem:s16+$0x2050];
	v48 =	vmul.f32 v48, v20;
	v23 =	vadd.f32 v23, v26;
	v26 =	vsub.f32 $2.024138720e-01, v60  }
0x138: {  	v52 =	vshra.s32 v51, $0x17;
	v17 =	vmul.f32 v57, v17;
	v61 =	vmul.f32 $1.046272810e-01, v7  }
0x139: {  	v50 =	vld [tilespmem:s16+$0x2410];
	v32 =	vmul.f32 v32, v55;
	v53 =	vadd.f32 $-2.553149160e-01, v48;
	v26 =	vmul.f32 v26, v8  }
0x13a: {  	v18 =	vmul.f32 v59, v18;
	v17 =	vadd.f32 v17, v23;
	v63 =	vsub.f32 $2.024138720e-01, v61  }
0x13b: {  	v32 =	vadd.f32 v32, v46;
	v46 =	vld [tilespmem:s16+$0x2070];
	v55 =	vmul.f32 v53, v20;
	v26 =	vadd.f32 $-2.553149160e-01, v26  }
0x13c: {  	v19 =	vmul.f32 v62, v19;
	v17 =	vadd.f32 v18, v17;
	v42 =	vmul.f32 v63, v7  }
0x13d: {  	v0 =	vadd.f32 v0, v5;
	v58 =	vadd.f32 $3.336314860e-01, v55;
	v26 =	vmul.f32 v26, v8  }
0x13e: {  	v2 =	vmul.f32 v50, v2;
	v17 =	vadd.f32 v19, v17;
	v18 =	vadd.f32 $-2.553149160e-01, v42  }
0x13f: {  	v3 =	vadd.f32 v3, v13;
	v36 =	vmul.f32 v58, v20;
	v48 =	vadd.f32 $3.336314860e-01, v26  }
0x140: {  	v15 =	vmul.f32 v46, v15;
	v14 =	vadd.f32 v14, v17;
	v18 =	vmul.f32 v18, v7  }
0x141: {  	v3 =	vadd.f32 v3, v5;
	v40 =	vadd.f32 $-4.999113080e-01, v36;
	v16 =	vmul.f32 v48, v8  }
0x142: {  	v9 =	vcvt.s32.f32 v52;
	v55 =	vld [tilespmem:s16+$0x2420];
	v14 =	vadd.f32 v15, v14;
	v18 =	vadd.f32 $3.336314860e-01, v18  }
0x143: {  	v57 =	vshra.s32 v27, $0x17;
	v43 =	vmul.f32 v40, v20;
	v16 =	vadd.f32 $-4.999113080e-01, v16  }
0x144: {  	v10 =	vadd.f32 v32, v10;
	v1 =	vadd.f32 v1, v14;
	v49 =	vmul.f32 v18, v7  }
0x145: {  	v12 =	vcvt.s32.f32 v57;
	v23 =	vadd.f32 $9.999974960e-01, v43;
	v53 =	vmul.f32 v16, v8  }
0x146: {  	v9 =	vmul.f32 $6.931471820e-01, v9;
	v1 =	vadd.f32 v2, v1;
	v2 =	vld [tilespmem:s16+$0x2430];
	v17 =	vadd.f32 $-4.999113080e-01, v49  }
0x147: {  	v60 =	vmul.f32 $6.931471820e-01, v12;
	v0 =	vmul.f32 v55, v0;
	v15 =	vadd.f32 $9.999974960e-01, v53  }
0x148: {  	v59 =	vld [tilespmem:s16+$0x2440];
	v58 =	vshra.s32 v38, $0x17;
	v20 =	vmul.f32 v23, v20;
	v54 =	vmul.f32 v17, v7  }
0x149: {  	v13 =	vcvt.s32.f32 v58;
	v0 =	vadd.f32 v0, v1;
	v8 =	vmul.f32 v15, v8  }
0x14a: {  	v1 =	vmul.f32 v11, v41;
	v9 =	vadd.f32 v20, v9;
	v56 =	vadd.f32 $9.999974960e-01, v54  }
0x14b: {  	v62 =	vld [tilespmem:s16+$0x2450];
	v2 =	vmul.f32 v2, v3;
	v3 =	vadd.f32 v10, v5;
	v8 =	vadd.f32 v8, v60  }
0x14c: {  	v61 =	vmul.f32 $6.931471820e-01, v13;
	v1 =	vadd.f32 v9, v1;
	v7 =	vmul.f32 v56, v7  }
0x14d: {  	v0 =	vadd.f32 v2, v0;
	v2 =	vmul.f32 v59, v3;
	v3 =	vld [tilespmem:s16+$0x2460];
	v6 =	vadd.f32 v8, v6  }
0x14e: {  	v63 =	vmul.f32 v44, v33;
	v1 =	vadd.f32 v1, v5;
	v7 =	vadd.f32 v7, v61  }
0x14f: {  	v0 =	vadd.f32 v2, v0;
	v2 =	vld [tilespmem:s16+$0x2470]  }
0x150: {  	v1 =	vmul.f32 v62, v1;
	v6 =	vadd.f32 v6, v5;
	v7 =	vadd.f32 v7, v63;
	_ =	sdelay $0x1  }
0x151: {  	v0 =	vadd.f32 v1, v0;
	v1 =	vmul.f32 v3, v6;
	v3 =	vadd.f32 v7, v5  }
0x152: {  	v5 =	vld [tilespmem:$0x1FFC0]  }
0x153: {  	v0 =	vadd.f32 v1, v0;
	v1 =	vmul.f32 v2, v3;
	_ =	sdelay $0x1  }
0x154: {  	p0 =	sne.s32 s15, $0xF00;
	v0 =	vadd.f32 v1, v0  }
.Ltmp0:
0x155: {  	_ = 	snop;
	(pc) =	sbr.rel @p0 .LBB2_2-.Ltmp0, $4  }
0x156: {  	v3 =	vld [tilespmem:$0x1FFE0];
	v5 =	vadd.f32 v0, v5  }
0x157: {  	v2 =	vld [tilespmem:$0x1FFD0]  }
0x158: {  	v1 =	vmov v4;
	v4 =	vld [tilespmem:$0x1FFF0];
	[tilespmem:$0x1FFC0] =	vst v5  }
0x159: {  	s14 =	sadd.s32 $0x80, s14;
	s15 =	sadd.s32 $0x100, s15;
	v0 =	vld [tilespmem:$0x1FFC0]  }
0x15a: {  	_ =	sdelay $0x3  }
0x15b: {  	s13 =	sadd.s32 $0x1, s13;
	v0 =	vmul.f32 $1.953125000e-03, v0  }
0x15c: {  	p0 =	sne.s32 s13, s7  }
.Ltmp1:
0x15d: {  	[tilespmem:$0x3300] =	vst v0;
	(pc) =	sbr.rel @p0 .LBB2_1-.Ltmp1, $4  }
0x15e: {  	[hbm4b:s6+s2] =	stream.linear.scatter [tilespmem:s11], [sflag:$0x2], $0x80, $0x38;
	[tilespmem:$0x3380] =	vst v63  }
0x15f: {  	_ =	swait.ge [sflag:s12], $0x80  }
0x160: {  	[sflag:s12] =	ssyncset.done $0x0  }
0x161: {  	[sflag:s12] =	ssyncadd.s32 $0xFFFFFF80  }
0x162: {  	_ =	sfence.sel $0x180000  }
0x163: {  	[bflag:$0x0] =	sbarrier.arrive $0xFFFF  }
0x164: {  	p0 =	sne.s32 s1, $0x0;
	_ =	strace $0x90000047  }
0x165: {  	s0 =	sadd.s32 @!p0 $0x100000, s0;
	[bflag:$0x2] =	sbarrier.arrive $0xFFFF  }
0x166: {  	[sflag:s0] =	ssyncadd.tile.s32 @!p0 $0x1;
	_ =	shalt  }
.Lfunc_end2:
_tile_overlayer_lowered:
.L_overlay_start_2:
0x167: {  	(tag) =	ssettag $0x2  }
0x168: {  	s0 =	rddreg [dreg:$0x0];
	s2 =	stileid.u32  }
0x169: {  	s1 =	rddreg [dreg:$0x1];
	p0 =	sne.s32 s2, $0x0  }
0x16a: {  	s3 =	rddreg [dreg:$0x2];
	[bflag:$0x3] =	sbarrier.arrive $0xFFFF;
	s2 =	simm.s32 @!p0 $0x1C02  }
0x16b: {  	[timem:s3], [sflag:s2] =	dma.local @!p0 [hbm:s0], s1  }
0x16c: {  	s0 =	simm.s32 @!p0 $0x2  }
0x16d: {  	_ =	swait.ge @!p0 [sflag:s0], s1  }
0x16e: {  	s1 =	ssub.s32 @!p0 $0x0, s1;
	[sflag:s0] =	ssyncset.done @!p0 $0x0  }
0x16f: {  	[sflag:s0] =	ssyncadd.s32 @!p0 s1  }
0x170: {  	[bflag:$0x3] =	sbarrier.arrive $0xFFFF  }
0x171: {  	_ =	shalt  }

</sc_bundles>
